<compile_context>
chip_gen: v7x
topology: tpu7x:2x2x1
jax: 0.10.2.dev20260603
libtpu: 0.0.44.dev20260713+nightly
codegen_flags: <defaults>
</compile_context>

<pallas_src>
import functools

import jax
import jax.numpy as jnp
import numpy as np
from jax import lax
from jax.experimental import pallas as pl
from jax.experimental.pallas import tpu as pltpu
from jax.experimental.pallas import tpu_sc as plsc

VSIZE = np.array([0.1, 0.1, 0.15], np.float32)
PMIN = np.array([-51.2, -51.2, -3.0], np.float32)
GRID = np.array([1024, 1024, 40], np.int32)
GRID_TOTAL = int(GRID[0]) * int(GRID[1]) * int(GRID[2])
MAX_VOXELS = 150000
MAX_PTS = 5
NFEAT = 4
BATCH = 2
N_PTS = 400000
PW = 8

NW = 32
VIDS = BATCH * MAX_VOXELS
VIDS_PAD = 307200
V_PER_W = VIDS_PAD // NW
N_OUTER = 5
V_CHUNK = V_PER_W // N_OUTER
R_CHUNK = V_CHUNK * MAX_PTS
G_IDX = 128
N_GRP = R_CHUNK // G_IDX
N_SUB = 5
SUB_GRP = N_GRP // N_SUB
SUB_R = R_CHUNK // N_SUB

N8 = 400384
ROWS_W = N8 // NW
SUB_A = 4
ROWS_S = ROWS_W // SUB_A
SRCW_S = ROWS_S * 5
SRCW_W = ROWS_W * 5
NFLAT = N8 * 5


@functools.partial(
    pl.kernel,
    out_type=jax.ShapeDtypeStruct((N8, PW), jnp.float32),
    mesh=plsc.VectorSubcoreMesh(core_axis_name="c", subcore_axis_name="s"),
    scratch_types=[
        pltpu.VMEM((SRCW_S,), jnp.float32),
        pltpu.VMEM((ROWS_S, PW), jnp.float32),
    ],
    compiler_params=pltpu.CompilerParams(use_tc_tiling_on_sc=False,
                                         needs_layout_passes=False),
)
def _sc_pad_rows(src_hbm, out_hbm, src_v, dst_v):
    wid = lax.axis_index("s") * 2 + lax.axis_index("c")
    lane = lax.iota(jnp.int32, 16)
    lane8 = lane & 7
    half = lane >> 3
    zf = jnp.zeros((16,), jnp.float32)

    def sub(s, _):
        sbase = pl.multiple_of(wid * SRCW_W + s * SRCW_S, 8)
        dbase = pl.multiple_of(wid * ROWS_W + s * ROWS_S, 8)
        pltpu.sync_copy(src_hbm.at[pl.ds(sbase, SRCW_S)], src_v)

        def cv(t, _):
            r = t * 2 + half
            si = jnp.minimum(r * 5 + lane8, SRCW_S - 1)
            val = plsc.load_gather(src_v, [si])
            val = jnp.where(lane8 < 5, val, zf)
            plsc.store_scatter(dst_v, [r, lane8], val)
            return 0

        lax.fori_loop(0, ROWS_S * PW // 16, cv, 0, unroll=4)
        pltpu.sync_copy(dst_v, out_hbm.at[pl.ds(dbase, ROWS_S)])
        return 0

    lax.fori_loop(0, SUB_A, sub, 0)


def _sc_body(pts_hbm, pidx_hbm, vlen_hbm, vkey_hbm,
             vox_hbm, vc_hbm, np_hbm,
             idx_v, pts_v, vox_v, vl_v, vk_v, vc_v, sem):
    wid = lax.axis_index("s") * 2 + lax.axis_index("c")
    lane = lax.iota(jnp.int32, 16)
    zero_f = jnp.zeros((16,), jnp.float32)
    zero_i = jnp.zeros((16,), jnp.int32)

    def outer(o, _):
        vbase = pl.multiple_of(wid * V_PER_W + o * V_CHUNK, 8)
        rbase4 = pl.multiple_of(vbase * (MAX_PTS * NFEAT), 8)
        ibase = pl.multiple_of((wid * N_OUTER + o) * R_CHUNK, 8)
        pltpu.sync_copy(pidx_hbm.at[pl.ds(ibase, R_CHUNK)], idx_v)
        pltpu.sync_copy(vlen_hbm.at[pl.ds(vbase, V_CHUNK)], vl_v)
        pltpu.sync_copy(vkey_hbm.at[pl.ds(vbase, V_CHUNK)], vk_v)

        def remap(q, _):
            sl = pl.ds(q * 16, 16)
            v = idx_v[sl]
            spread = q * 16 + lane
            idx_v[sl] = jnp.where(v > 0, v - 1, spread)
            return 0

        lax.fori_loop(0, R_CHUNK // 16, remap, 0, unroll=4)

        def sub(s, _):
            def f(i, _):
                g = s * SUB_GRP + i
                pltpu.async_copy(pts_hbm.at[idx_v.at[pl.ds(g * G_IDX, G_IDX)]],
                                 pts_v.at[pl.ds(i * G_IDX, G_IDX)], sem)
                return 0

            lax.fori_loop(0, SUB_GRP, f, 0)

            def d(i, _):
                g = s * SUB_GRP + i
                pltpu.make_async_copy(pts_hbm.at[idx_v.at[pl.ds(g * G_IDX, G_IDX)]],
                                      pts_v.at[pl.ds(i * G_IDX, G_IDX)],
                                      sem).wait()
                return 0

            lax.fori_loop(0, SUB_GRP, d, 0)

            def rows(t, _):
                for k in range(5):
                    rk = k * 16 + lane
                    voff = rk // 5
                    jk = rk - voff * 5
                    v = s * (SUB_R // 5) + t * 16 + voff
                    rloc = t * 80 + rk
                    rglob = s * SUB_R + rloc
                    cnt = plsc.load_gather(vl_v, [v])
                    m = jk < cnt
                    for c in range(NFEAT):
                        col = jnp.full((16,), c + 1, jnp.int32)
                        val = plsc.load_gather(pts_v, [rloc, col])
                        val = jnp.where(m, val, zero_f)
                        plsc.store_scatter(vox_v, [rglob * NFEAT + c], val)
                return 0

            lax.fori_loop(0, SUB_R // 80, rows, 0)
            return 0

        lax.fori_loop(0, N_SUB, sub, 0)

        def vcs(t, _):
            sl = pl.ds(t * 16, 16)
            key = vk_v[sl]
            occ = vl_v[sl] > 0
            pb = key // GRID_TOTAL
            lin = key - pb * GRID_TOTAL
            x = lin & 1023
            y = (lin >> 10) & 1023
            z = lin >> 20
            v = t * 16 + lane
            for c, valc in enumerate((pb, z, y, x)):
                plsc.store_scatter(vc_v, [v * 4 + c],
                                   jnp.where(occ, valc, zero_i))
            return 0

        lax.fori_loop(0, V_CHUNK // 16, vcs, 0)

        pltpu.sync_copy(vox_v, vox_hbm.at[pl.ds(rbase4, R_CHUNK * NFEAT)])
        pltpu.sync_copy(vc_v, vc_hbm.at[pl.ds(vbase * 4, V_CHUNK * 4)])
        pltpu.sync_copy(vl_v, np_hbm.at[pl.ds(vbase, V_CHUNK)])
        return 0

    lax.fori_loop(0, N_OUTER, outer, 0)


@functools.partial(
    pl.kernel,
    out_type=(
        jax.ShapeDtypeStruct((VIDS_PAD * MAX_PTS * NFEAT,), jnp.float32),
        jax.ShapeDtypeStruct((VIDS_PAD * 4,), jnp.int32),
        jax.ShapeDtypeStruct((VIDS_PAD,), jnp.int32),
    ),
    mesh=plsc.VectorSubcoreMesh(core_axis_name="c", subcore_axis_name="s"),
    scratch_types=[
        pltpu.VMEM((R_CHUNK,), jnp.int32),
        pltpu.VMEM((SUB_R, PW), jnp.float32),
        pltpu.VMEM((R_CHUNK * NFEAT,), jnp.float32),
        pltpu.VMEM((V_CHUNK,), jnp.int32),
        pltpu.VMEM((V_CHUNK,), jnp.int32),
        pltpu.VMEM((V_CHUNK * 4,), jnp.int32),
        pltpu.SemaphoreType.DMA,
    ],
    compiler_params=pltpu.CompilerParams(use_tc_tiling_on_sc=False,
                                         needs_layout_passes=False),
)
def _sc_materialize(pts_hbm, pidx_hbm, vlen_hbm, vkey_hbm,
                    vox_hbm, vc_hbm, np_hbm,
                    idx_v, pts_v, vox_v, vl_v, vk_v, vc_v, sem):
    _sc_body(pts_hbm, pidx_hbm, vlen_hbm, vkey_hbm,
             vox_hbm, vc_hbm, np_hbm,
             idx_v, pts_v, vox_v, vl_v, vk_v, vc_v, sem)


def kernel(points):
    n = points.shape[0]
    b = lax.stop_gradient(points[:, 0]).astype(jnp.int32)
    xyz = lax.stop_gradient(points[:, 1:4])
    coords = jnp.floor((xyz - PMIN) / VSIZE).astype(jnp.int32)
    in_range = jnp.all((coords >= 0) & (coords < GRID), axis=1)
    lin = (coords[:, 2] * (int(GRID[1]) * int(GRID[0]))
           + coords[:, 1] * int(GRID[0]) + coords[:, 0])
    sentinel = BATCH * GRID_TOTAL
    key = jnp.where(in_range, b * GRID_TOTAL + lin, sentinel)

    iota = jnp.arange(n, dtype=jnp.int32)
    skey, order = lax.sort((key, iota), num_keys=1, is_stable=True)

    is_new = jnp.concatenate([jnp.ones((1,), bool), skey[1:] != skey[:-1]])
    first = lax.cummax(jnp.where(is_new, iota, -1), axis=0)
    slot = iota - first
    seg = jnp.cumsum(is_new.astype(jnp.int32)) - 1
    nvox0 = jnp.sum((is_new & (skey < GRID_TOTAL)).astype(jnp.int32))
    pb = jnp.clip(skey // GRID_TOTAL, 0, BATCH).astype(jnp.int32)
    rank = seg - jnp.where(pb >= 1, nvox0, 0)
    valid = (skey < sentinel) & (slot < MAX_PTS) & (rank < MAX_VOXELS)
    vid = jnp.where(valid, pb * MAX_VOXELS + rank, VIDS_PAD)
    vstart = valid & (slot == 0)

    TRASH = VIDS_PAD * MAX_PTS
    pidx = jnp.zeros((TRASH + 1,), jnp.int32).at[
        jnp.where(valid, vid * MAX_PTS + slot, TRASH)].add(order + 1)
    pidx = pidx[:TRASH]
    vlen = jnp.zeros((VIDS_PAD + 1,), jnp.int32).at[vid].add(
        valid.astype(jnp.int32))[:VIDS_PAD]
    vkey = jnp.zeros((VIDS_PAD + 1,), jnp.int32).at[
        jnp.where(vstart, vid, VIDS_PAD)].add(skey)[:VIDS_PAD]

    pts_flat = jnp.concatenate(
        [points.reshape(-1), jnp.zeros((NFLAT - n * 5,), jnp.float32)])
    pts8 = _sc_pad_rows(pts_flat)
    vox_flat, vc_flat, np_pad = _sc_materialize(pts8, pidx, vlen, vkey)
    voxels = vox_flat[: VIDS * MAX_PTS * NFEAT].reshape(VIDS, MAX_PTS, NFEAT)
    vcoords = vc_flat[: VIDS * 4].reshape(VIDS, 4)
    return voxels, vcoords, np_pad[:VIDS]

# --- scband reference (transcript-rebuilt; emitter-appended) ---
"""Pipeline reference for scband-voxelizer-34583076667424 (READ-ONLY COPY).

The authoritative reference and input builder live on the scoring server;
editing this copy changes nothing except your own understanding.
"""

import jax, jax.numpy as jnp
import numpy as np

VSIZE = np.array([0.1, 0.1, 0.15], np.float32)
PMIN = np.array([-51.2, -51.2, -3.0], np.float32)
GRID = np.array([1024, 1024, 40], np.int32)  # round((range_max-range_min)/voxel_size)
GRID_TOTAL = int(GRID[0]) * int(GRID[1]) * int(GRID[2])
MAX_VOXELS = 150000
MAX_PTS = 5
NFEAT = 4
BATCH = 2


def _forward(points):
    b = jax.lax.stop_gradient(points[:, 0]).astype(jnp.int32)
    xyz = jax.lax.stop_gradient(points[:, 1:4])
    feats = points[:, 1:1 + NFEAT]
    coords = jnp.floor((xyz - PMIN) / VSIZE).astype(jnp.int32)
    in_range = jnp.all((coords >= 0) & (coords < GRID), axis=1)
    lin = coords[:, 2] * (int(GRID[1]) * int(GRID[0])) + coords[:, 1] * int(GRID[0]) + coords[:, 0]
    sentinel = BATCH * GRID_TOTAL
    key = jnp.where(in_range, b * GRID_TOTAL + lin, sentinel)
    order = jnp.argsort(key)  # stable sort preserves FIFO point order within a voxel
    skey = key[order]
    sfeats = feats[order]
    scoords = coords[order]
    N = skey.shape[0]
    first = jnp.searchsorted(skey, skey, side='left')
    slot = jnp.arange(N, dtype=jnp.int32) - first.astype(jnp.int32)
    is_new = jnp.concatenate([jnp.ones((1,), dtype=bool), skey[1:] != skey[:-1]])
    seg = jnp.cumsum(is_new.astype(jnp.int32)) - 1
    pb = jnp.clip(skey // GRID_TOTAL, 0, BATCH).astype(jnp.int32)
    base_idx = jnp.searchsorted(skey, pb * GRID_TOTAL, side='left')
    base_seg = seg[jnp.clip(base_idx, 0, N - 1)]
    rank = seg - base_seg  # per-batch voxel rank (insertion order by sorted zyx linear id)
    valid = (skey < sentinel) & (slot < MAX_PTS) & (rank < MAX_VOXELS)
    vid = jnp.where(valid, pb * MAX_VOXELS + rank, BATCH * MAX_VOXELS)
    pslot = jnp.where(valid, slot, 0)
    voxels = jnp.zeros((BATCH * MAX_VOXELS + 1, MAX_PTS, NFEAT), points.dtype)
    voxels = voxels.at[vid, pslot].set(jnp.where(valid[:, None], sfeats, 0.0))
    voxels = voxels[:BATCH * MAX_VOXELS]
    nump = jnp.zeros((BATCH * MAX_VOXELS + 1,), jnp.int32).at[vid].add(valid.astype(jnp.int32))[:BATCH * MAX_VOXELS]
    czyx = scoords[:, ::-1]  # spconv returns (z, y, x)
    cfull = jnp.concatenate([pb[:, None], czyx], axis=1).astype(jnp.int32)
    vcoords = jnp.zeros((BATCH * MAX_VOXELS + 1, 4), jnp.int32).at[vid].set(jnp.where(valid[:, None], cfull, 0))[:BATCH * MAX_VOXELS]
    return voxels, vcoords, nump


def setup_inputs(seed: int = 0) -> dict:
    key = jax.random.key(seed)
    k1, k2, k3 = jax.random.split(key, 3)
    N = 400000
    b = jax.random.randint(k1, (N,), 0, BATCH).astype(jnp.float32)
    lo = jnp.array([-54.0, -54.0, -3.5], jnp.float32)
    hi = jnp.array([54.0, 54.0, 3.5], jnp.float32)
    xyz = jax.random.uniform(k2, (N, 3), minval=0.0, maxval=1.0) * (hi - lo) + lo
    inten = jax.random.uniform(k3, (N, 1))
    points = jnp.concatenate([b[:, None], xyz, inten], axis=1).astype(jnp.float32)
    return {"points": points}


def reference(points):
    return _forward(points)

if __name__ == "__main__":
    import jax
    _d = setup_inputs()
    print(jax.jit(kernel)(*tuple(_d.values())))

</pallas_src>

<mosaic_0001>
#map = affine_map<(d0, d1) -> (0, 0)>
#map1 = affine_map<(d0, d1) -> (0)>
module attributes {stable_mosaic.version = 14 : i64} {
  func.func @_sc_materialize(%arg0: i32, %arg1: i32, %arg2: memref<400384x8xf32, #tpu.memory_space<hbm>>, %arg3: memref<1536000xi32, #tpu.memory_space<hbm>>, %arg4: memref<307200xi32, #tpu.memory_space<hbm>>, %arg5: memref<307200xi32, #tpu.memory_space<hbm>>, %arg6: memref<6144000xf32, #tpu.memory_space<hbm>>, %arg7: memref<1228800xi32, #tpu.memory_space<hbm>>, %arg8: memref<307200xi32, #tpu.memory_space<hbm>>, %arg9: memref<9600xi32, #tpu.memory_space<vmem>>, %arg10: memref<1920x8xf32, #tpu.memory_space<vmem>>, %arg11: memref<38400xf32, #tpu.memory_space<vmem>>, %arg12: memref<1920xi32, #tpu.memory_space<vmem>>, %arg13: memref<1920xi32, #tpu.memory_space<vmem>>, %arg14: memref<7680xi32, #tpu.memory_space<vmem>>, %arg15: memref<!tpu.dma_semaphore, #tpu.memory_space<semaphore_mem>>) attributes {dimension_semantics = [#tpu.dimension_semantics<core_parallel>, #tpu.dimension_semantics<subcore_parallel>], iteration_bounds = array<i64: 2, 16>, scalar_prefetch = 0 : i64, scratch_operands = 7 : i64, tpu.core_type = #tpu.core_type<sc_vector_subcore>, window_params = [{transform_indices = #map}, {transform_indices = #map1}, {transform_indices = #map1}, {transform_indices = #map1}, {transform_indices = #map1}, {transform_indices = #map1}, {transform_indices = #map1}]} {
    %mul3A = arith.constant 2 : i32
    %mul3A_0 = arith.muli %arg1, %mul3A : i32
    %add3A = arith.addi %mul3A_0, %arg0 : i32
    %iota3A = tpu.iota {dimensions = array<i32: 0>} : vector<16xi32>
    %broadcast_in_dim3A = arith.constant 0.000000e+00 : f32
    %broadcast_in_dim3A_1 = vector.broadcast %broadcast_in_dim3A : f32 to vector<16xf32>
    %broadcast_in_dim3A_2 = arith.constant 0 : i32
    %broadcast_in_dim3A_3 = vector.broadcast %broadcast_in_dim3A_2 : i32 to vector<16xi32>
    %scan3A = arith.constant 0 : i32
    %scan3A_4 = arith.constant 0 : i32
    %scan3A_5 = arith.constant 5 : i32
    %scan3A_6 = arith.addi %scan3A_4, %scan3A_5 : i32
    %scan3A_7 = arith.constant 1 : i32
    %scan3A_8 = scf.for %scan3A_10 = %scan3A_4 to %scan3A_6 step %scan3A_7 iter_args(%scan3A_11 = %scan3A) -> (i32)  : i32 {
      %mul3A_12 = arith.constant 9600 : i32
      %mul3A_13 = arith.muli %add3A, %mul3A_12 : i32
      %mul3A_14 = arith.constant 1920 : i32
      %mul3A_15 = arith.muli %scan3A_10, %mul3A_14 : i32
      %add3A_16 = arith.addi %mul3A_13, %mul3A_15 : i32
      %multiple_of3A = tpu.assume_multiple %add3A_16, 8 : i32
      %mul3A_17 = arith.constant 20 : i32
      %mul3A_18 = arith.muli %multiple_of3A, %mul3A_17 : i32
      %multiple_of3A_19 = tpu.assume_multiple %mul3A_18, 8 : i32
      %mul3A_20 = arith.constant 5 : i32
      %mul3A_21 = arith.muli %add3A, %mul3A_20 : i32
      %add3A_22 = arith.addi %mul3A_21, %scan3A_10 : i32
      %mul3A_23 = arith.constant 9600 : i32
      %mul3A_24 = arith.muli %add3A_22, %mul3A_23 : i32
      %multiple_of3A_25 = tpu.assume_multiple %mul3A_24, 8 : i32
      "tpu.region"() ({
        %run_scoped3A = tpu.sem_alloc : memref<!tpu.dma_semaphore, #tpu.memory_space<semaphore_mem>>
        %dma_start3A = tpu.memref_slice %arg3[%multiple_of3A_25] : memref<1536000xi32, #tpu.memory_space<hbm>> -> memref<9600xi32, #tpu.memory_space<hbm>>
        %dma_start3A_50 = tpu.memref_slice %arg3[%multiple_of3A_25] : memref<1536000xi32, #tpu.memory_space<hbm>> -> memref<9600xi32, #tpu.memory_space<hbm>>
        tpu.enqueue_dma source(%dma_start3A_50 : memref<9600xi32, #tpu.memory_space<hbm>>) target(%arg9 : memref<9600xi32, #tpu.memory_space<vmem>>) target_semaphore(%run_scoped3A : memref<!tpu.dma_semaphore, #tpu.memory_space<semaphore_mem>>)
        %dma_wait3A = tpu.memref_slice %arg3[%multiple_of3A_25] : memref<1536000xi32, #tpu.memory_space<hbm>> -> memref<9600xi32, #tpu.memory_space<hbm>>
        %dma_wait3A_51 = tpu.memref_slice %arg3[%multiple_of3A_25] : memref<1536000xi32, #tpu.memory_space<hbm>> -> memref<9600xi32, #tpu.memory_space<hbm>>
        tpu.wait_dma2 semaphore(%run_scoped3A : memref<!tpu.dma_semaphore, #tpu.memory_space<semaphore_mem>>) src(%dma_wait3A_51 : memref<9600xi32, #tpu.memory_space<hbm>>) dst(%arg9 : memref<9600xi32, #tpu.memory_space<vmem>>)
        tpu.yield
      }) : () -> ()
      "tpu.region"() ({
        %run_scoped3A = tpu.sem_alloc : memref<!tpu.dma_semaphore, #tpu.memory_space<semaphore_mem>>
        %dma_start3A = tpu.memref_slice %arg4[%multiple_of3A] : memref<307200xi32, #tpu.memory_space<hbm>> -> memref<1920xi32, #tpu.memory_space<hbm>>
        %dma_start3A_50 = tpu.memref_slice %arg4[%multiple_of3A] : memref<307200xi32, #tpu.memory_space<hbm>> -> memref<1920xi32, #tpu.memory_space<hbm>>
        tpu.enqueue_dma source(%dma_start3A_50 : memref<1920xi32, #tpu.memory_space<hbm>>) target(%arg12 : memref<1920xi32, #tpu.memory_space<vmem>>) target_semaphore(%run_scoped3A : memref<!tpu.dma_semaphore, #tpu.memory_space<semaphore_mem>>)
        %dma_wait3A = tpu.memref_slice %arg4[%multiple_of3A] : memref<307200xi32, #tpu.memory_space<hbm>> -> memref<1920xi32, #tpu.memory_space<hbm>>
        %dma_wait3A_51 = tpu.memref_slice %arg4[%multiple_of3A] : memref<307200xi32, #tpu.memory_space<hbm>> -> memref<1920xi32, #tpu.memory_space<hbm>>
        tpu.wait_dma2 semaphore(%run_scoped3A : memref<!tpu.dma_semaphore, #tpu.memory_space<semaphore_mem>>) src(%dma_wait3A_51 : memref<1920xi32, #tpu.memory_space<hbm>>) dst(%arg12 : memref<1920xi32, #tpu.memory_space<vmem>>)
        tpu.yield
      }) : () -> ()
      "tpu.region"() ({
        %run_scoped3A = tpu.sem_alloc : memref<!tpu.dma_semaphore, #tpu.memory_space<semaphore_mem>>
        %dma_start3A = tpu.memref_slice %arg5[%multiple_of3A] : memref<307200xi32, #tpu.memory_space<hbm>> -> memref<1920xi32, #tpu.memory_space<hbm>>
        %dma_start3A_50 = tpu.memref_slice %arg5[%multiple_of3A] : memref<307200xi32, #tpu.memory_space<hbm>> -> memref<1920xi32, #tpu.memory_space<hbm>>
        tpu.enqueue_dma source(%dma_start3A_50 : memref<1920xi32, #tpu.memory_space<hbm>>) target(%arg13 : memref<1920xi32, #tpu.memory_space<vmem>>) target_semaphore(%run_scoped3A : memref<!tpu.dma_semaphore, #tpu.memory_space<semaphore_mem>>)
        %dma_wait3A = tpu.memref_slice %arg5[%multiple_of3A] : memref<307200xi32, #tpu.memory_space<hbm>> -> memref<1920xi32, #tpu.memory_space<hbm>>
        %dma_wait3A_51 = tpu.memref_slice %arg5[%multiple_of3A] : memref<307200xi32, #tpu.memory_space<hbm>> -> memref<1920xi32, #tpu.memory_space<hbm>>
        tpu.wait_dma2 semaphore(%run_scoped3A : memref<!tpu.dma_semaphore, #tpu.memory_space<semaphore_mem>>) src(%dma_wait3A_51 : memref<1920xi32, #tpu.memory_space<hbm>>) dst(%arg13 : memref<1920xi32, #tpu.memory_space<vmem>>)
        tpu.yield
      }) : () -> ()
      %scan3A_26 = arith.constant 0 : i32
      %scan3A_27 = arith.constant 0 : i32
      %scan3A_28 = arith.constant 600 : i32
      %scan3A_29 = arith.addi %scan3A_27, %scan3A_28 : i32
      %scan3A_30 = arith.constant 4 : i32
      %scan3A_31 = scf.for %scan3A_50 = %scan3A_27 to %scan3A_29 step %scan3A_30 iter_args(%scan3A_51 = %scan3A_26) -> (i32)  : i32 {
        %mul3A_52 = arith.constant 16 : i32
        %mul3A_53 = arith.muli %scan3A_50, %mul3A_52 : i32
        %get3A = arith.index_cast %mul3A_53 : i32 to index
        %get3A_54 = tpu.vector_load %arg9[%get3A] {strides = array<i32>} : memref<9600xi32, #tpu.memory_space<vmem>>, vector<16xi32>,
        %mul3A_55 = arith.constant 16 : i32
        %mul3A_56 = arith.muli %scan3A_50, %mul3A_55 : i32
        %add3A_57 = vector.broadcast %mul3A_56 : i32 to vector<16xi32>
        %add3A_58 = arith.addi %add3A_57, %iota3A : vector<16xi32>
        %gt3A = arith.constant 0 : i32
        %gt3A_59 = vector.broadcast %gt3A : i32 to vector<16xi32>
        %gt3A_60 = arith.cmpi sgt, %get3A_54, %gt3A_59 : vector<16xi32>
        %sub3A = arith.constant 1 : i32
        %sub3A_61 = vector.broadcast %sub3A : i32 to vector<16xi32>
        %sub3A_62 = arith.subi %get3A_54, %sub3A_61 : vector<16xi32>
        %select_n3A = arith.select %gt3A_60, %sub3A_62, %add3A_58 : vector<16xi1>, vector<16xi32>
        %swap3A = arith.index_cast %mul3A_53 : i32 to index
        %swap3A_63 = tpu.vector_load %arg9[%swap3A] {strides = array<i32>} : memref<9600xi32, #tpu.memory_space<vmem>>, vector<16xi32>,
        tpu.vector_store %arg9[%swap3A], %select_n3A {strides = array<i32>} : memref<9600xi32, #tpu.memory_space<vmem>>, vector<16xi32>,
        %scan3A_64 = arith.constant 0 : i32
        %scan3A_65 = arith.constant 1 : i32
        %scan3A_66 = arith.addi %scan3A_50, %scan3A_65 : i32
        %mul3A_67 = arith.constant 16 : i32
        %mul3A_68 = arith.muli %scan3A_66, %mul3A_67 : i32
        %get3A_69 = arith.index_cast %mul3A_68 : i32 to index
        %get3A_70 = tpu.vector_load %arg9[%get3A_69] {strides = array<i32>} : memref<9600xi32, #tpu.memory_space<vmem>>, vector<16xi32>,
        %mul3A_71 = arith.constant 16 : i32
        %mul3A_72 = arith.muli %scan3A_66, %mul3A_71 : i32
        %add3A_73 = vector.broadcast %mul3A_72 : i32 to vector<16xi32>
        %add3A_74 = arith.addi %add3A_73, %iota3A : vector<16xi32>
        %gt3A_75 = arith.constant 0 : i32
        %gt3A_76 = vector.broadcast %gt3A_75 : i32 to vector<16xi32>
        %gt3A_77 = arith.cmpi sgt, %get3A_70, %gt3A_76 : vector<16xi32>
        %sub3A_78 = arith.constant 1 : i32
        %sub3A_79 = vector.broadcast %sub3A_78 : i32 to vector<16xi32>
        %sub3A_80 = arith.subi %get3A_70, %sub3A_79 : vector<16xi32>
        %select_n3A_81 = arith.select %gt3A_77, %sub3A_80, %add3A_74 : vector<16xi1>, vector<16xi32>
        %swap3A_82 = arith.index_cast %mul3A_68 : i32 to index
        %swap3A_83 = tpu.vector_load %arg9[%swap3A_82] {strides = array<i32>} : memref<9600xi32, #tpu.memory_space<vmem>>, vector<16xi32>,
        tpu.vector_store %arg9[%swap3A_82], %select_n3A_81 {strides = array<i32>} : memref<9600xi32, #tpu.memory_space<vmem>>, vector<16xi32>,
        %scan3A_84 = arith.constant 0 : i32
        %scan3A_85 = arith.constant 2 : i32
        %scan3A_86 = arith.addi %scan3A_50, %scan3A_85 : i32
        %mul3A_87 = arith.constant 16 : i32
        %mul3A_88 = arith.muli %scan3A_86, %mul3A_87 : i32
        %get3A_89 = arith.index_cast %mul3A_88 : i32 to index
        %get3A_90 = tpu.vector_load %arg9[%get3A_89] {strides = array<i32>} : memref<9600xi32, #tpu.memory_space<vmem>>, vector<16xi32>,
        %mul3A_91 = arith.constant 16 : i32
        %mul3A_92 = arith.muli %scan3A_86, %mul3A_91 : i32
        %add3A_93 = vector.broadcast %mul3A_92 : i32 to vector<16xi32>
        %add3A_94 = arith.addi %add3A_93, %iota3A : vector<16xi32>
        %gt3A_95 = arith.constant 0 : i32
        %gt3A_96 = vector.broadcast %gt3A_95 : i32 to vector<16xi32>
        %gt3A_97 = arith.cmpi sgt, %get3A_90, %gt3A_96 : vector<16xi32>
        %sub3A_98 = arith.constant 1 : i32
        %sub3A_99 = vector.broadcast %sub3A_98 : i32 to vector<16xi32>
        %sub3A_100 = arith.subi %get3A_90, %sub3A_99 : vector<16xi32>
        %select_n3A_101 = arith.select %gt3A_97, %sub3A_100, %add3A_94 : vector<16xi1>, vector<16xi32>
        %swap3A_102 = arith.index_cast %mul3A_88 : i32 to index
        %swap3A_103 = tpu.vector_load %arg9[%swap3A_102] {strides = array<i32>} : memref<9600xi32, #tpu.memory_space<vmem>>, vector<16xi32>,
        tpu.vector_store %arg9[%swap3A_102], %select_n3A_101 {strides = array<i32>} : memref<9600xi32, #tpu.memory_space<vmem>>, vector<16xi32>,
        %scan3A_104 = arith.constant 0 : i32
        %scan3A_105 = arith.constant 3 : i32
        %scan3A_106 = arith.addi %scan3A_50, %scan3A_105 : i32
        %mul3A_107 = arith.constant 16 : i32
        %mul3A_108 = arith.muli %scan3A_106, %mul3A_107 : i32
        %get3A_109 = arith.index_cast %mul3A_108 : i32 to index
        %get3A_110 = tpu.vector_load %arg9[%get3A_109] {strides = array<i32>} : memref<9600xi32, #tpu.memory_space<vmem>>, vector<16xi32>,
        %mul3A_111 = arith.constant 16 : i32
        %mul3A_112 = arith.muli %scan3A_106, %mul3A_111 : i32
        %add3A_113 = vector.broadcast %mul3A_112 : i32 to vector<16xi32>
        %add3A_114 = arith.addi %add3A_113, %iota3A : vector<16xi32>
        %gt3A_115 = arith.constant 0 : i32
        %gt3A_116 = vector.broadcast %gt3A_115 : i32 to vector<16xi32>
        %gt3A_117 = arith.cmpi sgt, %get3A_110, %gt3A_116 : vector<16xi32>
        %sub3A_118 = arith.constant 1 : i32
        %sub3A_119 = vector.broadcast %sub3A_118 : i32 to vector<16xi32>
        %sub3A_120 = arith.subi %get3A_110, %sub3A_119 : vector<16xi32>
        %select_n3A_121 = arith.select %gt3A_117, %sub3A_120, %add3A_114 : vector<16xi1>, vector<16xi32>
        %swap3A_122 = arith.index_cast %mul3A_108 : i32 to index
        %swap3A_123 = tpu.vector_load %arg9[%swap3A_122] {strides = array<i32>} : memref<9600xi32, #tpu.memory_space<vmem>>, vector<16xi32>,
        tpu.vector_store %arg9[%swap3A_122], %select_n3A_121 {strides = array<i32>} : memref<9600xi32, #tpu.memory_space<vmem>>, vector<16xi32>,
        %scan3A_124 = arith.constant 0 : i32
        scf.yield %scan3A_124 : i32
      }
      %scan3A_32 = arith.constant 600 : i32
      %scan3A_33 = arith.constant 0 : i32
      %scan3A_34 = arith.constant 0 : i32
      %scan3A_35 = arith.constant 5 : i32
      %scan3A_36 = arith.addi %scan3A_34, %scan3A_35 : i32
      %scan3A_37 = arith.constant 1 : i32
      %scan3A_38 = scf.for %scan3A_50 = %scan3A_34 to %scan3A_36 step %scan3A_37 iter_args(%scan3A_51 = %scan3A_33) -> (i32)  : i32 {
        %scan3A_52 = arith.constant 0 : i32
        %scan3A_53 = arith.constant 0 : i32
        %scan3A_54 = arith.constant 15 : i32
        %scan3A_55 = arith.addi %scan3A_53, %scan3A_54 : i32
        %scan3A_56 = arith.constant 1 : i32
        %scan3A_57 = scf.for %scan3A_74 = %scan3A_53 to %scan3A_55 step %scan3A_56 iter_args(%scan3A_75 = %scan3A_52) -> (i32)  : i32 {
          %mul3A_76 = arith.constant 15 : i32
          %mul3A_77 = arith.muli %scan3A_50, %mul3A_76 : i32
          %add3A_78 = arith.addi %mul3A_77, %scan3A_74 : i32
          %mul3A_79 = arith.constant 128 : i32
          %mul3A_80 = arith.muli %add3A_78, %mul3A_79 : i32
          %mul3A_81 = arith.constant 128 : i32
          %mul3A_82 = arith.muli %scan3A_74, %mul3A_81 : i32
          %dma_start3A = arith.constant 0 : i32
          %dma_start3A_83 = tpu.memref_slice %arg10[%mul3A_82, %dma_start3A] : memref<1920x8xf32, #tpu.memory_space<vmem>> -> memref<128x8xf32, #tpu.memory_space<vmem>>
          %dma_start3A_84 = tpu.memref_slice %arg9[%mul3A_80] : memref<9600xi32, #tpu.memory_space<vmem>> -> memref<128xi32, #tpu.memory_space<vmem>>
          %dma_start3A_85 = arith.constant 0 : i32
          %dma_start3A_86 = arith.constant 0 : i32
          %dma_start3A_87 = tpu.memref_slice %arg2[%dma_start3A_85, %dma_start3A_86] : memref<400384x8xf32, #tpu.memory_space<hbm>> -> memref<400384x8xf32, #tpu.memory_space<hbm>>
          tpu.enqueue_indirect_dma source(%dma_start3A_87 : memref<400384x8xf32, #tpu.memory_space<hbm>>) target(%dma_start3A_83 : memref<128x8xf32, #tpu.memory_space<vmem>>) offsets(%dma_start3A_84 : memref<128xi32, #tpu.memory_space<vmem>>) semaphore(%arg15 : memref<!tpu.dma_semaphore, #tpu.memory_space<semaphore_mem>>)
          %scan3A_88 = arith.constant 0 : i32
          scf.yield %scan3A_88 : i32
        }
        %scan3A_58 = arith.constant 15 : i32
        %scan3A_59 = arith.constant 0 : i32
        %scan3A_60 = arith.constant 0 : i32
        %scan3A_61 = arith.constant 15 : i32
        %scan3A_62 = arith.addi %scan3A_60, %scan3A_61 : i32
        %scan3A_63 = arith.constant 1 : i32
        %scan3A_64 = scf.for %scan3A_74 = %scan3A_60 to %scan3A_62 step %scan3A_63 iter_args(%scan3A_75 = %scan3A_59) -> (i32)  : i32 {
          %mul3A_76 = arith.constant 15 : i32
          %mul3A_77 = arith.muli %scan3A_50, %mul3A_76 : i32
          %add3A_78 = arith.addi %mul3A_77, %scan3A_74 : i32
          %mul3A_79 = arith.constant 128 : i32
          %mul3A_80 = arith.muli %add3A_78, %mul3A_79 : i32
          %mul3A_81 = arith.constant 128 : i32
          %mul3A_82 = arith.muli %scan3A_74, %mul3A_81 : i32
          %dma_wait3A = arith.constant 0 : i32
          %dma_wait3A_83 = tpu.memref_slice %arg10[%mul3A_82, %dma_wait3A] : memref<1920x8xf32, #tpu.memory_space<vmem>> -> memref<128x8xf32, #tpu.memory_space<vmem>>
          %dma_wait3A_84 = tpu.memref_slice %arg9[%mul3A_80] : memref<9600xi32, #tpu.memory_space<vmem>> -> memref<128xi32, #tpu.memory_space<vmem>>
          %dma_wait3A_85 = arith.constant 0 : i32
          %dma_wait3A_86 = arith.constant 0 : i32
          %dma_wait3A_87 = tpu.memref_slice %arg2[%dma_wait3A_85, %dma_wait3A_86] : memref<400384x8xf32, #tpu.memory_space<hbm>> -> memref<400384x8xf32, #tpu.memory_space<hbm>>
          tpu.wait_indirect_dma semaphore(%arg15 : memref<!tpu.dma_semaphore, #tpu.memory_space<semaphore_mem>>) src(%dma_wait3A_87 : memref<400384x8xf32, #tpu.memory_space<hbm>>) dst(%dma_wait3A_83 : memref<128x8xf32, #tpu.memory_space<vmem>>)
          %scan3A_88 = arith.constant 0 : i32
          scf.yield %scan3A_88 : i32
        }
        %scan3A_65 = arith.constant 15 : i32
        %scan3A_66 = arith.constant 0 : i32
        %scan3A_67 = arith.constant 0 : i32
        %scan3A_68 = arith.constant 24 : i32
        %scan3A_69 = arith.addi %scan3A_67, %scan3A_68 : i32
        %scan3A_70 = arith.constant 1 : i32
        %scan3A_71 = scf.for %scan3A_74 = %scan3A_67 to %scan3A_69 step %scan3A_70 iter_args(%scan3A_75 = %scan3A_66) -> (i32)  : i32 {
          %add3A_76 = arith.constant 0 : i32
          %add3A_77 = vector.broadcast %add3A_76 : i32 to vector<16xi32>
          %add3A_78 = arith.addi %add3A_77, %iota3A : vector<16xi32>
          %jit3A = arith.constant 5 : i32
          %div3A = vector.broadcast %jit3A : i32 to vector<16xi32>
          %div3A_79 = arith.divsi %add3A_78, %div3A : vector<16xi32>
          %sign3A = arith.constant 0 : i32
          %sign3A_80 = vector.broadcast %sign3A : i32 to vector<16xi32>
          %sign3A_81 = arith.cmpi sgt, %add3A_78, %sign3A_80 : vector<16xi32>
          %sign3A_82 = arith.extui %sign3A_81 : vector<16xi1> to vector<16xi32>
          %sign3A_83 = arith.constant 0 : i32
          %sign3A_84 = vector.broadcast %sign3A_83 : i32 to vector<16xi32>
          %sign3A_85 = arith.cmpi slt, %add3A_78, %sign3A_84 : vector<16xi32>
          %sign3A_86 = arith.extui %sign3A_85 : vector<16xi1> to vector<16xi32>
          %sign3A_87 = arith.subi %sign3A_82, %sign3A_86 : vector<16xi32>
          %sign3A_88 = arith.constant 0 : i32
          %sign3A_89 = arith.cmpi sgt, %jit3A, %sign3A_88 : i32
          %sign3A_90 = arith.extui %sign3A_89 : i1 to i32
          %sign3A_91 = arith.constant 0 : i32
          %sign3A_92 = arith.cmpi slt, %jit3A, %sign3A_91 : i32
          %sign3A_93 = arith.extui %sign3A_92 : i1 to i32
          %sign3A_94 = arith.subi %sign3A_90, %sign3A_93 : i32
          %ne3A = vector.broadcast %sign3A_94 : i32 to vector<16xi32>
          %ne3A_95 = arith.cmpi ne, %sign3A_87, %ne3A : vector<16xi32>
          %rem3A = vector.broadcast %jit3A : i32 to vector<16xi32>
          %rem3A_96 = arith.remsi %add3A_78, %rem3A : vector<16xi32>
          %ne3A_97 = arith.constant 0 : i32
          %ne3A_98 = vector.broadcast %ne3A_97 : i32 to vector<16xi32>
          %ne3A_99 = arith.cmpi ne, %rem3A_96, %ne3A_98 : vector<16xi32>
          %and3A = arith.andi %ne3A_95, %ne3A_99 : vector<16xi1>
          %sub3A = arith.constant 1 : i32
          %sub3A_100 = vector.broadcast %sub3A : i32 to vector<16xi32>
          %sub3A_101 = arith.subi %div3A_79, %sub3A_100 : vector<16xi32>
          %select_n3A = arith.select %and3A, %sub3A_101, %div3A_79 : vector<16xi1>, vector<16xi32>
          %mul3A_102 = arith.constant 5 : i32
          %mul3A_103 = vector.broadcast %mul3A_102 : i32 to vector<16xi32>
          %mul3A_104 = arith.muli %select_n3A, %mul3A_103 : vector<16xi32>
          %sub3A_105 = arith.subi %add3A_78, %mul3A_104 : vector<16xi32>
          %mul3A_106 = arith.constant 384 : i32
          %mul3A_107 = arith.muli %scan3A_50, %mul3A_106 : i32
          %mul3A_108 = arith.constant 16 : i32
          %mul3A_109 = arith.muli %scan3A_74, %mul3A_108 : i32
          %add3A_110 = arith.addi %mul3A_107, %mul3A_109 : i32
          %add3A_111 = vector.broadcast %add3A_110 : i32 to vector<16xi32>
          %add3A_112 = arith.addi %add3A_111, %select_n3A : vector<16xi32>
          %mul3A_113 = arith.constant 80 : i32
          %mul3A_114 = arith.muli %scan3A_74, %mul3A_113 : i32
          %add3A_115 = vector.broadcast %mul3A_114 : i32 to vector<16xi32>
          %add3A_116 = arith.addi %add3A_115, %add3A_78 : vector<16xi32>
          %mul3A_117 = arith.constant 1920 : i32
          %mul3A_118 = arith.muli %scan3A_50, %mul3A_117 : i32
          %add3A_119 = vector.broadcast %mul3A_118 : i32 to vector<16xi32>
          %add3A_120 = arith.addi %add3A_119, %add3A_116 : vector<16xi32>
          %gather3A = tpu.vector_load_idx %arg12[%add3A_112] : memref<1920xi32, #tpu.memory_space<vmem>>[vector<16xi32>], vector<16xi32>,
          %lt3A = arith.cmpi slt, %sub3A_105, %gather3A : vector<16xi32>
          %broadcast_in_dim3A_121 = arith.constant 1 : i32
          %broadcast_in_dim3A_122 = vector.broadcast %broadcast_in_dim3A_121 : i32 to vector<16xi32>
          %gather3A_123 = tpu.vector_load_idx %arg10[%add3A_116, %broadcast_in_dim3A_122] : memref<1920x8xf32, #tpu.memory_space<vmem>>[vector<16xi32>, vector<16xi32>], vector<16xf32>,
          %select_n3A_124 = arith.select %lt3A, %gather3A_123, %broadcast_in_dim3A_1 : vector<16xi1>, vector<16xf32>
          %mul3A_125 = arith.constant 4 : i32
          %mul3A_126 = vector.broadcast %mul3A_125 : i32 to vector<16xi32>
          %mul3A_127 = arith.muli %add3A_120, %mul3A_126 : vector<16xi32>
          %add3A_128 = arith.constant 0 : i32
          %add3A_129 = vector.broadcast %add3A_128 : i32 to vector<16xi32>
          %add3A_130 = arith.addi %mul3A_127, %add3A_129 : vector<16xi32>
          tpu.vector_store_idx %arg11[%add3A_130], %select_n3A_124 : memref<38400xf32, #tpu.memory_space<vmem>>[vector<16xi32>], vector<16xf32>,
          %broadcast_in_dim3A_131 = arith.constant 2 : i32
          %broadcast_in_dim3A_132 = vector.broadcast %broadcast_in_dim3A_131 : i32 to vector<16xi32>
          %gather3A_133 = tpu.vector_load_idx %arg10[%add3A_116, %broadcast_in_dim3A_132] : memref<1920x8xf32, #tpu.memory_space<vmem>>[vector<16xi32>, vector<16xi32>], vector<16xf32>,
          %select_n3A_134 = arith.select %lt3A, %gather3A_133, %broadcast_in_dim3A_1 : vector<16xi1>, vector<16xf32>
          %mul3A_135 = arith.constant 4 : i32
          %mul3A_136 = vector.broadcast %mul3A_135 : i32 to vector<16xi32>
          %mul3A_137 = arith.muli %add3A_120, %mul3A_136 : vector<16xi32>
          %add3A_138 = arith.constant 1 : i32
          %add3A_139 = vector.broadcast %add3A_138 : i32 to vector<16xi32>
          %add3A_140 = arith.addi %mul3A_137, %add3A_139 : vector<16xi32>
          tpu.vector_store_idx %arg11[%add3A_140], %select_n3A_134 : memref<38400xf32, #tpu.memory_space<vmem>>[vector<16xi32>], vector<16xf32>,
          %broadcast_in_dim3A_141 = arith.constant 3 : i32
          %broadcast_in_dim3A_142 = vector.broadcast %broadcast_in_dim3A_141 : i32 to vector<16xi32>
          %gather3A_143 = tpu.vector_load_idx %arg10[%add3A_116, %broadcast_in_dim3A_142] : memref<1920x8xf32, #tpu.memory_space<vmem>>[vector<16xi32>, vector<16xi32>], vector<16xf32>,
          %select_n3A_144 = arith.select %lt3A, %gather3A_143, %broadcast_in_dim3A_1 : vector<16xi1>, vector<16xf32>
          %mul3A_145 = arith.constant 4 : i32
          %mul3A_146 = vector.broadcast %mul3A_145 : i32 to vector<16xi32>
          %mul3A_147 = arith.muli %add3A_120, %mul3A_146 : vector<16xi32>
          %add3A_148 = arith.constant 2 : i32
          %add3A_149 = vector.broadcast %add3A_148 : i32 to vector<16xi32>
          %add3A_150 = arith.addi %mul3A_147, %add3A_149 : vector<16xi32>
          tpu.vector_store_idx %arg11[%add3A_150], %select_n3A_144 : memref<38400xf32, #tpu.memory_space<vmem>>[vector<16xi32>], vector<16xf32>,
          %broadcast_in_dim3A_151 = arith.constant 4 : i32
          %broadcast_in_dim3A_152 = vector.broadcast %broadcast_in_dim3A_151 : i32 to vector<16xi32>
          %gather3A_153 = tpu.vector_load_idx %arg10[%add3A_116, %broadcast_in_dim3A_152] : memref<1920x8xf32, #tpu.memory_space<vmem>>[vector<16xi32>, vector<16xi32>], vector<16xf32>,
          %select_n3A_154 = arith.select %lt3A, %gather3A_153, %broadcast_in_dim3A_1 : vector<16xi1>, vector<16xf32>
          %mul3A_155 = arith.constant 4 : i32
          %mul3A_156 = vector.broadcast %mul3A_155 : i32 to vector<16xi32>
          %mul3A_157 = arith.muli %add3A_120, %mul3A_156 : vector<16xi32>
          %add3A_158 = arith.constant 3 : i32
          %add3A_159 = vector.broadcast %add3A_158 : i32 to vector<16xi32>
          %add3A_160 = arith.addi %mul3A_157, %add3A_159 : vector<16xi32>
          tpu.vector_store_idx %arg11[%add3A_160], %select_n3A_154 : memref<38400xf32, #tpu.memory_space<vmem>>[vector<16xi32>], vector<16xf32>,
          %add3A_161 = arith.constant 16 : i32
          %add3A_162 = vector.broadcast %add3A_161 : i32 to vector<16xi32>
          %add3A_163 = arith.addi %add3A_162, %iota3A : vector<16xi32>
          %jit3A_164 = arith.constant 5 : i32
          %div3A_165 = vector.broadcast %jit3A_164 : i32 to vector<16xi32>
          %div3A_166 = arith.divsi %add3A_163, %div3A_165 : vector<16xi32>
          %sign3A_167 = arith.constant 0 : i32
          %sign3A_168 = vector.broadcast %sign3A_167 : i32 to vector<16xi32>
          %sign3A_169 = arith.cmpi sgt, %add3A_163, %sign3A_168 : vector<16xi32>
          %sign3A_170 = arith.extui %sign3A_169 : vector<16xi1> to vector<16xi32>
          %sign3A_171 = arith.constant 0 : i32
          %sign3A_172 = vector.broadcast %sign3A_171 : i32 to vector<16xi32>
          %sign3A_173 = arith.cmpi slt, %add3A_163, %sign3A_172 : vector<16xi32>
          %sign3A_174 = arith.extui %sign3A_173 : vector<16xi1> to vector<16xi32>
          %sign3A_175 = arith.subi %sign3A_170, %sign3A_174 : vector<16xi32>
          %sign3A_176 = arith.constant 0 : i32
          %sign3A_177 = arith.cmpi sgt, %jit3A_164, %sign3A_176 : i32
          %sign3A_178 = arith.extui %sign3A_177 : i1 to i32
          %sign3A_179 = arith.constant 0 : i32
          %sign3A_180 = arith.cmpi slt, %jit3A_164, %sign3A_179 : i32
          %sign3A_181 = arith.extui %sign3A_180 : i1 to i32
          %sign3A_182 = arith.subi %sign3A_178, %sign3A_181 : i32
          %ne3A_183 = vector.broadcast %sign3A_182 : i32 to vector<16xi32>
          %ne3A_184 = arith.cmpi ne, %sign3A_175, %ne3A_183 : vector<16xi32>
          %rem3A_185 = vector.broadcast %jit3A_164 : i32 to vector<16xi32>
          %rem3A_186 = arith.remsi %add3A_163, %rem3A_185 : vector<16xi32>
          %ne3A_187 = arith.constant 0 : i32
          %ne3A_188 = vector.broadcast %ne3A_187 : i32 to vector<16xi32>
          %ne3A_189 = arith.cmpi ne, %rem3A_186, %ne3A_188 : vector<16xi32>
          %and3A_190 = arith.andi %ne3A_184, %ne3A_189 : vector<16xi1>
          %sub3A_191 = arith.constant 1 : i32
          %sub3A_192 = vector.broadcast %sub3A_191 : i32 to vector<16xi32>
          %sub3A_193 = arith.subi %div3A_166, %sub3A_192 : vector<16xi32>
          %select_n3A_194 = arith.select %and3A_190, %sub3A_193, %div3A_166 : vector<16xi1>, vector<16xi32>
          %mul3A_195 = arith.constant 5 : i32
          %mul3A_196 = vector.broadcast %mul3A_195 : i32 to vector<16xi32>
          %mul3A_197 = arith.muli %select_n3A_194, %mul3A_196 : vector<16xi32>
          %sub3A_198 = arith.subi %add3A_163, %mul3A_197 : vector<16xi32>
          %mul3A_199 = arith.constant 384 : i32
          %mul3A_200 = arith.muli %scan3A_50, %mul3A_199 : i32
          %mul3A_201 = arith.constant 16 : i32
          %mul3A_202 = arith.muli %scan3A_74, %mul3A_201 : i32
          %add3A_203 = arith.addi %mul3A_200, %mul3A_202 : i32
          %add3A_204 = vector.broadcast %add3A_203 : i32 to vector<16xi32>
          %add3A_205 = arith.addi %add3A_204, %select_n3A_194 : vector<16xi32>
          %mul3A_206 = arith.constant 80 : i32
          %mul3A_207 = arith.muli %scan3A_74, %mul3A_206 : i32
          %add3A_208 = vector.broadcast %mul3A_207 : i32 to vector<16xi32>
          %add3A_209 = arith.addi %add3A_208, %add3A_163 : vector<16xi32>
          %mul3A_210 = arith.constant 1920 : i32
          %mul3A_211 = arith.muli %scan3A_50, %mul3A_210 : i32
          %add3A_212 = vector.broadcast %mul3A_211 : i32 to vector<16xi32>
          %add3A_213 = arith.addi %add3A_212, %add3A_209 : vector<16xi32>
          %gather3A_214 = tpu.vector_load_idx %arg12[%add3A_205] : memref<1920xi32, #tpu.memory_space<vmem>>[vector<16xi32>], vector<16xi32>,
          %lt3A_215 = arith.cmpi slt, %sub3A_198, %gather3A_214 : vector<16xi32>
          %broadcast_in_dim3A_216 = arith.constant 1 : i32
          %broadcast_in_dim3A_217 = vector.broadcast %broadcast_in_dim3A_216 : i32 to vector<16xi32>
          %gather3A_218 = tpu.vector_load_idx %arg10[%add3A_209, %broadcast_in_dim3A_217] : memref<1920x8xf32, #tpu.memory_space<vmem>>[vector<16xi32>, vector<16xi32>], vector<16xf32>,
          %select_n3A_219 = arith.select %lt3A_215, %gather3A_218, %broadcast_in_dim3A_1 : vector<16xi1>, vector<16xf32>
          %mul3A_220 = arith.constant 4 : i32
          %mul3A_221 = vector.broadcast %mul3A_220 : i32 to vector<16xi32>
          %mul3A_222 = arith.muli %add3A_213, %mul3A_221 : vector<16xi32>
          %add3A_223 = arith.constant 0 : i32
          %add3A_224 = vector.broadcast %add3A_223 : i32 to vector<16xi32>
          %add3A_225 = arith.addi %mul3A_222, %add3A_224 : vector<16xi32>
          tpu.vector_store_idx %arg11[%add3A_225], %select_n3A_219 : memref<38400xf32, #tpu.memory_space<vmem>>[vector<16xi32>], vector<16xf32>,
          %broadcast_in_dim3A_226 = arith.constant 2 : i32
          %broadcast_in_dim3A_227 = vector.broadcast %broadcast_in_dim3A_226 : i32 to vector<16xi32>
          %gather3A_228 = tpu.vector_load_idx %arg10[%add3A_209, %broadcast_in_dim3A_227] : memref<1920x8xf32, #tpu.memory_space<vmem>>[vector<16xi32>, vector<16xi32>], vector<16xf32>,
          %select_n3A_229 = arith.select %lt3A_215, %gather3A_228, %broadcast_in_dim3A_1 : vector<16xi1>, vector<16xf32>
          %mul3A_230 = arith.constant 4 : i32
          %mul3A_231 = vector.broadcast %mul3A_230 : i32 to vector<16xi32>
          %mul3A_232 = arith.muli %add3A_213, %mul3A_231 : vector<16xi32>
          %add3A_233 = arith.constant 1 : i32
          %add3A_234 = vector.broadcast %add3A_233 : i32 to vector<16xi32>
          %add3A_235 = arith.addi %mul3A_232, %add3A_234 : vector<16xi32>
          tpu.vector_store_idx %arg11[%add3A_235], %select_n3A_229 : memref<38400xf32, #tpu.memory_space<vmem>>[vector<16xi32>], vector<16xf32>,
          %broadcast_in_dim3A_236 = arith.constant 3 : i32
          %broadcast_in_dim3A_237 = vector.broadcast %broadcast_in_dim3A_236 : i32 to vector<16xi32>
          %gather3A_238 = tpu.vector_load_idx %arg10[%add3A_209, %broadcast_in_dim3A_237] : memref<1920x8xf32, #tpu.memory_space<vmem>>[vector<16xi32>, vector<16xi32>], vector<16xf32>,
          %select_n3A_239 = arith.select %lt3A_215, %gather3A_238, %broadcast_in_dim3A_1 : vector<16xi1>, vector<16xf32>
          %mul3A_240 = arith.constant 4 : i32
          %mul3A_241 = vector.broadcast %mul3A_240 : i32 to vector<16xi32>
          %mul3A_242 = arith.muli %add3A_213, %mul3A_241 : vector<16xi32>
          %add3A_243 = arith.constant 2 : i32
          %add3A_244 = vector.broadcast %add3A_243 : i32 to vector<16xi32>
          %add3A_245 = arith.addi %mul3A_242, %add3A_244 : vector<16xi32>
          tpu.vector_store_idx %arg11[%add3A_245], %select_n3A_239 : memref<38400xf32, #tpu.memory_space<vmem>>[vector<16xi32>], vector<16xf32>,
          %broadcast_in_dim3A_246 = arith.constant 4 : i32
          %broadcast_in_dim3A_247 = vector.broadcast %broadcast_in_dim3A_246 : i32 to vector<16xi32>
          %gather3A_248 = tpu.vector_load_idx %arg10[%add3A_209, %broadcast_in_dim3A_247] : memref<1920x8xf32, #tpu.memory_space<vmem>>[vector<16xi32>, vector<16xi32>], vector<16xf32>,
          %select_n3A_249 = arith.select %lt3A_215, %gather3A_248, %broadcast_in_dim3A_1 : vector<16xi1>, vector<16xf32>
          %mul3A_250 = arith.constant 4 : i32
          %mul3A_251 = vector.broadcast %mul3A_250 : i32 to vector<16xi32>
          %mul3A_252 = arith.muli %add3A_213, %mul3A_251 : vector<16xi32>
          %add3A_253 = arith.constant 3 : i32
          %add3A_254 = vector.broadcast %add3A_253 : i32 to vector<16xi32>
          %add3A_255 = arith.addi %mul3A_252, %add3A_254 : vector<16xi32>
          tpu.vector_store_idx %arg11[%add3A_255], %select_n3A_249 : memref<38400xf32, #tpu.memory_space<vmem>>[vector<16xi32>], vector<16xf32>,
          %add3A_256 = arith.constant 32 : i32
          %add3A_257 = vector.broadcast %add3A_256 : i32 to vector<16xi32>
          %add3A_258 = arith.addi %add3A_257, %iota3A : vector<16xi32>
          %jit3A_259 = arith.constant 5 : i32
          %div3A_260 = vector.broadcast %jit3A_259 : i32 to vector<16xi32>
          %div3A_261 = arith.divsi %add3A_258, %div3A_260 : vector<16xi32>
          %sign3A_262 = arith.constant 0 : i32
          %sign3A_263 = vector.broadcast %sign3A_262 : i32 to vector<16xi32>
          %sign3A_264 = arith.cmpi sgt, %add3A_258, %sign3A_263 : vector<16xi32>
          %sign3A_265 = arith.extui %sign3A_264 : vector<16xi1> to vector<16xi32>
          %sign3A_266 = arith.constant 0 : i32
          %sign3A_267 = vector.broadcast %sign3A_266 : i32 to vector<16xi32>
          %sign3A_268 = arith.cmpi slt, %add3A_258, %sign3A_267 : vector<16xi32>
          %sign3A_269 = arith.extui %sign3A_268 : vector<16xi1> to vector<16xi32>
          %sign3A_270 = arith.subi %sign3A_265, %sign3A_269 : vector<16xi32>
          %sign3A_271 = arith.constant 0 : i32
          %sign3A_272 = arith.cmpi sgt, %jit3A_259, %sign3A_271 : i32
          %sign3A_273 = arith.extui %sign3A_272 : i1 to i32
          %sign3A_274 = arith.constant 0 : i32
          %sign3A_275 = arith.cmpi slt, %jit3A_259, %sign3A_274 : i32
          %sign3A_276 = arith.extui %sign3A_275 : i1 to i32
          %sign3A_277 = arith.subi %sign3A_273, %sign3A_276 : i32
          %ne3A_278 = vector.broadcast %sign3A_277 : i32 to vector<16xi32>
          %ne3A_279 = arith.cmpi ne, %sign3A_270, %ne3A_278 : vector<16xi32>
          %rem3A_280 = vector.broadcast %jit3A_259 : i32 to vector<16xi32>
          %rem3A_281 = arith.remsi %add3A_258, %rem3A_280 : vector<16xi32>
          %ne3A_282 = arith.constant 0 : i32
          %ne3A_283 = vector.broadcast %ne3A_282 : i32 to vector<16xi32>
          %ne3A_284 = arith.cmpi ne, %rem3A_281, %ne3A_283 : vector<16xi32>
          %and3A_285 = arith.andi %ne3A_279, %ne3A_284 : vector<16xi1>
          %sub3A_286 = arith.constant 1 : i32
          %sub3A_287 = vector.broadcast %sub3A_286 : i32 to vector<16xi32>
          %sub3A_288 = arith.subi %div3A_261, %sub3A_287 : vector<16xi32>
          %select_n3A_289 = arith.select %and3A_285, %sub3A_288, %div3A_261 : vector<16xi1>, vector<16xi32>
          %mul3A_290 = arith.constant 5 : i32
          %mul3A_291 = vector.broadcast %mul3A_290 : i32 to vector<16xi32>
          %mul3A_292 = arith.muli %select_n3A_289, %mul3A_291 : vector<16xi32>
          %sub3A_293 = arith.subi %add3A_258, %mul3A_292 : vector<16xi32>
          %mul3A_294 = arith.constant 384 : i32
          %mul3A_295 = arith.muli %scan3A_50, %mul3A_294 : i32
          %mul3A_296 = arith.constant 16 : i32
          %mul3A_297 = arith.muli %scan3A_74, %mul3A_296 : i32
          %add3A_298 = arith.addi %mul3A_295, %mul3A_297 : i32
          %add3A_299 = vector.broadcast %add3A_298 : i32 to vector<16xi32>
          %add3A_300 = arith.addi %add3A_299, %select_n3A_289 : vector<16xi32>
          %mul3A_301 = arith.constant 80 : i32
          %mul3A_302 = arith.muli %scan3A_74, %mul3A_301 : i32
          %add3A_303 = vector.broadcast %mul3A_302 : i32 to vector<16xi32>
          %add3A_304 = arith.addi %add3A_303, %add3A_258 : vector<16xi32>
          %mul3A_305 = arith.constant 1920 : i32
          %mul3A_306 = arith.muli %scan3A_50, %mul3A_305 : i32
          %add3A_307 = vector.broadcast %mul3A_306 : i32 to vector<16xi32>
          %add3A_308 = arith.addi %add3A_307, %add3A_304 : vector<16xi32>
          %gather3A_309 = tpu.vector_load_idx %arg12[%add3A_300] : memref<1920xi32, #tpu.memory_space<vmem>>[vector<16xi32>], vector<16xi32>,
          %lt3A_310 = arith.cmpi slt, %sub3A_293, %gather3A_309 : vector<16xi32>
          %broadcast_in_dim3A_311 = arith.constant 1 : i32
          %broadcast_in_dim3A_312 = vector.broadcast %broadcast_in_dim3A_311 : i32 to vector<16xi32>
          %gather3A_313 = tpu.vector_load_idx %arg10[%add3A_304, %broadcast_in_dim3A_312] : memref<1920x8xf32, #tpu.memory_space<vmem>>[vector<16xi32>, vector<16xi32>], vector<16xf32>,
          %select_n3A_314 = arith.select %lt3A_310, %gather3A_313, %broadcast_in_dim3A_1 : vector<16xi1>, vector<16xf32>
          %mul3A_315 = arith.constant 4 : i32
          %mul3A_316 = vector.broadcast %mul3A_315 : i32 to vector<16xi32>
          %mul3A_317 = arith.muli %add3A_308, %mul3A_316 : vector<16xi32>
          %add3A_318 = arith.constant 0 : i32
          %add3A_319 = vector.broadcast %add3A_318 : i32 to vector<16xi32>
          %add3A_320 = arith.addi %mul3A_317, %add3A_319 : vector<16xi32>
          tpu.vector_store_idx %arg11[%add3A_320], %select_n3A_314 : memref<38400xf32, #tpu.memory_space<vmem>>[vector<16xi32>], vector<16xf32>,
          %broadcast_in_dim3A_321 = arith.constant 2 : i32
          %broadcast_in_dim3A_322 = vector.broadcast %broadcast_in_dim3A_321 : i32 to vector<16xi32>
          %gather3A_323 = tpu.vector_load_idx %arg10[%add3A_304, %broadcast_in_dim3A_322] : memref<1920x8xf32, #tpu.memory_space<vmem>>[vector<16xi32>, vector<16xi32>], vector<16xf32>,
          %select_n3A_324 = arith.select %lt3A_310, %gather3A_323, %broadcast_in_dim3A_1 : vector<16xi1>, vector<16xf32>
          %mul3A_325 = arith.constant 4 : i32
          %mul3A_326 = vector.broadcast %mul3A_325 : i32 to vector<16xi32>
          %mul3A_327 = arith.muli %add3A_308, %mul3A_326 : vector<16xi32>
          %add3A_328 = arith.constant 1 : i32
          %add3A_329 = vector.broadcast %add3A_328 : i32 to vector<16xi32>
          %add3A_330 = arith.addi %mul3A_327, %add3A_329 : vector<16xi32>
          tpu.vector_store_idx %arg11[%add3A_330], %select_n3A_324 : memref<38400xf32, #tpu.memory_space<vmem>>[vector<16xi32>], vector<16xf32>,
          %broadcast_in_dim3A_331 = arith.constant 3 : i32
          %broadcast_in_dim3A_332 = vector.broadcast %broadcast_in_dim3A_331 : i32 to vector<16xi32>
          %gather3A_333 = tpu.vector_load_idx %arg10[%add3A_304, %broadcast_in_dim3A_332] : memref<1920x8xf32, #tpu.memory_space<vmem>>[vector<16xi32>, vector<16xi32>], vector<16xf32>,
          %select_n3A_334 = arith.select %lt3A_310, %gather3A_333, %broadcast_in_dim3A_1 : vector<16xi1>, vector<16xf32>
          %mul3A_335 = arith.constant 4 : i32
          %mul3A_336 = vector.broadcast %mul3A_335 : i32 to vector<16xi32>
          %mul3A_337 = arith.muli %add3A_308, %mul3A_336 : vector<16xi32>
          %add3A_338 = arith.constant 2 : i32
          %add3A_339 = vector.broadcast %add3A_338 : i32 to vector<16xi32>
          %add3A_340 = arith.addi %mul3A_337, %add3A_339 : vector<16xi32>
          tpu.vector_store_idx %arg11[%add3A_340], %select_n3A_334 : memref<38400xf32, #tpu.memory_space<vmem>>[vector<16xi32>], vector<16xf32>,
          %broadcast_in_dim3A_341 = arith.constant 4 : i32
          %broadcast_in_dim3A_342 = vector.broadcast %broadcast_in_dim3A_341 : i32 to vector<16xi32>
          %gather3A_343 = tpu.vector_load_idx %arg10[%add3A_304, %broadcast_in_dim3A_342] : memref<1920x8xf32, #tpu.memory_space<vmem>>[vector<16xi32>, vector<16xi32>], vector<16xf32>,
          %select_n3A_344 = arith.select %lt3A_310, %gather3A_343, %broadcast_in_dim3A_1 : vector<16xi1>, vector<16xf32>
          %mul3A_345 = arith.constant 4 : i32
          %mul3A_346 = vector.broadcast %mul3A_345 : i32 to vector<16xi32>
          %mul3A_347 = arith.muli %add3A_308, %mul3A_346 : vector<16xi32>
          %add3A_348 = arith.constant 3 : i32
          %add3A_349 = vector.broadcast %add3A_348 : i32 to vector<16xi32>
          %add3A_350 = arith.addi %mul3A_347, %add3A_349 : vector<16xi32>
          tpu.vector_store_idx %arg11[%add3A_350], %select_n3A_344 : memref<38400xf32, #tpu.memory_space<vmem>>[vector<16xi32>], vector<16xf32>,
          %add3A_351 = arith.constant 48 : i32
          %add3A_352 = vector.broadcast %add3A_351 : i32 to vector<16xi32>
          %add3A_353 = arith.addi %add3A_352, %iota3A : vector<16xi32>
          %jit3A_354 = arith.constant 5 : i32
          %div3A_355 = vector.broadcast %jit3A_354 : i32 to vector<16xi32>
          %div3A_356 = arith.divsi %add3A_353, %div3A_355 : vector<16xi32>
          %sign3A_357 = arith.constant 0 : i32
          %sign3A_358 = vector.broadcast %sign3A_357 : i32 to vector<16xi32>
          %sign3A_359 = arith.cmpi sgt, %add3A_353, %sign3A_358 : vector<16xi32>
          %sign3A_360 = arith.extui %sign3A_359 : vector<16xi1> to vector<16xi32>
          %sign3A_361 = arith.constant 0 : i32
          %sign3A_362 = vector.broadcast %sign3A_361 : i32 to vector<16xi32>
          %sign3A_363 = arith.cmpi slt, %add3A_353, %sign3A_362 : vector<16xi32>
          %sign3A_364 = arith.extui %sign3A_363 : vector<16xi1> to vector<16xi32>
          %sign3A_365 = arith.subi %sign3A_360, %sign3A_364 : vector<16xi32>
          %sign3A_366 = arith.constant 0 : i32
          %sign3A_367 = arith.cmpi sgt, %jit3A_354, %sign3A_366 : i32
          %sign3A_368 = arith.extui %sign3A_367 : i1 to i32
          %sign3A_369 = arith.constant 0 : i32
          %sign3A_370 = arith.cmpi slt, %jit3A_354, %sign3A_369 : i32
          %sign3A_371 = arith.extui %sign3A_370 : i1 to i32
          %sign3A_372 = arith.subi %sign3A_368, %sign3A_371 : i32
          %ne3A_373 = vector.broadcast %sign3A_372 : i32 to vector<16xi32>
          %ne3A_374 = arith.cmpi ne, %sign3A_365, %ne3A_373 : vector<16xi32>
          %rem3A_375 = vector.broadcast %jit3A_354 : i32 to vector<16xi32>
          %rem3A_376 = arith.remsi %add3A_353, %rem3A_375 : vector<16xi32>
          %ne3A_377 = arith.constant 0 : i32
          %ne3A_378 = vector.broadcast %ne3A_377 : i32 to vector<16xi32>
          %ne3A_379 = arith.cmpi ne, %rem3A_376, %ne3A_378 : vector<16xi32>
          %and3A_380 = arith.andi %ne3A_374, %ne3A_379 : vector<16xi1>
          %sub3A_381 = arith.constant 1 : i32
          %sub3A_382 = vector.broadcast %sub3A_381 : i32 to vector<16xi32>
          %sub3A_383 = arith.subi %div3A_356, %sub3A_382 : vector<16xi32>
          %select_n3A_384 = arith.select %and3A_380, %sub3A_383, %div3A_356 : vector<16xi1>, vector<16xi32>
          %mul3A_385 = arith.constant 5 : i32
          %mul3A_386 = vector.broadcast %mul3A_385 : i32 to vector<16xi32>
          %mul3A_387 = arith.muli %select_n3A_384, %mul3A_386 : vector<16xi32>
          %sub3A_388 = arith.subi %add3A_353, %mul3A_387 : vector<16xi32>
          %mul3A_389 = arith.constant 384 : i32
          %mul3A_390 = arith.muli %scan3A_50, %mul3A_389 : i32
          %mul3A_391 = arith.constant 16 : i32
          %mul3A_392 = arith.muli %scan3A_74, %mul3A_391 : i32
          %add3A_393 = arith.addi %mul3A_390, %mul3A_392 : i32
          %add3A_394 = vector.broadcast %add3A_393 : i32 to vector<16xi32>
          %add3A_395 = arith.addi %add3A_394, %select_n3A_384 : vector<16xi32>
          %mul3A_396 = arith.constant 80 : i32
          %mul3A_397 = arith.muli %scan3A_74, %mul3A_396 : i32
          %add3A_398 = vector.broadcast %mul3A_397 : i32 to vector<16xi32>
          %add3A_399 = arith.addi %add3A_398, %add3A_353 : vector<16xi32>
          %mul3A_400 = arith.constant 1920 : i32
          %mul3A_401 = arith.muli %scan3A_50, %mul3A_400 : i32
          %add3A_402 = vector.broadcast %mul3A_401 : i32 to vector<16xi32>
          %add3A_403 = arith.addi %add3A_402, %add3A_399 : vector<16xi32>
          %gather3A_404 = tpu.vector_load_idx %arg12[%add3A_395] : memref<1920xi32, #tpu.memory_space<vmem>>[vector<16xi32>], vector<16xi32>,
          %lt3A_405 = arith.cmpi slt, %sub3A_388, %gather3A_404 : vector<16xi32>
          %broadcast_in_dim3A_406 = arith.constant 1 : i32
          %broadcast_in_dim3A_407 = vector.broadcast %broadcast_in_dim3A_406 : i32 to vector<16xi32>
          %gather3A_408 = tpu.vector_load_idx %arg10[%add3A_399, %broadcast_in_dim3A_407] : memref<1920x8xf32, #tpu.memory_space<vmem>>[vector<16xi32>, vector<16xi32>], vector<16xf32>,
          %select_n3A_409 = arith.select %lt3A_405, %gather3A_408, %broadcast_in_dim3A_1 : vector<16xi1>, vector<16xf32>
          %mul3A_410 = arith.constant 4 : i32
          %mul3A_411 = vector.broadcast %mul3A_410 : i32 to vector<16xi32>
          %mul3A_412 = arith.muli %add3A_403, %mul3A_411 : vector<16xi32>
          %add3A_413 = arith.constant 0 : i32
          %add3A_414 = vector.broadcast %add3A_413 : i32 to vector<16xi32>
          %add3A_415 = arith.addi %mul3A_412, %add3A_414 : vector<16xi32>
          tpu.vector_store_idx %arg11[%add3A_415], %select_n3A_409 : memref<38400xf32, #tpu.memory_space<vmem>>[vector<16xi32>], vector<16xf32>,
          %broadcast_in_dim3A_416 = arith.constant 2 : i32
          %broadcast_in_dim3A_417 = vector.broadcast %broadcast_in_dim3A_416 : i32 to vector<16xi32>
          %gather3A_418 = tpu.vector_load_idx %arg10[%add3A_399, %broadcast_in_dim3A_417] : memref<1920x8xf32, #tpu.memory_space<vmem>>[vector<16xi32>, vector<16xi32>], vector<16xf32>,
          %select_n3A_419 = arith.select %lt3A_405, %gather3A_418, %broadcast_in_dim3A_1 : vector<16xi1>, vector<16xf32>
          %mul3A_420 = arith.constant 4 : i32
          %mul3A_421 = vector.broadcast %mul3A_420 : i32 to vector<16xi32>
          %mul3A_422 = arith.muli %add3A_403, %mul3A_421 : vector<16xi32>
          %add3A_423 = arith.constant 1 : i32
          %add3A_424 = vector.broadcast %add3A_423 : i32 to vector<16xi32>
          %add3A_425 = arith.addi %mul3A_422, %add3A_424 : vector<16xi32>
          tpu.vector_store_idx %arg11[%add3A_425], %select_n3A_419 : memref<38400xf32, #tpu.memory_space<vmem>>[vector<16xi32>], vector<16xf32>,
          %broadcast_in_dim3A_426 = arith.constant 3 : i32
          %broadcast_in_dim3A_427 = vector.broadcast %broadcast_in_dim3A_426 : i32 to vector<16xi32>
          %gather3A_428 = tpu.vector_load_idx %arg10[%add3A_399, %broadcast_in_dim3A_427] : memref<1920x8xf32, #tpu.memory_space<vmem>>[vector<16xi32>, vector<16xi32>], vector<16xf32>,
          %select_n3A_429 = arith.select %lt3A_405, %gather3A_428, %broadcast_in_dim3A_1 : vector<16xi1>, vector<16xf32>
          %mul3A_430 = arith.constant 4 : i32
          %mul3A_431 = vector.broadcast %mul3A_430 : i32 to vector<16xi32>
          %mul3A_432 = arith.muli %add3A_403, %mul3A_431 : vector<16xi32>
          %add3A_433 = arith.constant 2 : i32
          %add3A_434 = vector.broadcast %add3A_433 : i32 to vector<16xi32>
          %add3A_435 = arith.addi %mul3A_432, %add3A_434 : vector<16xi32>
          tpu.vector_store_idx %arg11[%add3A_435], %select_n3A_429 : memref<38400xf32, #tpu.memory_space<vmem>>[vector<16xi32>], vector<16xf32>,
          %broadcast_in_dim3A_436 = arith.constant 4 : i32
          %broadcast_in_dim3A_437 = vector.broadcast %broadcast_in_dim3A_436 : i32 to vector<16xi32>
          %gather3A_438 = tpu.vector_load_idx %arg10[%add3A_399, %broadcast_in_dim3A_437] : memref<1920x8xf32, #tpu.memory_space<vmem>>[vector<16xi32>, vector<16xi32>], vector<16xf32>,
          %select_n3A_439 = arith.select %lt3A_405, %gather3A_438, %broadcast_in_dim3A_1 : vector<16xi1>, vector<16xf32>
          %mul3A_440 = arith.constant 4 : i32
          %mul3A_441 = vector.broadcast %mul3A_440 : i32 to vector<16xi32>
          %mul3A_442 = arith.muli %add3A_403, %mul3A_441 : vector<16xi32>
          %add3A_443 = arith.constant 3 : i32
          %add3A_444 = vector.broadcast %add3A_443 : i32 to vector<16xi32>
          %add3A_445 = arith.addi %mul3A_442, %add3A_444 : vector<16xi32>
          tpu.vector_store_idx %arg11[%add3A_445], %select_n3A_439 : memref<38400xf32, #tpu.memory_space<vmem>>[vector<16xi32>], vector<16xf32>,
          %add3A_446 = arith.constant 64 : i32
          %add3A_447 = vector.broadcast %add3A_446 : i32 to vector<16xi32>
          %add3A_448 = arith.addi %add3A_447, %iota3A : vector<16xi32>
          %jit3A_449 = arith.constant 5 : i32
          %div3A_450 = vector.broadcast %jit3A_449 : i32 to vector<16xi32>
          %div3A_451 = arith.divsi %add3A_448, %div3A_450 : vector<16xi32>
          %sign3A_452 = arith.constant 0 : i32
          %sign3A_453 = vector.broadcast %sign3A_452 : i32 to vector<16xi32>
          %sign3A_454 = arith.cmpi sgt, %add3A_448, %sign3A_453 : vector<16xi32>
          %sign3A_455 = arith.extui %sign3A_454 : vector<16xi1> to vector<16xi32>
          %sign3A_456 = arith.constant 0 : i32
          %sign3A_457 = vector.broadcast %sign3A_456 : i32 to vector<16xi32>
          %sign3A_458 = arith.cmpi slt, %add3A_448, %sign3A_457 : vector<16xi32>
          %sign3A_459 = arith.extui %sign3A_458 : vector<16xi1> to vector<16xi32>
          %sign3A_460 = arith.subi %sign3A_455, %sign3A_459 : vector<16xi32>
          %sign3A_461 = arith.constant 0 : i32
          %sign3A_462 = arith.cmpi sgt, %jit3A_449, %sign3A_461 : i32
          %sign3A_463 = arith.extui %sign3A_462 : i1 to i32
          %sign3A_464 = arith.constant 0 : i32
          %sign3A_465 = arith.cmpi slt, %jit3A_449, %sign3A_464 : i32
          %sign3A_466 = arith.extui %sign3A_465 : i1 to i32
          %sign3A_467 = arith.subi %sign3A_463, %sign3A_466 : i32
          %ne3A_468 = vector.broadcast %sign3A_467 : i32 to vector<16xi32>
          %ne3A_469 = arith.cmpi ne, %sign3A_460, %ne3A_468 : vector<16xi32>
          %rem3A_470 = vector.broadcast %jit3A_449 : i32 to vector<16xi32>
          %rem3A_471 = arith.remsi %add3A_448, %rem3A_470 : vector<16xi32>
          %ne3A_472 = arith.constant 0 : i32
          %ne3A_473 = vector.broadcast %ne3A_472 : i32 to vector<16xi32>
          %ne3A_474 = arith.cmpi ne, %rem3A_471, %ne3A_473 : vector<16xi32>
          %and3A_475 = arith.andi %ne3A_469, %ne3A_474 : vector<16xi1>
          %sub3A_476 = arith.constant 1 : i32
          %sub3A_477 = vector.broadcast %sub3A_476 : i32 to vector<16xi32>
          %sub3A_478 = arith.subi %div3A_451, %sub3A_477 : vector<16xi32>
          %select_n3A_479 = arith.select %and3A_475, %sub3A_478, %div3A_451 : vector<16xi1>, vector<16xi32>
          %mul3A_480 = arith.constant 5 : i32
          %mul3A_481 = vector.broadcast %mul3A_480 : i32 to vector<16xi32>
          %mul3A_482 = arith.muli %select_n3A_479, %mul3A_481 : vector<16xi32>
          %sub3A_483 = arith.subi %add3A_448, %mul3A_482 : vector<16xi32>
          %mul3A_484 = arith.constant 384 : i32
          %mul3A_485 = arith.muli %scan3A_50, %mul3A_484 : i32
          %mul3A_486 = arith.constant 16 : i32
          %mul3A_487 = arith.muli %scan3A_74, %mul3A_486 : i32
          %add3A_488 = arith.addi %mul3A_485, %mul3A_487 : i32
          %add3A_489 = vector.broadcast %add3A_488 : i32 to vector<16xi32>
          %add3A_490 = arith.addi %add3A_489, %select_n3A_479 : vector<16xi32>
          %mul3A_491 = arith.constant 80 : i32
          %mul3A_492 = arith.muli %scan3A_74, %mul3A_491 : i32
          %add3A_493 = vector.broadcast %mul3A_492 : i32 to vector<16xi32>
          %add3A_494 = arith.addi %add3A_493, %add3A_448 : vector<16xi32>
          %mul3A_495 = arith.constant 1920 : i32
          %mul3A_496 = arith.muli %scan3A_50, %mul3A_495 : i32
          %add3A_497 = vector.broadcast %mul3A_496 : i32 to vector<16xi32>
          %add3A_498 = arith.addi %add3A_497, %add3A_494 : vector<16xi32>
          %gather3A_499 = tpu.vector_load_idx %arg12[%add3A_490] : memref<1920xi32, #tpu.memory_space<vmem>>[vector<16xi32>], vector<16xi32>,
          %lt3A_500 = arith.cmpi slt, %sub3A_483, %gather3A_499 : vector<16xi32>
          %broadcast_in_dim3A_501 = arith.constant 1 : i32
          %broadcast_in_dim3A_502 = vector.broadcast %broadcast_in_dim3A_501 : i32 to vector<16xi32>
          %gather3A_503 = tpu.vector_load_idx %arg10[%add3A_494, %broadcast_in_dim3A_502] : memref<1920x8xf32, #tpu.memory_space<vmem>>[vector<16xi32>, vector<16xi32>], vector<16xf32>,
          %select_n3A_504 = arith.select %lt3A_500, %gather3A_503, %broadcast_in_dim3A_1 : vector<16xi1>, vector<16xf32>
          %mul3A_505 = arith.constant 4 : i32
          %mul3A_506 = vector.broadcast %mul3A_505 : i32 to vector<16xi32>
          %mul3A_507 = arith.muli %add3A_498, %mul3A_506 : vector<16xi32>
          %add3A_508 = arith.constant 0 : i32
          %add3A_509 = vector.broadcast %add3A_508 : i32 to vector<16xi32>
          %add3A_510 = arith.addi %mul3A_507, %add3A_509 : vector<16xi32>
          tpu.vector_store_idx %arg11[%add3A_510], %select_n3A_504 : memref<38400xf32, #tpu.memory_space<vmem>>[vector<16xi32>], vector<16xf32>,
          %broadcast_in_dim3A_511 = arith.constant 2 : i32
          %broadcast_in_dim3A_512 = vector.broadcast %broadcast_in_dim3A_511 : i32 to vector<16xi32>
          %gather3A_513 = tpu.vector_load_idx %arg10[%add3A_494, %broadcast_in_dim3A_512] : memref<1920x8xf32, #tpu.memory_space<vmem>>[vector<16xi32>, vector<16xi32>], vector<16xf32>,
          %select_n3A_514 = arith.select %lt3A_500, %gather3A_513, %broadcast_in_dim3A_1 : vector<16xi1>, vector<16xf32>
          %mul3A_515 = arith.constant 4 : i32
          %mul3A_516 = vector.broadcast %mul3A_515 : i32 to vector<16xi32>
          %mul3A_517 = arith.muli %add3A_498, %mul3A_516 : vector<16xi32>
          %add3A_518 = arith.constant 1 : i32
          %add3A_519 = vector.broadcast %add3A_518 : i32 to vector<16xi32>
          %add3A_520 = arith.addi %mul3A_517, %add3A_519 : vector<16xi32>
          tpu.vector_store_idx %arg11[%add3A_520], %select_n3A_514 : memref<38400xf32, #tpu.memory_space<vmem>>[vector<16xi32>], vector<16xf32>,
          %broadcast_in_dim3A_521 = arith.constant 3 : i32
          %broadcast_in_dim3A_522 = vector.broadcast %broadcast_in_dim3A_521 : i32 to vector<16xi32>
          %gather3A_523 = tpu.vector_load_idx %arg10[%add3A_494, %broadcast_in_dim3A_522] : memref<1920x8xf32, #tpu.memory_space<vmem>>[vector<16xi32>, vector<16xi32>], vector<16xf32>,
          %select_n3A_524 = arith.select %lt3A_500, %gather3A_523, %broadcast_in_dim3A_1 : vector<16xi1>, vector<16xf32>
          %mul3A_525 = arith.constant 4 : i32
          %mul3A_526 = vector.broadcast %mul3A_525 : i32 to vector<16xi32>
          %mul3A_527 = arith.muli %add3A_498, %mul3A_526 : vector<16xi32>
          %add3A_528 = arith.constant 2 : i32
          %add3A_529 = vector.broadcast %add3A_528 : i32 to vector<16xi32>
          %add3A_530 = arith.addi %mul3A_527, %add3A_529 : vector<16xi32>
          tpu.vector_store_idx %arg11[%add3A_530], %select_n3A_524 : memref<38400xf32, #tpu.memory_space<vmem>>[vector<16xi32>], vector<16xf32>,
          %broadcast_in_dim3A_531 = arith.constant 4 : i32
          %broadcast_in_dim3A_532 = vector.broadcast %broadcast_in_dim3A_531 : i32 to vector<16xi32>
          %gather3A_533 = tpu.vector_load_idx %arg10[%add3A_494, %broadcast_in_dim3A_532] : memref<1920x8xf32, #tpu.memory_space<vmem>>[vector<16xi32>, vector<16xi32>], vector<16xf32>,
          %select_n3A_534 = arith.select %lt3A_500, %gather3A_533, %broadcast_in_dim3A_1 : vector<16xi1>, vector<16xf32>
          %mul3A_535 = arith.constant 4 : i32
          %mul3A_536 = vector.broadcast %mul3A_535 : i32 to vector<16xi32>
          %mul3A_537 = arith.muli %add3A_498, %mul3A_536 : vector<16xi32>
          %add3A_538 = arith.constant 3 : i32
          %add3A_539 = vector.broadcast %add3A_538 : i32 to vector<16xi32>
          %add3A_540 = arith.addi %mul3A_537, %add3A_539 : vector<16xi32>
          tpu.vector_store_idx %arg11[%add3A_540], %select_n3A_534 : memref<38400xf32, #tpu.memory_space<vmem>>[vector<16xi32>], vector<16xf32>,
          %scan3A_541 = arith.constant 0 : i32
          scf.yield %scan3A_541 : i32
        }
        %scan3A_72 = arith.constant 24 : i32
        %scan3A_73 = arith.constant 0 : i32
        scf.yield %scan3A_73 : i32
      }
      %scan3A_39 = arith.constant 5 : i32
      %scan3A_40 = arith.constant 0 : i32
      %scan3A_41 = arith.constant 0 : i32
      %scan3A_42 = arith.constant 120 : i32
      %scan3A_43 = arith.addi %scan3A_41, %scan3A_42 : i32
      %scan3A_44 = arith.constant 1 : i32
      %scan3A_45 = scf.for %scan3A_50 = %scan3A_41 to %scan3A_43 step %scan3A_44 iter_args(%scan3A_51 = %scan3A_40) -> (i32)  : i32 {
        %mul3A_52 = arith.constant 16 : i32
        %mul3A_53 = arith.muli %scan3A_50, %mul3A_52 : i32
        %get3A = arith.index_cast %mul3A_53 : i32 to index
        %get3A_54 = tpu.vector_load %arg13[%get3A] {strides = array<i32>} : memref<1920xi32, #tpu.memory_space<vmem>>, vector<16xi32>,
        %get3A_55 = arith.index_cast %mul3A_53 : i32 to index
        %get3A_56 = tpu.vector_load %arg12[%get3A_55] {strides = array<i32>} : memref<1920xi32, #tpu.memory_space<vmem>>, vector<16xi32>,
        %gt3A = arith.constant 0 : i32
        %gt3A_57 = vector.broadcast %gt3A : i32 to vector<16xi32>
        %gt3A_58 = arith.cmpi sgt, %get3A_56, %gt3A_57 : vector<16xi32>
        %jit3A = arith.constant 41943040 : i32
        %div3A = vector.broadcast %jit3A : i32 to vector<16xi32>
        %div3A_59 = arith.divsi %get3A_54, %div3A : vector<16xi32>
        %sign3A = arith.constant 0 : i32
        %sign3A_60 = vector.broadcast %sign3A : i32 to vector<16xi32>
        %sign3A_61 = arith.cmpi sgt, %get3A_54, %sign3A_60 : vector<16xi32>
        %sign3A_62 = arith.extui %sign3A_61 : vector<16xi1> to vector<16xi32>
        %sign3A_63 = arith.constant 0 : i32
        %sign3A_64 = vector.broadcast %sign3A_63 : i32 to vector<16xi32>
        %sign3A_65 = arith.cmpi slt, %get3A_54, %sign3A_64 : vector<16xi32>
        %sign3A_66 = arith.extui %sign3A_65 : vector<16xi1> to vector<16xi32>
        %sign3A_67 = arith.subi %sign3A_62, %sign3A_66 : vector<16xi32>
        %sign3A_68 = arith.constant 0 : i32
        %sign3A_69 = arith.cmpi sgt, %jit3A, %sign3A_68 : i32
        %sign3A_70 = arith.extui %sign3A_69 : i1 to i32
        %sign3A_71 = arith.constant 0 : i32
        %sign3A_72 = arith.cmpi slt, %jit3A, %sign3A_71 : i32
        %sign3A_73 = arith.extui %sign3A_72 : i1 to i32
        %sign3A_74 = arith.subi %sign3A_70, %sign3A_73 : i32
        %ne3A = vector.broadcast %sign3A_74 : i32 to vector<16xi32>
        %ne3A_75 = arith.cmpi ne, %sign3A_67, %ne3A : vector<16xi32>
        %rem3A = vector.broadcast %jit3A : i32 to vector<16xi32>
        %rem3A_76 = arith.remsi %get3A_54, %rem3A : vector<16xi32>
        %ne3A_77 = arith.constant 0 : i32
        %ne3A_78 = vector.broadcast %ne3A_77 : i32 to vector<16xi32>
        %ne3A_79 = arith.cmpi ne, %rem3A_76, %ne3A_78 : vector<16xi32>
        %and3A = arith.andi %ne3A_75, %ne3A_79 : vector<16xi1>
        %sub3A = arith.constant 1 : i32
        %sub3A_80 = vector.broadcast %sub3A : i32 to vector<16xi32>
        %sub3A_81 = arith.subi %div3A_59, %sub3A_80 : vector<16xi32>
        %select_n3A = arith.select %and3A, %sub3A_81, %div3A_59 : vector<16xi1>, vector<16xi32>
        %mul3A_82 = arith.constant 41943040 : i32
        %mul3A_83 = vector.broadcast %mul3A_82 : i32 to vector<16xi32>
        %mul3A_84 = arith.muli %select_n3A, %mul3A_83 : vector<16xi32>
        %sub3A_85 = arith.subi %get3A_54, %mul3A_84 : vector<16xi32>
        %and3A_86 = arith.constant 1023 : i32
        %and3A_87 = vector.broadcast %and3A_86 : i32 to vector<16xi32>
        %and3A_88 = arith.andi %sub3A_85, %and3A_87 : vector<16xi32>
        %shift_right_arithmetic3A = arith.constant 10 : i32
        %shift_right_arithmetic3A_89 = vector.broadcast %shift_right_arithmetic3A : i32 to vector<16xi32>
        %shift_right_arithmetic3A_90 = arith.shrsi %sub3A_85, %shift_right_arithmetic3A_89 : vector<16xi32>
        %and3A_91 = arith.constant 1023 : i32
        %and3A_92 = vector.broadcast %and3A_91 : i32 to vector<16xi32>
        %and3A_93 = arith.andi %shift_right_arithmetic3A_90, %and3A_92 : vector<16xi32>
        %shift_right_arithmetic3A_94 = arith.constant 20 : i32
        %shift_right_arithmetic3A_95 = vector.broadcast %shift_right_arithmetic3A_94 : i32 to vector<16xi32>
        %shift_right_arithmetic3A_96 = arith.shrsi %sub3A_85, %shift_right_arithmetic3A_95 : vector<16xi32>
        %mul3A_97 = arith.constant 16 : i32
        %mul3A_98 = arith.muli %scan3A_50, %mul3A_97 : i32
        %add3A_99 = vector.broadcast %mul3A_98 : i32 to vector<16xi32>
        %add3A_100 = arith.addi %add3A_99, %iota3A : vector<16xi32>
        %mul3A_101 = arith.constant 4 : i32
        %mul3A_102 = vector.broadcast %mul3A_101 : i32 to vector<16xi32>
        %mul3A_103 = arith.muli %add3A_100, %mul3A_102 : vector<16xi32>
        %add3A_104 = arith.constant 0 : i32
        %add3A_105 = vector.broadcast %add3A_104 : i32 to vector<16xi32>
        %add3A_106 = arith.addi %mul3A_103, %add3A_105 : vector<16xi32>
        %select_n3A_107 = arith.select %gt3A_58, %select_n3A, %broadcast_in_dim3A_3 : vector<16xi1>, vector<16xi32>
        tpu.vector_store_idx %arg14[%add3A_106], %select_n3A_107 : memref<7680xi32, #tpu.memory_space<vmem>>[vector<16xi32>], vector<16xi32>,
        %mul3A_108 = arith.constant 4 : i32
        %mul3A_109 = vector.broadcast %mul3A_108 : i32 to vector<16xi32>
        %mul3A_110 = arith.muli %add3A_100, %mul3A_109 : vector<16xi32>
        %add3A_111 = arith.constant 1 : i32
        %add3A_112 = vector.broadcast %add3A_111 : i32 to vector<16xi32>
        %add3A_113 = arith.addi %mul3A_110, %add3A_112 : vector<16xi32>
        %select_n3A_114 = arith.select %gt3A_58, %shift_right_arithmetic3A_96, %broadcast_in_dim3A_3 : vector<16xi1>, vector<16xi32>
        tpu.vector_store_idx %arg14[%add3A_113], %select_n3A_114 : memref<7680xi32, #tpu.memory_space<vmem>>[vector<16xi32>], vector<16xi32>,
        %mul3A_115 = arith.constant 4 : i32
        %mul3A_116 = vector.broadcast %mul3A_115 : i32 to vector<16xi32>
        %mul3A_117 = arith.muli %add3A_100, %mul3A_116 : vector<16xi32>
        %add3A_118 = arith.constant 2 : i32
        %add3A_119 = vector.broadcast %add3A_118 : i32 to vector<16xi32>
        %add3A_120 = arith.addi %mul3A_117, %add3A_119 : vector<16xi32>
        %select_n3A_121 = arith.select %gt3A_58, %and3A_93, %broadcast_in_dim3A_3 : vector<16xi1>, vector<16xi32>
        tpu.vector_store_idx %arg14[%add3A_120], %select_n3A_121 : memref<7680xi32, #tpu.memory_space<vmem>>[vector<16xi32>], vector<16xi32>,
        %mul3A_122 = arith.constant 4 : i32
        %mul3A_123 = vector.broadcast %mul3A_122 : i32 to vector<16xi32>
        %mul3A_124 = arith.muli %add3A_100, %mul3A_123 : vector<16xi32>
        %add3A_125 = arith.constant 3 : i32
        %add3A_126 = vector.broadcast %add3A_125 : i32 to vector<16xi32>
        %add3A_127 = arith.addi %mul3A_124, %add3A_126 : vector<16xi32>
        %select_n3A_128 = arith.select %gt3A_58, %and3A_88, %broadcast_in_dim3A_3 : vector<16xi1>, vector<16xi32>
        tpu.vector_store_idx %arg14[%add3A_127], %select_n3A_128 : memref<7680xi32, #tpu.memory_space<vmem>>[vector<16xi32>], vector<16xi32>,
        %scan3A_129 = arith.constant 0 : i32
        scf.yield %scan3A_129 : i32
      }
      %scan3A_46 = arith.constant 120 : i32
      "tpu.region"() ({
        %run_scoped3A = tpu.sem_alloc : memref<!tpu.dma_semaphore, #tpu.memory_space<semaphore_mem>>
        %dma_start3A = tpu.memref_slice %arg6[%multiple_of3A_19] : memref<6144000xf32, #tpu.memory_space<hbm>> -> memref<38400xf32, #tpu.memory_space<hbm>>
        %dma_start3A_50 = tpu.memref_slice %arg6[%multiple_of3A_19] : memref<6144000xf32, #tpu.memory_space<hbm>> -> memref<38400xf32, #tpu.memory_space<hbm>>
        tpu.enqueue_dma source(%arg11 : memref<38400xf32, #tpu.memory_space<vmem>>) target(%dma_start3A_50 : memref<38400xf32, #tpu.memory_space<hbm>>) target_semaphore(%run_scoped3A : memref<!tpu.dma_semaphore, #tpu.memory_space<semaphore_mem>>)
        %dma_wait3A = tpu.memref_slice %arg6[%multiple_of3A_19] : memref<6144000xf32, #tpu.memory_space<hbm>> -> memref<38400xf32, #tpu.memory_space<hbm>>
        %dma_wait3A_51 = tpu.memref_slice %arg6[%multiple_of3A_19] : memref<6144000xf32, #tpu.memory_space<hbm>> -> memref<38400xf32, #tpu.memory_space<hbm>>
        tpu.wait_dma2 semaphore(%run_scoped3A : memref<!tpu.dma_semaphore, #tpu.memory_space<semaphore_mem>>) src(%arg11 : memref<38400xf32, #tpu.memory_space<vmem>>) dst(%dma_wait3A_51 : memref<38400xf32, #tpu.memory_space<hbm>>)
        tpu.yield
      }) : () -> ()
      %mul3A_47 = arith.constant 4 : i32
      %mul3A_48 = arith.muli %multiple_of3A, %mul3A_47 : i32
      "tpu.region"() ({
        %run_scoped3A = tpu.sem_alloc : memref<!tpu.dma_semaphore, #tpu.memory_space<semaphore_mem>>
        %dma_start3A = tpu.memref_slice %arg7[%mul3A_48] : memref<1228800xi32, #tpu.memory_space<hbm>> -> memref<7680xi32, #tpu.memory_space<hbm>>
        %dma_start3A_50 = tpu.memref_slice %arg7[%mul3A_48] : memref<1228800xi32, #tpu.memory_space<hbm>> -> memref<7680xi32, #tpu.memory_space<hbm>>
        tpu.enqueue_dma source(%arg14 : memref<7680xi32, #tpu.memory_space<vmem>>) target(%dma_start3A_50 : memref<7680xi32, #tpu.memory_space<hbm>>) target_semaphore(%run_scoped3A : memref<!tpu.dma_semaphore, #tpu.memory_space<semaphore_mem>>)
        %dma_wait3A = tpu.memref_slice %arg7[%mul3A_48] : memref<1228800xi32, #tpu.memory_space<hbm>> -> memref<7680xi32, #tpu.memory_space<hbm>>
        %dma_wait3A_51 = tpu.memref_slice %arg7[%mul3A_48] : memref<1228800xi32, #tpu.memory_space<hbm>> -> memref<7680xi32, #tpu.memory_space<hbm>>
        tpu.wait_dma2 semaphore(%run_scoped3A : memref<!tpu.dma_semaphore, #tpu.memory_space<semaphore_mem>>) src(%arg14 : memref<7680xi32, #tpu.memory_space<vmem>>) dst(%dma_wait3A_51 : memref<7680xi32, #tpu.memory_space<hbm>>)
        tpu.yield
      }) : () -> ()
      "tpu.region"() ({
        %run_scoped3A = tpu.sem_alloc : memref<!tpu.dma_semaphore, #tpu.memory_space<semaphore_mem>>
        %dma_start3A = tpu.memref_slice %arg8[%multiple_of3A] : memref<307200xi32, #tpu.memory_space<hbm>> -> memref<1920xi32, #tpu.memory_space<hbm>>
        %dma_start3A_50 = tpu.memref_slice %arg8[%multiple_of3A] : memref<307200xi32, #tpu.memory_space<hbm>> -> memref<1920xi32, #tpu.memory_space<hbm>>
        tpu.enqueue_dma source(%arg12 : memref<1920xi32, #tpu.memory_space<vmem>>) target(%dma_start3A_50 : memref<1920xi32, #tpu.memory_space<hbm>>) target_semaphore(%run_scoped3A : memref<!tpu.dma_semaphore, #tpu.memory_space<semaphore_mem>>)
        %dma_wait3A = tpu.memref_slice %arg8[%multiple_of3A] : memref<307200xi32, #tpu.memory_space<hbm>> -> memref<1920xi32, #tpu.memory_space<hbm>>
        %dma_wait3A_51 = tpu.memref_slice %arg8[%multiple_of3A] : memref<307200xi32, #tpu.memory_space<hbm>> -> memref<1920xi32, #tpu.memory_space<hbm>>
        tpu.wait_dma2 semaphore(%run_scoped3A : memref<!tpu.dma_semaphore, #tpu.memory_space<semaphore_mem>>) src(%arg12 : memref<1920xi32, #tpu.memory_space<vmem>>) dst(%dma_wait3A_51 : memref<1920xi32, #tpu.memory_space<hbm>>)
        tpu.yield
      }) : () -> ()
      %scan3A_49 = arith.constant 0 : i32
      scf.yield %scan3A_49 : i32
    }
    %scan3A_9 = arith.constant 5 : i32
    return
  }
}

#map = affine_map<(d0, d1) -> (0)>
#map1 = affine_map<(d0, d1) -> (0, 0)>
module attributes {stable_mosaic.version = 14 : i64} {
  func.func @_sc_pad_rows(%arg0: i32, %arg1: i32, %arg2: memref<2001920xf32, #tpu.memory_space<hbm>>, %arg3: memref<400384x8xf32, #tpu.memory_space<hbm>>, %arg4: memref<15640xf32, #tpu.memory_space<vmem>>, %arg5: memref<3128x8xf32, #tpu.memory_space<vmem>>) attributes {dimension_semantics = [#tpu.dimension_semantics<core_parallel>, #tpu.dimension_semantics<subcore_parallel>], iteration_bounds = array<i64: 2, 16>, scalar_prefetch = 0 : i64, scratch_operands = 2 : i64, tpu.core_type = #tpu.core_type<sc_vector_subcore>, window_params = [{transform_indices = #map}, {transform_indices = #map1}]} {
    %mul3A = arith.constant 2 : i32
    %mul3A_0 = arith.muli %arg1, %mul3A : i32
    %add3A = arith.addi %mul3A_0, %arg0 : i32
    %iota3A = tpu.iota {dimensions = array<i32: 0>} : vector<16xi32>
    %and3A = arith.constant 7 : i32
    %and3A_1 = vector.broadcast %and3A : i32 to vector<16xi32>
    %and3A_2 = arith.andi %iota3A, %and3A_1 : vector<16xi32>
    %shift_right_arithmetic3A = arith.constant 3 : i32
    %shift_right_arithmetic3A_3 = vector.broadcast %shift_right_arithmetic3A : i32 to vector<16xi32>
    %shift_right_arithmetic3A_4 = arith.shrsi %iota3A, %shift_right_arithmetic3A_3 : vector<16xi32>
    %broadcast_in_dim3A = arith.constant 0.000000e+00 : f32
    %broadcast_in_dim3A_5 = vector.broadcast %broadcast_in_dim3A : f32 to vector<16xf32>
    %scan3A = arith.constant 0 : i32
    %scan3A_6 = arith.constant 0 : i32
    %scan3A_7 = arith.constant 4 : i32
    %scan3A_8 = arith.addi %scan3A_6, %scan3A_7 : i32
    %scan3A_9 = arith.constant 1 : i32
    %scan3A_10 = scf.for %scan3A_12 = %scan3A_6 to %scan3A_8 step %scan3A_9 iter_args(%scan3A_13 = %scan3A) -> (i32)  : i32 {
      %mul3A_14 = arith.constant 62560 : i32
      %mul3A_15 = arith.muli %add3A, %mul3A_14 : i32
      %mul3A_16 = arith.constant 15640 : i32
      %mul3A_17 = arith.muli %scan3A_12, %mul3A_16 : i32
      %add3A_18 = arith.addi %mul3A_15, %mul3A_17 : i32
      %multiple_of3A = tpu.assume_multiple %add3A_18, 8 : i32
      %mul3A_19 = arith.constant 12512 : i32
      %mul3A_20 = arith.muli %add3A, %mul3A_19 : i32
      %mul3A_21 = arith.constant 3128 : i32
      %mul3A_22 = arith.muli %scan3A_12, %mul3A_21 : i32
      %add3A_23 = arith.addi %mul3A_20, %mul3A_22 : i32
      %multiple_of3A_24 = tpu.assume_multiple %add3A_23, 8 : i32
      "tpu.region"() ({
        %run_scoped3A = tpu.sem_alloc : memref<!tpu.dma_semaphore, #tpu.memory_space<semaphore_mem>>
        %dma_start3A = tpu.memref_slice %arg2[%multiple_of3A] : memref<2001920xf32, #tpu.memory_space<hbm>> -> memref<15640xf32, #tpu.memory_space<hbm>>
        %dma_start3A_33 = tpu.memref_slice %arg2[%multiple_of3A] : memref<2001920xf32, #tpu.memory_space<hbm>> -> memref<15640xf32, #tpu.memory_space<hbm>>
        tpu.enqueue_dma source(%dma_start3A_33 : memref<15640xf32, #tpu.memory_space<hbm>>) target(%arg4 : memref<15640xf32, #tpu.memory_space<vmem>>) target_semaphore(%run_scoped3A : memref<!tpu.dma_semaphore, #tpu.memory_space<semaphore_mem>>)
        %dma_wait3A = tpu.memref_slice %arg2[%multiple_of3A] : memref<2001920xf32, #tpu.memory_space<hbm>> -> memref<15640xf32, #tpu.memory_space<hbm>>
        %dma_wait3A_34 = tpu.memref_slice %arg2[%multiple_of3A] : memref<2001920xf32, #tpu.memory_space<hbm>> -> memref<15640xf32, #tpu.memory_space<hbm>>
        tpu.wait_dma2 semaphore(%run_scoped3A : memref<!tpu.dma_semaphore, #tpu.memory_space<semaphore_mem>>) src(%dma_wait3A_34 : memref<15640xf32, #tpu.memory_space<hbm>>) dst(%arg4 : memref<15640xf32, #tpu.memory_space<vmem>>)
        tpu.yield
      }) : () -> ()
      %scan3A_25 = arith.constant 0 : i32
      %scan3A_26 = arith.constant 0 : i32
      %scan3A_27 = arith.constant 1564 : i32
      %scan3A_28 = arith.addi %scan3A_26, %scan3A_27 : i32
      %scan3A_29 = arith.constant 4 : i32
      %scan3A_30 = scf.for %scan3A_33 = %scan3A_26 to %scan3A_28 step %scan3A_29 iter_args(%scan3A_34 = %scan3A_25) -> (i32)  : i32 {
        %mul3A_35 = arith.constant 2 : i32
        %mul3A_36 = arith.muli %scan3A_33, %mul3A_35 : i32
        %add3A_37 = vector.broadcast %mul3A_36 : i32 to vector<16xi32>
        %add3A_38 = arith.addi %add3A_37, %shift_right_arithmetic3A_4 : vector<16xi32>
        %mul3A_39 = arith.constant 5 : i32
        %mul3A_40 = vector.broadcast %mul3A_39 : i32 to vector<16xi32>
        %mul3A_41 = arith.muli %add3A_38, %mul3A_40 : vector<16xi32>
        %add3A_42 = arith.addi %mul3A_41, %and3A_2 : vector<16xi32>
        %min3A = arith.constant 15639 : i32
        %min3A_43 = vector.broadcast %min3A : i32 to vector<16xi32>
        %min3A_44 = arith.minsi %add3A_42, %min3A_43 : vector<16xi32>
        %gather3A = tpu.vector_load_idx %arg4[%min3A_44] : memref<15640xf32, #tpu.memory_space<vmem>>[vector<16xi32>], vector<16xf32>,
        %lt3A = arith.constant 5 : i32
        %lt3A_45 = vector.broadcast %lt3A : i32 to vector<16xi32>
        %lt3A_46 = arith.cmpi slt, %and3A_2, %lt3A_45 : vector<16xi32>
        %select_n3A = arith.select %lt3A_46, %gather3A, %broadcast_in_dim3A_5 : vector<16xi1>, vector<16xf32>
        tpu.vector_store_idx %arg5[%add3A_38, %and3A_2], %select_n3A : memref<3128x8xf32, #tpu.memory_space<vmem>>[vector<16xi32>, vector<16xi32>], vector<16xf32>,
        %scan3A_47 = arith.constant 0 : i32
        %scan3A_48 = arith.constant 1 : i32
        %scan3A_49 = arith.addi %scan3A_33, %scan3A_48 : i32
        %mul3A_50 = arith.constant 2 : i32
        %mul3A_51 = arith.muli %scan3A_49, %mul3A_50 : i32
        %add3A_52 = vector.broadcast %mul3A_51 : i32 to vector<16xi32>
        %add3A_53 = arith.addi %add3A_52, %shift_right_arithmetic3A_4 : vector<16xi32>
        %mul3A_54 = arith.constant 5 : i32
        %mul3A_55 = vector.broadcast %mul3A_54 : i32 to vector<16xi32>
        %mul3A_56 = arith.muli %add3A_53, %mul3A_55 : vector<16xi32>
        %add3A_57 = arith.addi %mul3A_56, %and3A_2 : vector<16xi32>
        %min3A_58 = arith.constant 15639 : i32
        %min3A_59 = vector.broadcast %min3A_58 : i32 to vector<16xi32>
        %min3A_60 = arith.minsi %add3A_57, %min3A_59 : vector<16xi32>
        %gather3A_61 = tpu.vector_load_idx %arg4[%min3A_60] : memref<15640xf32, #tpu.memory_space<vmem>>[vector<16xi32>], vector<16xf32>,
        %lt3A_62 = arith.constant 5 : i32
        %lt3A_63 = vector.broadcast %lt3A_62 : i32 to vector<16xi32>
        %lt3A_64 = arith.cmpi slt, %and3A_2, %lt3A_63 : vector<16xi32>
        %select_n3A_65 = arith.select %lt3A_64, %gather3A_61, %broadcast_in_dim3A_5 : vector<16xi1>, vector<16xf32>
        tpu.vector_store_idx %arg5[%add3A_53, %and3A_2], %select_n3A_65 : memref<3128x8xf32, #tpu.memory_space<vmem>>[vector<16xi32>, vector<16xi32>], vector<16xf32>,
        %scan3A_66 = arith.constant 0 : i32
        %scan3A_67 = arith.constant 2 : i32
        %scan3A_68 = arith.addi %scan3A_33, %scan3A_67 : i32
        %mul3A_69 = arith.constant 2 : i32
        %mul3A_70 = arith.muli %scan3A_68, %mul3A_69 : i32
        %add3A_71 = vector.broadcast %mul3A_70 : i32 to vector<16xi32>
        %add3A_72 = arith.addi %add3A_71, %shift_right_arithmetic3A_4 : vector<16xi32>
        %mul3A_73 = arith.constant 5 : i32
        %mul3A_74 = vector.broadcast %mul3A_73 : i32 to vector<16xi32>
        %mul3A_75 = arith.muli %add3A_72, %mul3A_74 : vector<16xi32>
        %add3A_76 = arith.addi %mul3A_75, %and3A_2 : vector<16xi32>
        %min3A_77 = arith.constant 15639 : i32
        %min3A_78 = vector.broadcast %min3A_77 : i32 to vector<16xi32>
        %min3A_79 = arith.minsi %add3A_76, %min3A_78 : vector<16xi32>
        %gather3A_80 = tpu.vector_load_idx %arg4[%min3A_79] : memref<15640xf32, #tpu.memory_space<vmem>>[vector<16xi32>], vector<16xf32>,
        %lt3A_81 = arith.constant 5 : i32
        %lt3A_82 = vector.broadcast %lt3A_81 : i32 to vector<16xi32>
        %lt3A_83 = arith.cmpi slt, %and3A_2, %lt3A_82 : vector<16xi32>
        %select_n3A_84 = arith.select %lt3A_83, %gather3A_80, %broadcast_in_dim3A_5 : vector<16xi1>, vector<16xf32>
        tpu.vector_store_idx %arg5[%add3A_72, %and3A_2], %select_n3A_84 : memref<3128x8xf32, #tpu.memory_space<vmem>>[vector<16xi32>, vector<16xi32>], vector<16xf32>,
        %scan3A_85 = arith.constant 0 : i32
        %scan3A_86 = arith.constant 3 : i32
        %scan3A_87 = arith.addi %scan3A_33, %scan3A_86 : i32
        %mul3A_88 = arith.constant 2 : i32
        %mul3A_89 = arith.muli %scan3A_87, %mul3A_88 : i32
        %add3A_90 = vector.broadcast %mul3A_89 : i32 to vector<16xi32>
        %add3A_91 = arith.addi %add3A_90, %shift_right_arithmetic3A_4 : vector<16xi32>
        %mul3A_92 = arith.constant 5 : i32
        %mul3A_93 = vector.broadcast %mul3A_92 : i32 to vector<16xi32>
        %mul3A_94 = arith.muli %add3A_91, %mul3A_93 : vector<16xi32>
        %add3A_95 = arith.addi %mul3A_94, %and3A_2 : vector<16xi32>
        %min3A_96 = arith.constant 15639 : i32
        %min3A_97 = vector.broadcast %min3A_96 : i32 to vector<16xi32>
        %min3A_98 = arith.minsi %add3A_95, %min3A_97 : vector<16xi32>
        %gather3A_99 = tpu.vector_load_idx %arg4[%min3A_98] : memref<15640xf32, #tpu.memory_space<vmem>>[vector<16xi32>], vector<16xf32>,
        %lt3A_100 = arith.constant 5 : i32
        %lt3A_101 = vector.broadcast %lt3A_100 : i32 to vector<16xi32>
        %lt3A_102 = arith.cmpi slt, %and3A_2, %lt3A_101 : vector<16xi32>
        %select_n3A_103 = arith.select %lt3A_102, %gather3A_99, %broadcast_in_dim3A_5 : vector<16xi1>, vector<16xf32>
        tpu.vector_store_idx %arg5[%add3A_91, %and3A_2], %select_n3A_103 : memref<3128x8xf32, #tpu.memory_space<vmem>>[vector<16xi32>, vector<16xi32>], vector<16xf32>,
        %scan3A_104 = arith.constant 0 : i32
        scf.yield %scan3A_104 : i32
      }
      %scan3A_31 = arith.constant 1564 : i32
      "tpu.region"() ({
        %run_scoped3A = tpu.sem_alloc : memref<!tpu.dma_semaphore, #tpu.memory_space<semaphore_mem>>
        %dma_start3A = arith.constant 0 : i32
        %dma_start3A_33 = tpu.memref_slice %arg3[%multiple_of3A_24, %dma_start3A] : memref<400384x8xf32, #tpu.memory_space<hbm>> -> memref<3128x8xf32, #tpu.memory_space<hbm>>
        %dma_start3A_34 = arith.constant 0 : i32
        %dma_start3A_35 = tpu.memref_slice %arg3[%multiple_of3A_24, %dma_start3A_34] : memref<400384x8xf32, #tpu.memory_space<hbm>> -> memref<3128x8xf32, #tpu.memory_space<hbm>>
        tpu.enqueue_dma source(%arg5 : memref<3128x8xf32, #tpu.memory_space<vmem>>) target(%dma_start3A_35 : memref<3128x8xf32, #tpu.memory_space<hbm>>) target_semaphore(%run_scoped3A : memref<!tpu.dma_semaphore, #tpu.memory_space<semaphore_mem>>)
        %dma_wait3A = arith.constant 0 : i32
        %dma_wait3A_36 = tpu.memref_slice %arg3[%multiple_of3A_24, %dma_wait3A] : memref<400384x8xf32, #tpu.memory_space<hbm>> -> memref<3128x8xf32, #tpu.memory_space<hbm>>
        %dma_wait3A_37 = arith.constant 0 : i32
        %dma_wait3A_38 = tpu.memref_slice %arg3[%multiple_of3A_24, %dma_wait3A_37] : memref<400384x8xf32, #tpu.memory_space<hbm>> -> memref<3128x8xf32, #tpu.memory_space<hbm>>
        tpu.wait_dma2 semaphore(%run_scoped3A : memref<!tpu.dma_semaphore, #tpu.memory_space<semaphore_mem>>) src(%arg5 : memref<3128x8xf32, #tpu.memory_space<vmem>>) dst(%dma_wait3A_38 : memref<3128x8xf32, #tpu.memory_space<hbm>>)
        tpu.yield
      }) : () -> ()
      %scan3A_32 = arith.constant 0 : i32
      scf.yield %scan3A_32 : i32
    }
    %scan3A_11 = arith.constant 4 : i32
    return
  }
}

</mosaic_0001>

<sc_bundles>
// kernel: kernel.4.cloned.1.call-start
scs
__scs_entry_jumppad:
0x0: {  	(pc) =	sbr.rel $0x88, $3  }
0x1: {  	(tag) =	ssettag $0x0;
	lr =	simm.s32 $0x1  }
0x2: {  	[smem:$0x3FA0] =	sst lr;
	_ =	strace $0xD0000000  }
0x3: {  	_ = 	snop  }
0x4: {  	_ = 	snop  }
0x5: {  	_ = 	snop  }
0x6: {  	_ = 	snop  }
0x7: {  	_ = 	snop  }
__scs_overlays_trampoline_lowered:
0x8: {  	[smem:$0x3FAF] =	sst s0  }
0x9: {  	[smem:$0x3FB0] =	sst s1  }
0xa: {  	[smem:$0x3FB1] =	sst s2  }
0xb: {  	[smem:$0x3FB2] =	sst s3  }
0xc: {  	[smem:$0x3FB3] =	sst s4  }
0xd: {  	[smem:$0x3FB4] =	sst s5  }
0xe: {  	[smem:$0x3FB5] =	sst s6  }
0xf: {  	[smem:$0x3FB6] =	sst s7  }
0x10: {  	[smem:$0x3FB7] =	sst s8  }
0x11: {  	[smem:$0x3FB8] =	sst s9;
	s0 =	simm.s32 @!p0 $0x0  }
0x12: {  	s1 =	sld [smem:$0x3F9E];
	s0 =	simm.s32 @p0 $0x1  }
0x13: {  	[smem:$0x3FB9] =	sst s0;
	s0 =	simm.s32 @!p1 $0x0  }
0x14: {  	s2 =	sld [smem:$0x3F9D];
	s0 =	simm.s32 @p1 $0x1  }
0x15: {  	[smem:$0x3FBA] =	sst s0;
	s0 =	simm.s32 @!p2 $0x0  }
0x16: {  	s3 =	sld [smem:$0x3FDB];
	s0 =	simm.s32 @p2 $0x1  }
0x17: {  	s4 =	simm.s32 $0x1BF5;
	[smem:$0x3FBC] =	sst s0  }
0x18: {  	s0 =	sld [smem:$0x3F9F];
	_ =	swait.ge [sflag:s4], $0x0  }
0x19: {  	s7 =	sld [smem:$0x3FA0]  }
0x1a: {  	s8 =	sadd.s32 $0xFFFFE003, lr  }
0x1b: {  	s9 =	sadd.s32 $0xFFFFFEF7, lr;
	s5 =	simm.s32 $0xFFFFFFFF;
	p2 =	slt.u32 s8, $0xFFFFF086  }
0x1c: {  	p1 =	slt.u32 s9, $0xF7A;
	s5 =	simm.s32 @!p2 $0x0  }
0x1d: {  	s5 =	simm.s32 @p1 $0x1;
	p0 =	seq.s32 s7, s2  }
0x1e: {  	s7 =	smul.u32 @!p0 $0xF7A, s2;
	p2 =	seq.s32 @!p0 s5, $0x0  }
0x1f: {  	s9 =	smul.u32 $0xF7A, s1;
	s8 =	simm.s32 @!p0 $0x1BF5;
	p2 =	por !p2, p0  }
0x20: {  	[sflag:s8] =	ssyncset.s32 @!p0 $0xFFFFF086;
	s6 =	sadd.s32 @!p0 s3, s7;
	s7 =	simm.s32 @!p0 $0x108  }
0x21: {  	s3 =	sadd.s32 s3, s9;
	s6 =	sadd.s32 @!p0 $0x88, s6;
	s7 =	simm.s32 @p2 $0x1082  }
0x22: {  	[simem:s7], [sflag:s8] =	dma.local @!p0 [hbm:s6], $0xF7A  }
0x23: {  	s9 =	sor.u32 $0xD0000000, s2;
	s6 =	simm.s32 $0x108;
	_ =	swait.ge @!p0 [sflag:s8], $0x0  }
0x24: {  	s3 =	sadd.s32 $0x88, s3;
	s6 =	simm.s32 @!p1 $0x1082;
	[sflag:s4] =	ssyncset.s32 $0xFFFFF086  }
0x25: {  	[simem:s6], [sflag:s4] =	dma.local [hbm:s3], $0xF7A  }
0x26: {  	[smem:$0x3FA0] =	sst s1;
	(tag) =	ssettag s2;
	_ =	strace s9  }
0x27: {  	s1 =	sld [smem:$0x3FB0]  }
0x28: {  	s2 =	sld [smem:$0x3FB1]  }
0x29: {  	s4 =	sld [smem:$0x3FB3]  }
0x2a: {  	p0 =	seq.s32 s5, $0x0;
	s5 =	sld [smem:$0x3FB4]  }
0x2b: {  	s6 =	sld [smem:$0x3FB5]  }
0x2c: {  	s7 =	sld [smem:$0x3FB6]  }
0x2d: {  	s3 =	simm.s32 $0x108;
	s8 =	sld [smem:$0x3FB7]  }
0x2e: {  	s3 =	simm.s32 @!p0 $0x1082;
	s9 =	sld [smem:$0x3FB8]  }
0x2f: {  	lr =	sadd.s32 s0, s3;
	s0 =	sld [smem:$0x3FAF]  }
0x30: {  	s3 =	sld [smem:$0x3FB2]  }
0x31: {  	[smem:$0x3FBB] =	sst s10  }
0x32: {  	s10 =	sld [smem:$0x3FB9];
	_ =	sdelay $0x3  }
0x33: {  	p0 =	seq.s32 s10, $0x1;
	s10 =	sld [smem:$0x3FBB];
	_ =	sdelay $0x3  }
0x34: {  	[smem:$0x3FBB] =	sst s10  }
0x35: {  	s10 =	sld [smem:$0x3FBA];
	_ =	sdelay $0x3  }
0x36: {  	p1 =	seq.s32 s10, $0x1;
	s10 =	sld [smem:$0x3FBB];
	_ =	sdelay $0x3  }
0x37: {  	[smem:$0x3FBB] =	sst s10  }
0x38: {  	s10 =	sld [smem:$0x3FBC]  }
0x39: {  	_ = 	snop;
	(pc) =	sbr.ind lr, $3  }
0x3a: {  	_ = 	snop  }
0x3b: {  	_ = 	snop  }
0x3c: {  	p2 =	seq.s32 s10, $0x1;
	s10 =	sld [smem:$0x3FBB]  }
0x3d: {  	_ =	shalt  }
0x3e: {  	_ =	shalt  }
0x3f: {  	_ =	shalt  }
0x40: {  	_ =	shalt  }
0x41: {  	_ =	shalt  }
0x42: {  	_ =	shalt  }
0x43: {  	_ =	shalt  }
0x44: {  	_ =	shalt  }
0x45: {  	_ =	shalt  }
0x46: {  	_ =	shalt  }
0x47: {  	_ =	shalt  }
0x48: {  	_ =	shalt  }
0x49: {  	_ =	shalt  }
0x4a: {  	_ =	shalt  }
0x4b: {  	_ =	shalt  }
0x4c: {  	_ =	shalt  }
0x4d: {  	_ =	shalt  }
0x4e: {  	_ =	shalt  }
0x4f: {  	_ =	shalt  }
0x50: {  	_ =	shalt  }
0x51: {  	_ =	shalt  }
0x52: {  	_ =	shalt  }
0x53: {  	_ =	shalt  }
0x54: {  	_ =	shalt  }
0x55: {  	_ =	shalt  }
0x56: {  	_ =	shalt  }
0x57: {  	_ =	shalt  }
0x58: {  	_ =	shalt  }
0x59: {  	_ =	shalt  }
0x5a: {  	_ =	shalt  }
0x5b: {  	_ =	shalt  }
0x5c: {  	_ =	shalt  }
0x5d: {  	_ =	shalt  }
0x5e: {  	_ =	shalt  }
0x5f: {  	_ =	shalt  }
0x60: {  	_ =	shalt  }
0x61: {  	_ =	shalt  }
0x62: {  	_ =	shalt  }
0x63: {  	_ =	shalt  }
0x64: {  	_ =	shalt  }
0x65: {  	_ =	shalt  }
0x66: {  	_ =	shalt  }
0x67: {  	_ =	shalt  }
0x68: {  	_ =	shalt  }
0x69: {  	_ =	shalt  }
0x6a: {  	_ =	shalt  }
0x6b: {  	_ =	shalt  }
0x6c: {  	_ =	shalt  }
0x6d: {  	_ =	shalt  }
0x6e: {  	_ =	shalt  }
0x6f: {  	_ =	shalt  }
0x70: {  	_ =	shalt  }
0x71: {  	_ =	shalt  }
0x72: {  	_ =	shalt  }
0x73: {  	_ =	shalt  }
0x74: {  	_ =	shalt  }
0x75: {  	_ =	shalt  }
0x76: {  	_ =	shalt  }
0x77: {  	_ =	shalt  }
0x78: {  	_ =	shalt  }
0x79: {  	_ =	shalt  }
0x7a: {  	_ =	shalt  }
0x7b: {  	_ =	shalt  }
0x7c: {  	_ =	shalt  }
0x7d: {  	_ =	shalt  }
0x7e: {  	_ =	shalt  }
0x7f: {  	_ =	shalt  }
0x80: {  	_ =	shalt  }
0x81: {  	_ =	shalt  }
0x82: {  	_ =	shalt  }
0x83: {  	_ =	shalt  }
0x84: {  	_ =	shalt  }
0x85: {  	_ =	shalt  }
0x86: {  	_ =	shalt  }
0x87: {  	_ =	shalt  }
.Lfunc_end0:
.L_simem_size_0:
called_computation.3_lowered:
.L_overlay_start_0:
0x88: {  	s2 =	sld [smem:$0x3FD9]  }
0x89: {  	s3 =	sld [smem:$0x3FFE];
	_ =	sdelay $0x1  }
0x8a: {  	s1 =	srdreg.scid  }
0x8b: {  	s0 =	sand.u32 $0x1, s1  }
0x8c: {  	s15 =	sshll.u32 s0, $0xA;
	s2 =	sadd.s32 s3, s2  }
0x8d: {  	s2 =	sadd.s32 s2, s15  }
0x8e: {  	[smem:$0x3FC7] =	sst s2  }
0x8f: {  	_ = 	snop  }
0x90: {  	s2 =	sld [smem:$0x3FD0];
	_ =	sdelay $0x2  }
0x91: {  	s16 =	simm.s32 $0xF;
	s4 =	simm.s32 $0x10  }
0x92: {  	[smem:s4], [sflag:s16] =	dma.local [hbm:s2], $0x1  }
0x93: {  	_ =	swait.eq [sflag:s16], $0x1  }
0x94: {  	[sflag:s16] =	ssyncset.done $0x0  }
0x95: {  	[sflag:s16] =	ssyncadd.s32 $0xFFFFFFFF  }
0x96: {  	s17 =	sld [smem:$0x10];
	(tm) =	ssettm $0x1  }
0x97: {  	s18 =	sld [smem:$0x3FFB];
	_ =	sdelay $0x3  }
0x98: {  	_ =	strace s18  }
0x99: {  	s2 =	sld [smem:$0x3FFC];
	_ =	sdelay $0x3  }
0x9a: {  	_ =	strace s2  }
0x9b: {  	s2 =	sld [smem:$0x3FFD];
	_ =	sdelay $0x3  }
0x9c: {  	_ =	strace s2  }
0x9d: {  	_ =	strace $0x8FFFFFFF  }
0x9e: {  	s19 =	sld [smem:$0x3FDB];
	_ =	sdelay $0x1  }
0x9f: {  	s20 =	simm.s32 $_scs_section_size  }
0xa0: {  	s5 =	simm.s32 $_size__tile_overlayer_lowered;
	s6 =	simm.s32 $_tile_overlayer_lowered  }
0xa1: {  	s7 =	simm.s32 $0x1BFF;
	s21 =	sshll.u32 s6, $0x1;
	s4 =	sadd.s32 s20, s19  }
0xa2: {  	s22 =	simm.s32 $0x0;
	s5 =	sshll.u32 s5, $0x1;
	s6 =	sadd.s32 s21, s4  }
0xa3: {  	[timem:s22], [sflag:s7] =	dma.local [hbm:s6], s5  }
0xa4: {  	_ =	swait.ge [sflag:s7], s5  }
0xa5: {  	s5 =	ssub.s32 $0x0, s5;
	[sflag:s7] =	ssyncset.done $0x0  }
0xa6: {  	[sflag:s7] =	ssyncadd.s32 s5;
	_ =	sdelay $0x1  }
0xa7: {  	s23 =	simm.s32 $0x1B8B  }
0xa8: {  	_ =	swait.ge [sflag:s23], $0x1  }
0xa9: {  	[sflag:s23] =	ssyncset.done $0x0  }
0xaa: {  	[sflag:s23] =	ssyncadd.s32 $0xFFFFFFFF  }
0xab: {  	s5 =	sld [smem:$0x0]  }
0xac: {  	s6 =	sand.u32 $0xFFFFFFFE, s1  }
0xad: {  	p0 =	sne.s32 s1, s6  }
0xae: {  	s6 =	sshll.u32 @p0 s6, $0xE  }
0xaf: {  	s6 =	sadd.s32 @p0 $0x11B8D, s6;
	s7 =	sshll.u32 @p0 s5, $0x11  }
0xb0: {  	s6 =	sor.u32 @p0 s7, s6  }
0xb1: {  	[sflag:s6] =	ssyncadd.remote.s32 @p0 $0x1;
	_ =	sdelay $0x1  }
0xb2: {  	s6 =	simm.s32 @p0 $0x1B8D  }
0xb3: {  	_ =	swait.eq @p0 [sflag:s6], $0x1  }
0xb4: {  	[sflag:s6] =	ssyncadd.s32 @p0 $0xFFFFFFFF  }
0xb5: {  	s7 =	sshll.u32 @!p0 s1, $0xE  }
0xb6: {  	s7 =	sor.u32 @!p0 $0x4000, s7;
	s6 =	simm.s32 @!p0 $0x1B8D  }
0xb7: {  	s5 =	sshll.u32 @!p0 s5, $0x11;
	s7 =	sadd.s32 @!p0 $0x11B8D, s7;
	_ =	swait.eq @!p0 [sflag:s6], $0x1  }
0xb8: {  	s5 =	sor.u32 @!p0 s5, s7;
	[sflag:s6] =	ssyncadd.s32 @!p0 $0xFFFFFFFF  }
0xb9: {  	s25 =	simm.s32 $0x1B8E;
	s24 =	sld [smem:$0x3FFE];
	[sflag:s5] =	ssyncadd.remote.s32 @!p0 $0x1  }
0xba: {  	s26 =	simm.s32 $execute0_lowered;
	[smem:$0x3FD2] =	sst s25  }
0xbb: {  	s6 =	sshll.u32 s26, $0x1;
	_ =	strace $0x80000055;
	[dreg:$0x1] =	wrdreg $0xFFFFFFFF  }
0xbc: {  	s28 =	simm.s32 $_size_execute0_lowered;
	s4 =	sadd.s32 s4, s6;
	[dreg:$0x0] =	wrdreg $0x0  }
0xbd: {  	s6 =	sshll.u32 s28, $0x1;
	[dreg:$0x2] =	wrdreg s4  }
0xbe: {  	[dreg:$0x3] =	wrdreg s6  }
0xbf: {  	[dreg:$0x4] =	wrdreg $0xC0  }
0xc0: {  	_ =	task [dreg:s22], $0x5FFFF  }
0xc1: {  	[dreg:$0x1] =	wrdreg $0xFFFFFFFF  }
0xc2: {  	[dreg:$0x0] =	wrdreg $0x60  }
0xc3: {  	[dreg:$0x2] =	wrdreg s24  }
0xc4: {  	[dreg:$0x3] =	wrdreg s17  }
0xc5: {  	[dreg:$0x4] =	wrdreg $0xE  }
0xc6: {  	_ =	task.clear_ibuf [dreg:s22], $0x5FFFF;
	_ =	strace $0x90000055  }
0xc7: {  	s29 =	simm.s32 $0xE;
	_ =	strace $0x80000057  }
0xc8: {  	_ =	swait.ge [sflag:s29], $0x1  }
0xc9: {  	[sflag:s29] =	ssyncadd.s32 $0xFFFFFFFF  }
0xca: {  	_ =	strace $0x90000057  }
0xcb: {  	_ =	sfence  }
0xcc: {  	s30 =	sld [smem:$0x0];
	_ =	sdelay $0x2  }
0xcd: {  	s31 =	sshll.u32 s1, $0xD;
	s1 =	sshrl.u32 s1, $0x2  }
0xce: {  	s4 =	sand.u32 $0x4000, s31;
	s1 =	sadd.s32 s1, s30  }
0xcf: {  	s0 =	sor.u32 s4, s0;
	s1 =	sshll.u32 s1, $0x11  }
0xd0: {  	s0 =	sor.u32 s1, s0  }
0xd1: {  	s0 =	sadd.s32 $0x8F2B, s0  }
0xd2: {  	[sflag:s0] =	ssyncadd.remote.s32 $0x1  }
0xd3: {  	_ =	sfence.sel $0xFFFF  }
0xd4: {  	[dreg:$0x0] =	wrdreg $0xFFFFFFFF;
	(pc) =	sbr.abs _section_cstart, $3  }
0xd5: {  	[dreg:$0x1] =	wrdreg $0xFFFFFFFF  }
0xd6: {  	_ =	task.clear_ibuf [dreg:s22], $0x2FFFF;
	_ =	strace $0x9FFFFFFF  }
0xd7: {  	(tm) =	ssettm $0x7FFFFFFF  }
tec
execute0_lowered:
.L_overlay_start_1:
0x0: {  	(tag) =	ssettag $0x1  }
0x1: {  	s3 =	rddreg [dreg:$0x0]  }
0x2: {  	s5 =	rddreg [dreg:$0x1]  }
0x3: {  	s2 =	srdreg.scid;
	s1 =	stileid.u32  }
0x4: {  	s0 =	rddreg [dreg:$0x2];
	s9 =	simm.s32 $0x0;
	s4 =	sand.u32 $0x1, s2  }
0x5: {  	s6 =	sshll.u32 s1, $0x1;
	s2 =	simm.s32 $0x0;
	s3 =	sadd.s32 $0x88C00, s3  }
0x6: {  	s7 =	ssub.s32 $0x2, s4;
	s4 =	sor.u32 s4, s6;
	[smem:$0x7FF] =	sst s2  }
0x7: {  	s31 =	sshrl.u32 s7, $0x1;
	s8 =	smul.u32 $0x30E0, s4;
	_ =	strace $0x80000056  }
0x8: {  	v1 =	vlaneseq.u32;
	vm0 =	vcmask $0x3320;
	vm1 =	vcmask $0x1300;
	s4 =	smul.u32 $0xF460, s4;
	s6 =	ssub.s32 s7, s31;
	s7 =	simm.s32 $0x1  }
0x9: {  	v0 =	vshrl.u32 v1, $0x3;
	v1 =	vand.u32 $0x7, v1;
	vm0 =	vmor vm1, vm0;
	s5 =	sadd.s32 s5, s8;
	s6 =	smax.u32 s6, $0x1;
	s8 =	simm.s32 $0x3D18  }
.LBB2_1:
0xa: {  	s10 =	simm.s32 $0x0  }
.LBB2_2:
0xb: {  	s11 =	simm.s32 $0x0  }
0xc: {  	s12 =	smul.u32 $0x3D18, s10;
	v2 =	vor.u32 s11, v0  }
0xd: {  	v3 =	vmul.u32 $0x5, v2  }
0xe: {  	s26 =	sadd.s32 s4, s12  }
0xf: {  	s11 =	sshrl.u32 s26, $0x3;
	v3 =	vadd.s32 v1, v3  }
0x10: {  	s11 =	sadd.s32 s3, s11;
	v3 =	vmin.u32 v3, $0x3D17  }
0x11: {  	[tilespmem:s2], [sflag:$0x1] =	stream.linear.gather [hbm4b:s11+s2], $0x3D18, $0x38;
	[tilespmem:$0x9ED8] =	vst v63  }
0x12: {  	s28 =	simm.s32 $0x2;
	_ =	swait.ge [sflag:s7], $0x3D18  }
0x13: {  	v4 =	vor.u32 s28, v0;
	[sflag:s7] =	ssyncset.done $0x0  }
0x14: {  	v5 =	vmul.u32 $0x5, v4;
	[sflag:s7] =	ssyncadd.s32 $0xFFFFC2E8  }
0x15: {  	v2 =	vshll.u32 v2, $0x3;
	v3 =	vld.idx.msk [tilespmem:v3+s2+$0x0], $0xffff  }
0x16: {  	v2 =	vor.u32 v1, v2;
	v5 =	vadd.s32 v1, v5  }
0x17: {  	v5 =	vmin.u32 v5, $0x3D17;
	_ =	sdelay $0x1  }
0x18: {  	s29 =	simm.s32 $0x4  }
0x19: {  	v6 =	vor.u32 s29, v0;
	v3 =	vnsel vm0, $0x0, v3  }
0x1a: {  	[tilespmem:v2+s8+$0x0] =	vst.idx.msk $0xffff, v3;
	v2 =	vmul.u32 $0x5, v6  }
0x1b: {  	v4 =	vshll.u32 v4, $0x3;
	v3 =	vld.idx.msk [tilespmem:v5+s2+$0x0], $0xffff  }
0x1c: {  	v4 =	vor.u32 v1, v4;
	v2 =	vadd.s32 v1, v2  }
0x1d: {  	v2 =	vmin.u32 v2, $0x3D17;
	_ =	sdelay $0x1  }
0x1e: {  	s30 =	simm.s32 $0x6  }
0x1f: {  	v5 =	vor.u32 s30, v0;
	v3 =	vnsel vm0, $0x0, v3  }
0x20: {  	[tilespmem:v4+s8+$0x0] =	vst.idx.msk $0xffff, v3;
	v3 =	vmul.u32 $0x5, v5  }
0x21: {  	v4 =	vshll.u32 v6, $0x3;
	v2 =	vld.idx.msk [tilespmem:v2+s2+$0x0], $0xffff  }
0x22: {  	v4 =	vor.u32 v1, v4;
	v3 =	vadd.s32 v1, v3  }
0x23: {  	v3 =	vmin.u32 v3, $0x3D17;
	_ =	sdelay $0x2  }
0x24: {  	s31 =	simm.s32 $0x8;
	v2 =	vnsel vm0, $0x0, v2  }
0x25: {  	[tilespmem:v4+s8+$0x0] =	vst.idx.msk $0xffff, v2;
	v2 =	vor.u32 s31, v0  }
0x26: {  	v6 =	vld.idx.msk [tilespmem:v3+s2+$0x0], $0xffff;
	v3 =	vmul.u32 $0x5, v2  }
0x27: {  	v4 =	vshll.u32 v5, $0x3  }
0x28: {  	v4 =	vor.u32 v1, v4;
	v3 =	vadd.s32 v1, v3  }
0x29: {  	v3 =	vmin.u32 v3, $0x3D17;
	_ =	sdelay $0x2  }
0x2a: {  	s13 =	simm.s32 $0xA;
	s12 =	simm.s32 $0x4;
	s11 =	simm.s32 $0xE;
	v2 =	vshll.u32 v2, $0x3;
	v5 =	vnsel vm0, $0x0, v6  }
.LBB2_3:
0x2b: {  	s12 =	sadd.s32 $0x4, s12;
	v6 =	vor.u32 s13, v0;
	[tilespmem:v4+s8+$0x0] =	vst.idx.msk $0xffff, v5  }
0x2c: {  	p0 =	slt.u32 s12, $0x618;
	v3 =	vld.idx.msk [tilespmem:v3+s2+$0x0], $0xffff;
	v4 =	vmul.u32 $0x5, v6;
	_ =	sdelay $0x1  }
0x2d: {  	v2 =	vor.u32 v1, v2;
	v4 =	vadd.s32 v1, v4  }
0x2e: {  	v4 =	vmin.u32 v4, $0x3D17;
	_ =	sdelay $0x2  }
0x2f: {  	s13 =	sadd.s32 $0xFFFFFFFE, s11;
	v3 =	vnsel vm0, $0x0, v3  }
0x30: {  	[tilespmem:v2+s8+$0x0] =	vst.idx.msk $0xffff, v3;
	v2 =	vor.u32 s13, v0  }
0x31: {  	v3 =	vld.idx.msk [tilespmem:v4+s2+$0x0], $0xffff;
	v4 =	vmul.u32 $0x5, v2;
	v2 =	vshll.u32 v2, $0x3  }
0x32: {  	v5 =	vshll.u32 v6, $0x3  }
0x33: {  	v5 =	vor.u32 v1, v5;
	v4 =	vadd.s32 v1, v4  }
0x34: {  	v4 =	vmin.u32 v4, $0x3D17;
	_ =	sdelay $0x2  }
0x35: {  	v3 =	vnsel vm0, $0x0, v3  }
0x36: {  	[tilespmem:v5+s8+$0x0] =	vst.idx.msk $0xffff, v3;
	v3 =	vor.u32 s11, v0  }
0x37: {  	v4 =	vld.idx.msk [tilespmem:v4+s2+$0x0], $0xffff;
	v5 =	vmul.u32 $0x5, v3;
	v3 =	vshll.u32 v3, $0x3;
	_ =	sdelay $0x1  }
0x38: {  	v2 =	vor.u32 v1, v2;
	v5 =	vadd.s32 v1, v5  }
0x39: {  	v5 =	vmin.u32 v5, $0x3D17;
	_ =	sdelay $0x1  }
0x3a: {  	s11 =	sadd.s32 $0x8, s11  }
0x3b: {  	s13 =	sadd.s32 $0xFFFFFFFA, s11;
	v4 =	vnsel vm0, $0x0, v4  }
0x3c: {  	v6 =	vor.u32 s13, v0;
	[tilespmem:v2+s8+$0x0] =	vst.idx.msk $0xffff, v4  }
0x3d: {  	v4 =	vmul.u32 $0x5, v6;
	v2 =	vshll.u32 v6, $0x3;
	v5 =	vld.idx.msk [tilespmem:v5+s2+$0x0], $0xffff;
	_ =	sdelay $0x1  }
.Ltmp0:
0x3e: {  	v6 =	vadd.s32 v1, v4;
	v4 =	vor.u32 v1, v3;
	(pc) =	sbr.rel @p0 .LBB2_3-.Ltmp0, $2  }
0x3f: {  	v3 =	vmin.u32 v6, $0x3D17;
	_ =	sdelay $0x2  }
0x40: {  	s13 =	sadd.s32 $0xFFFFFFFC, s11;
	v5 =	vnsel vm0, $0x0, v5  }
0x41: {  	_ =	sdelay $0x2  }
0x42: {  	v6 =	vor.u32 s13, v0  }
0x43: {  	[tilespmem:v4+s8+$0x0] =	vst.idx.msk $0xffff, v5;
	v59 =	vmul.u32 $0x5, v6  }
0x44: {  	v3 =	vld.idx.msk [tilespmem:v3+s2+$0x0], $0xffff  }
0x45: {  	v2 =	vor.u32 v1, v2;
	v4 =	vadd.s32 v1, v59  }
0x46: {  	v4 =	vmin.u32 v4, $0x3D17;
	_ =	sdelay $0x1  }
0x47: {  	s12 =	sadd.s32 $0xFFFFFFFE, s11  }
0x48: {  	v60 =	vor.u32 s12, v0;
	v3 =	vnsel vm0, $0x0, v3  }
0x49: {  	[tilespmem:v2+s8+$0x0] =	vst.idx.msk $0xffff, v3;
	v2 =	vmul.u32 $0x5, v60  }
0x4a: {  	v61 =	vshll.u32 v6, $0x3;
	v3 =	vld.idx.msk [tilespmem:v4+s2+$0x0], $0xffff  }
0x4b: {  	v4 =	vor.u32 v1, v61;
	v2 =	vadd.s32 v1, v2  }
0x4c: {  	v2 =	vmin.u32 v2, $0x3D17;
	_ =	sdelay $0x2  }
0x4d: {  	v62 =	vor.u32 s11, v0;
	v3 =	vnsel vm0, $0x0, v3  }
0x4e: {  	[tilespmem:v4+s8+$0x0] =	vst.idx.msk $0xffff, v3;
	v3 =	vmul.u32 $0x5, v62  }
0x4f: {  	v63 =	vshll.u32 v60, $0x3;
	v2 =	vld.idx.msk [tilespmem:v2+s2+$0x0], $0xffff  }
0x50: {  	v4 =	vor.u32 v1, v63;
	v3 =	vadd.s32 v1, v3  }
0x51: {  	v3 =	vmin.u32 v3, $0x3D17;
	_ =	sdelay $0x2  }
0x52: {  	v2 =	vnsel vm0, $0x0, v2  }
0x53: {  	[tilespmem:v4+s8+$0x0] =	vst.idx.msk $0xffff, v2  }
0x54: {  	v2 =	vshll.u32 v62, $0x3;
	v3 =	vld.idx.msk [tilespmem:v3+s2+$0x0], $0xffff  }
0x55: {  	v2 =	vor.u32 v1, v2;
	_ =	sdelay $0x2  }
0x56: {  	s31 =	smul.u32 $0xC38, s10;
	s10 =	sadd.s32 $0x1, s10  }
0x57: {  	p0 =	sne.s32 s10, $0x4;
	v3 =	vnsel vm0, $0x0, v3  }
.Ltmp1:
0x58: {  	s11 =	sadd.s32 s31, s5;
	[tilespmem:v2+s8+$0x0] =	vst.idx.msk $0xffff, v3;
	(pc) =	sbr.rel @p0 .LBB2_2-.Ltmp1, $4  }
0x59: {  	[hbm4b:s11+s2] =	stream.linear.scatter [tilespmem:s8], [sflag:$0x1], $0x61C0, $0x38;
	[tilespmem:$0x9ED8] =	vst v63  }
0x5a: {  	_ =	swait.ge [sflag:s7], $0x61C0  }
0x5b: {  	[sflag:s7] =	ssyncset.done $0x0  }
0x5c: {  	[sflag:s7] =	ssyncadd.s32 $0xFFFF9E40  }
0x5d: {  	s9 =	sadd.s32 $0x1, s9  }
0x5e: {  	p0 =	sne.s32 s9, s6  }
.Ltmp2:
0x5f: {  	_ = 	snop;
	(pc) =	sbr.rel @p0 .LBB2_1-.Ltmp2, $1  }
0x60: {  	_ =	sdelay $0x3  }
0x61: {  	_ =	sfence.sel $0x180000  }
0x62: {  	[bflag:$0x0] =	sbarrier.arrive $0xFFFF  }
0x63: {  	p0 =	sne.s32 s1, $0x0;
	_ =	strace $0x90000056  }
0x64: {  	s0 =	sadd.s32 @!p0 $0x100000, s0;
	[bflag:$0x2] =	sbarrier.arrive $0xFFFF  }
0x65: {  	[sflag:s0] =	ssyncadd.tile.s32 @!p0 $0x1;
	_ =	shalt  }
.Lfunc_end2:
_tile_overlayer_lowered:
.L_overlay_start_2:
0x66: {  	(tag) =	ssettag $0x2  }
0x67: {  	s0 =	rddreg [dreg:$0x0];
	s2 =	stileid.u32  }
0x68: {  	s1 =	rddreg [dreg:$0x1];
	p0 =	sne.s32 s2, $0x0  }
0x69: {  	s3 =	rddreg [dreg:$0x2];
	[bflag:$0x3] =	sbarrier.arrive $0xFFFF;
	s2 =	simm.s32 @!p0 $0x1C01  }
0x6a: {  	[timem:s3], [sflag:s2] =	dma.local @!p0 [hbm:s0], s1  }
0x6b: {  	s0 =	simm.s32 @!p0 $0x1  }
0x6c: {  	_ =	swait.ge @!p0 [sflag:s0], s1  }
0x6d: {  	s1 =	ssub.s32 @!p0 $0x0, s1;
	[sflag:s0] =	ssyncset.done @!p0 $0x0  }
0x6e: {  	[sflag:s0] =	ssyncadd.s32 @!p0 s1  }
0x6f: {  	[bflag:$0x3] =	sbarrier.arrive $0xFFFF  }
0x70: {  	_ =	shalt  }

// kernel: kernel.7.cloned.1.call-start
scs
__scs_entry_jumppad:
0x0: {  	(pc) =	sbr.rel $0x88, $3  }
0x1: {  	(tag) =	ssettag $0x0;
	lr =	simm.s32 $0x1  }
0x2: {  	[smem:$0x3FA0] =	sst lr;
	_ =	strace $0xD0000000  }
0x3: {  	_ = 	snop  }
0x4: {  	_ = 	snop  }
0x5: {  	_ = 	snop  }
0x6: {  	_ = 	snop  }
0x7: {  	_ = 	snop  }
__scs_overlays_trampoline_lowered:
0x8: {  	[smem:$0x3FAF] =	sst s0  }
0x9: {  	[smem:$0x3FB0] =	sst s1  }
0xa: {  	[smem:$0x3FB1] =	sst s2  }
0xb: {  	[smem:$0x3FB2] =	sst s3  }
0xc: {  	[smem:$0x3FB3] =	sst s4  }
0xd: {  	[smem:$0x3FB4] =	sst s5  }
0xe: {  	[smem:$0x3FB5] =	sst s6  }
0xf: {  	[smem:$0x3FB6] =	sst s7  }
0x10: {  	[smem:$0x3FB7] =	sst s8  }
0x11: {  	[smem:$0x3FB8] =	sst s9;
	s0 =	simm.s32 @!p0 $0x0  }
0x12: {  	s1 =	sld [smem:$0x3F9E];
	s0 =	simm.s32 @p0 $0x1  }
0x13: {  	[smem:$0x3FB9] =	sst s0;
	s0 =	simm.s32 @!p1 $0x0  }
0x14: {  	s2 =	sld [smem:$0x3F9D];
	s0 =	simm.s32 @p1 $0x1  }
0x15: {  	[smem:$0x3FBA] =	sst s0;
	s0 =	simm.s32 @!p2 $0x0  }
0x16: {  	s3 =	sld [smem:$0x3FDB];
	s0 =	simm.s32 @p2 $0x1  }
0x17: {  	s4 =	simm.s32 $0x1BF5;
	[smem:$0x3FBC] =	sst s0  }
0x18: {  	s0 =	sld [smem:$0x3F9F];
	_ =	swait.ge [sflag:s4], $0x0  }
0x19: {  	s7 =	sld [smem:$0x3FA0]  }
0x1a: {  	s8 =	sadd.s32 $0xFFFFE003, lr  }
0x1b: {  	s9 =	sadd.s32 $0xFFFFFEF7, lr;
	s5 =	simm.s32 $0xFFFFFFFF;
	p2 =	slt.u32 s8, $0xFFFFF086  }
0x1c: {  	p1 =	slt.u32 s9, $0xF7A;
	s5 =	simm.s32 @!p2 $0x0  }
0x1d: {  	s5 =	simm.s32 @p1 $0x1;
	p0 =	seq.s32 s7, s2  }
0x1e: {  	s7 =	smul.u32 @!p0 $0xF7A, s2;
	p2 =	seq.s32 @!p0 s5, $0x0  }
0x1f: {  	s9 =	smul.u32 $0xF7A, s1;
	s8 =	simm.s32 @!p0 $0x1BF5;
	p2 =	por !p2, p0  }
0x20: {  	[sflag:s8] =	ssyncset.s32 @!p0 $0xFFFFF086;
	s6 =	sadd.s32 @!p0 s3, s7;
	s7 =	simm.s32 @!p0 $0x108  }
0x21: {  	s3 =	sadd.s32 s3, s9;
	s6 =	sadd.s32 @!p0 $0x88, s6;
	s7 =	simm.s32 @p2 $0x1082  }
0x22: {  	[simem:s7], [sflag:s8] =	dma.local @!p0 [hbm:s6], $0xF7A  }
0x23: {  	s9 =	sor.u32 $0xD0000000, s2;
	s6 =	simm.s32 $0x108;
	_ =	swait.ge @!p0 [sflag:s8], $0x0  }
0x24: {  	s3 =	sadd.s32 $0x88, s3;
	s6 =	simm.s32 @!p1 $0x1082;
	[sflag:s4] =	ssyncset.s32 $0xFFFFF086  }
0x25: {  	[simem:s6], [sflag:s4] =	dma.local [hbm:s3], $0xF7A  }
0x26: {  	[smem:$0x3FA0] =	sst s1;
	(tag) =	ssettag s2;
	_ =	strace s9  }
0x27: {  	s1 =	sld [smem:$0x3FB0]  }
0x28: {  	s2 =	sld [smem:$0x3FB1]  }
0x29: {  	s4 =	sld [smem:$0x3FB3]  }
0x2a: {  	p0 =	seq.s32 s5, $0x0;
	s5 =	sld [smem:$0x3FB4]  }
0x2b: {  	s6 =	sld [smem:$0x3FB5]  }
0x2c: {  	s7 =	sld [smem:$0x3FB6]  }
0x2d: {  	s3 =	simm.s32 $0x108;
	s8 =	sld [smem:$0x3FB7]  }
0x2e: {  	s3 =	simm.s32 @!p0 $0x1082;
	s9 =	sld [smem:$0x3FB8]  }
0x2f: {  	lr =	sadd.s32 s0, s3;
	s0 =	sld [smem:$0x3FAF]  }
0x30: {  	s3 =	sld [smem:$0x3FB2]  }
0x31: {  	[smem:$0x3FBB] =	sst s10  }
0x32: {  	s10 =	sld [smem:$0x3FB9];
	_ =	sdelay $0x3  }
0x33: {  	p0 =	seq.s32 s10, $0x1;
	s10 =	sld [smem:$0x3FBB];
	_ =	sdelay $0x3  }
0x34: {  	[smem:$0x3FBB] =	sst s10  }
0x35: {  	s10 =	sld [smem:$0x3FBA];
	_ =	sdelay $0x3  }
0x36: {  	p1 =	seq.s32 s10, $0x1;
	s10 =	sld [smem:$0x3FBB];
	_ =	sdelay $0x3  }
0x37: {  	[smem:$0x3FBB] =	sst s10  }
0x38: {  	s10 =	sld [smem:$0x3FBC]  }
0x39: {  	_ = 	snop;
	(pc) =	sbr.ind lr, $3  }
0x3a: {  	_ = 	snop  }
0x3b: {  	_ = 	snop  }
0x3c: {  	p2 =	seq.s32 s10, $0x1;
	s10 =	sld [smem:$0x3FBB]  }
0x3d: {  	_ =	shalt  }
0x3e: {  	_ =	shalt  }
0x3f: {  	_ =	shalt  }
0x40: {  	_ =	shalt  }
0x41: {  	_ =	shalt  }
0x42: {  	_ =	shalt  }
0x43: {  	_ =	shalt  }
0x44: {  	_ =	shalt  }
0x45: {  	_ =	shalt  }
0x46: {  	_ =	shalt  }
0x47: {  	_ =	shalt  }
0x48: {  	_ =	shalt  }
0x49: {  	_ =	shalt  }
0x4a: {  	_ =	shalt  }
0x4b: {  	_ =	shalt  }
0x4c: {  	_ =	shalt  }
0x4d: {  	_ =	shalt  }
0x4e: {  	_ =	shalt  }
0x4f: {  	_ =	shalt  }
0x50: {  	_ =	shalt  }
0x51: {  	_ =	shalt  }
0x52: {  	_ =	shalt  }
0x53: {  	_ =	shalt  }
0x54: {  	_ =	shalt  }
0x55: {  	_ =	shalt  }
0x56: {  	_ =	shalt  }
0x57: {  	_ =	shalt  }
0x58: {  	_ =	shalt  }
0x59: {  	_ =	shalt  }
0x5a: {  	_ =	shalt  }
0x5b: {  	_ =	shalt  }
0x5c: {  	_ =	shalt  }
0x5d: {  	_ =	shalt  }
0x5e: {  	_ =	shalt  }
0x5f: {  	_ =	shalt  }
0x60: {  	_ =	shalt  }
0x61: {  	_ =	shalt  }
0x62: {  	_ =	shalt  }
0x63: {  	_ =	shalt  }
0x64: {  	_ =	shalt  }
0x65: {  	_ =	shalt  }
0x66: {  	_ =	shalt  }
0x67: {  	_ =	shalt  }
0x68: {  	_ =	shalt  }
0x69: {  	_ =	shalt  }
0x6a: {  	_ =	shalt  }
0x6b: {  	_ =	shalt  }
0x6c: {  	_ =	shalt  }
0x6d: {  	_ =	shalt  }
0x6e: {  	_ =	shalt  }
0x6f: {  	_ =	shalt  }
0x70: {  	_ =	shalt  }
0x71: {  	_ =	shalt  }
0x72: {  	_ =	shalt  }
0x73: {  	_ =	shalt  }
0x74: {  	_ =	shalt  }
0x75: {  	_ =	shalt  }
0x76: {  	_ =	shalt  }
0x77: {  	_ =	shalt  }
0x78: {  	_ =	shalt  }
0x79: {  	_ =	shalt  }
0x7a: {  	_ =	shalt  }
0x7b: {  	_ =	shalt  }
0x7c: {  	_ =	shalt  }
0x7d: {  	_ =	shalt  }
0x7e: {  	_ =	shalt  }
0x7f: {  	_ =	shalt  }
0x80: {  	_ =	shalt  }
0x81: {  	_ =	shalt  }
0x82: {  	_ =	shalt  }
0x83: {  	_ =	shalt  }
0x84: {  	_ =	shalt  }
0x85: {  	_ =	shalt  }
0x86: {  	_ =	shalt  }
0x87: {  	_ =	shalt  }
.Lfunc_end0:
.L_simem_size_0:
called_computation.4_lowered:
.L_overlay_start_0:
0x88: {  	s2 =	sld [smem:$0x3FD9]  }
0x89: {  	s3 =	sld [smem:$0x3FFE];
	_ =	sdelay $0x1  }
0x8a: {  	s1 =	srdreg.scid  }
0x8b: {  	s0 =	sand.u32 $0x1, s1  }
0x8c: {  	s14 =	sshll.u32 s0, $0xA;
	s2 =	sadd.s32 s3, s2  }
0x8d: {  	s2 =	sadd.s32 s2, s14  }
0x8e: {  	[smem:$0x3FC7] =	sst s2  }
0x8f: {  	_ = 	snop  }
0x90: {  	s2 =	sld [smem:$0x3FD0];
	_ =	sdelay $0x2  }
0x91: {  	s15 =	simm.s32 $0xF;
	s4 =	simm.s32 $0x10  }
0x92: {  	[smem:s4], [sflag:s15] =	dma.local [hbm:s2], $0x1  }
0x93: {  	_ =	swait.eq [sflag:s15], $0x1  }
0x94: {  	[sflag:s15] =	ssyncset.done $0x0  }
0x95: {  	s16 =	sld [smem:$0x10];
	[sflag:s15] =	ssyncadd.s32 $0xFFFFFFFF  }
0x96: {  	s17 =	sld [smem:$0x11];
	(tm) =	ssettm $0x1  }
0x97: {  	s18 =	sld [smem:$0x3FFB];
	_ =	sdelay $0x3  }
0x98: {  	_ =	strace s18  }
0x99: {  	s4 =	sld [smem:$0x3FFC];
	_ =	sdelay $0x3  }
0x9a: {  	_ =	strace s4  }
0x9b: {  	s4 =	sld [smem:$0x3FFD];
	_ =	sdelay $0x3  }
0x9c: {  	_ =	strace s4  }
0x9d: {  	_ =	strace $0x8FFFFFFF  }
0x9e: {  	s19 =	sld [smem:$0x3FDB];
	_ =	sdelay $0x1  }
0x9f: {  	s5 =	simm.s32 $_scs_section_size  }
0xa0: {  	s6 =	simm.s32 $_size__tile_overlayer_lowered;
	s7 =	simm.s32 $_tile_overlayer_lowered  }
0xa1: {  	s22 =	simm.s32 $0x1BFF;
	s21 =	sshll.u32 s7, $0x1;
	s4 =	sadd.s32 s5, s19  }
0xa2: {  	s8 =	simm.s32 $0x0;
	s20 =	sshll.u32 s6, $0x1;
	s6 =	sadd.s32 s21, s4  }
0xa3: {  	[timem:s8], [sflag:s22] =	dma.local [hbm:s6], s20  }
0xa4: {  	_ =	swait.ge [sflag:s22], s20  }
0xa5: {  	s5 =	ssub.s32 $0x0, s20;
	[sflag:s22] =	ssyncset.done $0x0  }
0xa6: {  	[sflag:s22] =	ssyncadd.s32 s5;
	_ =	sdelay $0x1  }
0xa7: {  	s23 =	simm.s32 $0x1B8B  }
0xa8: {  	_ =	swait.ge [sflag:s23], $0x1  }
0xa9: {  	[sflag:s23] =	ssyncset.done $0x0  }
0xaa: {  	s25 =	simm.s32 $0x1B8E;
	s24 =	sld [smem:$0x3FFE];
	[sflag:s23] =	ssyncadd.s32 $0xFFFFFFFF  }
0xab: {  	s26 =	simm.s32 $execute0_lowered;
	[smem:$0x3FD2] =	sst s25  }
0xac: {  	s6 =	sshll.u32 s26, $0x1;
	_ =	strace $0x80000058;
	[dreg:$0x1] =	wrdreg $0xFFFFFFFF  }
0xad: {  	s28 =	simm.s32 $_size_execute0_lowered;
	s4 =	sadd.s32 s4, s6;
	[dreg:$0x0] =	wrdreg $0x0  }
0xae: {  	s6 =	sshll.u32 s28, $0x1;
	[dreg:$0x2] =	wrdreg s4  }
0xaf: {  	[dreg:$0x3] =	wrdreg s6  }
0xb0: {  	[dreg:$0x4] =	wrdreg $0xC0  }
0xb1: {  	_ =	task [dreg:s8], $0x5FFFF  }
0xb2: {  	[dreg:$0x1] =	wrdreg $0xFFFFFFFF  }
0xb3: {  	[dreg:$0x0] =	wrdreg $0x60  }
0xb4: {  	[dreg:$0x2] =	wrdreg s16  }
0xb5: {  	[dreg:$0x3] =	wrdreg s24  }
0xb6: {  	[dreg:$0x4] =	wrdreg s17  }
0xb7: {  	[dreg:$0x5] =	wrdreg $0x9  }
0xb8: {  	_ =	task.clear_ibuf [dreg:s8], $0x6FFFF;
	_ =	strace $0x90000058  }
0xb9: {  	s29 =	simm.s32 $0x9;
	_ =	strace $0x8000005A  }
0xba: {  	_ =	swait.ge [sflag:s29], $0x1  }
0xbb: {  	[sflag:s29] =	ssyncadd.s32 $0xFFFFFFFF  }
0xbc: {  	_ =	strace $0x9000005A  }
0xbd: {  	_ =	sfence  }
0xbe: {  	s30 =	sld [smem:$0x0];
	_ =	sdelay $0x2  }
0xbf: {  	s31 =	sshll.u32 s1, $0xD;
	s1 =	sshrl.u32 s1, $0x2  }
0xc0: {  	s3 =	sand.u32 $0x4000, s31;
	s1 =	sadd.s32 s1, s30  }
0xc1: {  	s0 =	sor.u32 s3, s0;
	s1 =	sshll.u32 s1, $0x11  }
0xc2: {  	s0 =	sor.u32 s1, s0  }
0xc3: {  	s0 =	sadd.s32 $0x8F2B, s0  }
0xc4: {  	[sflag:s0] =	ssyncadd.remote.s32 $0x1  }
0xc5: {  	_ =	sfence.sel $0xFFFF  }
0xc6: {  	[dreg:$0x0] =	wrdreg $0xFFFFFFFF;
	(pc) =	sbr.abs _section_cstart, $3  }
0xc7: {  	[dreg:$0x1] =	wrdreg $0xFFFFFFFF  }
0xc8: {  	_ =	task.clear_ibuf [dreg:s8], $0x2FFFF;
	_ =	strace $0x9FFFFFFF  }
0xc9: {  	(tm) =	ssettm $0x7FFFFFFF  }
tec
execute0_lowered:
.L_overlay_start_1:
0x0: {  	(tag) =	ssettag $0x1  }
0x1: {  	v0 =	vimm.s32 $0xEAA55400  }
0x2: {  	v1 =	vimm.s32 $0x21043213;
	v3 =	vimm.s32 $0x4321040;
	vm1 =	vcmask $0x2304  }
0x3: {  	vm0 =	vcmask $0x3F24;
	v11 =	vimm.s32 $0x6;
	v12 =	vimm.s32 $0x32104324  }
0x4: {  	vm2 =	vcmask $0xF00;
	v13 =	vimm.s32 $0x10432100;
	vm3 =	vcmask $0x2310  }
0x5: {  	v14 =	vimm.s32 $0x7060606;
	v15 =	vimm.s32 $0x43210430;
	v16 =	vimm.s32 $0x21043210  }
0x6: {  	v17 =	vimm.s32 $0x4321041;
	v19 =	vimm.s32 $0x32104320;
	v20 =	vimm.s32 $0xEEDDDDDC  }
0x7: {  	vm4 =	vcmask $0x2320;
	vm5 =	vcmask $0x2B28;
	vm6 =	vcmask $0x3330  }
0x8: {  	vm7 =	vcmask $0x3B38;
	vm8 =	vmmov $0xff;
	vm11 =	vcmask $0xF0C  }
0x9: {  	vm12 =	vcmask $0x1714;
	vm13 =	vcmask $0x1F1C;
	vm15 =	vcmask $0x2724  }
0xa: {  	vm14 =	vcmask $0x2F2C;
	v2 =	vunpack.c.l.s2.s4 v0;
	v0 =	vlaneseq.u32  }
0xb: {  	v4 =	vunpack.c.l.s4.s8 v1;
	v6 =	vunpack.c.l.s4.s8 v3;
	v12 =	vunpack.c.l.s4.s8 v12  }
0xc: {  	v11 =	vsel vm2, $0x3, v11;
	v13 =	vunpack.c.l.s4.s8 v13;
	v14 =	vunpack.c.0.s8.s32 v14  }
0xd: {  	v16 =	vunpack.c.l.s4.s8 v16;
	v17 =	vunpack.c.l.s4.s8 v17;
	v1 =	vor.u32 $0x10, v0  }
0xe: {  	v3 =	vor.u32 $0x30, v0;
	v10 =	vmul.u32 $0x8, v0;
	v11 =	vsel vm3, $0x4, v11  }
0xf: {  	vm3 =	vcmask $0x3724;
	v5 =	vunpack.c.l.s4.s8 v2;
	v2 =	vor.u32 $0x20, v0  }
0x10: {  	v4 =	vunpack.c.0.s8.s32 v4;
	v6 =	vunpack.c.0.s8.s32 v6;
	v12 =	vunpack.c.0.s8.s32 v12  }
0x11: {  	v11 =	vsel vm3, $0x5, v11;
	v13 =	vunpack.c.0.s8.s32 v13;
	v14 =	vnsel vm2, $0x9, v14  }
0x12: {  	vm2 =	vcmask $0x1F10;
	v16 =	vunpack.c.0.s8.s32 v16;
	vm3 =	vcmask $0x2F20  }
0x13: {  	s0 =	rddreg [dreg:$0x0];
	v17 =	vunpack.c.0.s8.s32 v17;
	v8 =	vor.u32 $0x180, v10;
	v12 =	vnsel vm1, $0x1, v12  }
0x14: {  	s4 =	rddreg [dreg:$0x1];
	s1 =	simm.s32 $0x0;
	v12 =	vsel vm0, v13, v12;
	v13 =	vunpack.c.l.s4.s8 v15;
	v15 =	vimm.s32 $0xBAAAAA99  }
0x15: {  	s22 =	srdreg.scid;
	s2 =	stileid.u32;
	s14 =	simm.s32 $0xF780;
	v9 =	vor.u32 $0x100, v10;
	v7 =	vnsel vm1, $0x0, v4;
	v15 =	vunpack.c.l.s4.s8 v15  }
0x16: {  	s17 =	simm.s32 $0x2580;
	s13 =	simm.s32 $0x2980;
	s15 =	simm.s32 $0x2D80;
	v5 =	vunpack.c.0.s8.s32 v5;
	v4 =	vor.u32 $0x40, v0;
	v6 =	vsel vm0, v6, v7  }
0x17: {  	s16 =	simm.s32 $0x3180;
	s18 =	simm.s32 $0x3580;
	s19 =	simm.s32 $0x3980;
	v18 =	vunpack.c.0.s8.s32 v13;
	v13 =	vsel vm2, $0x7, v14;
	v14 =	vunpack.c.0.s8.s32 v15  }
0x18: {  	s20 =	simm.s32 $0x3D80;
	s21 =	simm.s32 $0x4180;
	s28 =	simm.s32 $0x5980;
	v7 =	vor.u32 $0x200, v10;
	v10 =	vor.u32 $0x80, v10;
	vm2 =	vcmask $0x3320  }
0x19: {  	s29 =	simm.s32 $0x5D80;
	s30 =	simm.s32 $0x1;
	s12 =	simm.s32 $0x6180;
	v13 =	vsel vm2, $0x8, v13;
	vm2 =	vcmask $0x1F00;
	v14 =	vand.u32 $0xF, v14  }
0x1a: {  	[smem:$0x7FF] =	sst s1;
	s3 =	sadd.s32 $0xC5E00, s4;
	s1 =	sand.u32 $0x1, s22;
	v21 =	vnsel vm2, $0xC, v14;
	v14 =	vunpack.c.l.s4.s8 v19;
	v19 =	vunpack.c.l.s4.s8 v20  }
0x1b: {  	s23 =	sadd.s32 $0x9600, s4;
	_ =	strace $0x80000059;
	[dreg:$0x10] =	wrdreg s3;
	v5 =	vand.u32 $0x3, v5;
	v15 =	vnsel vm1, $0x2, v18;
	v20 =	vimm.s32 $0x10432102  }
0x1c: {  	s2 =	sshll.u32 s2, $0x1;
	s25 =	sadd.s32 $0xF4C00, s4;
	[dreg:$0x11] =	wrdreg s23;
	v20 =	vunpack.c.l.s4.s8 v20;
	v22 =	vunpack.c.0.s8.s32 v14;
	v19 =	vunpack.c.0.s8.s32 v19  }
0x1d: {  	s4 =	sadd.s32 $0x11A400, s4;
	s22 =	simm.s32 $0x4580;
	[dreg:$0x12] =	wrdreg s25;
	v14 =	vsel vm0, v16, v15;
	v15 =	vsel vm3, $0xB, v21;
	v16 =	vnsel vm1, $0x3, v17  }
0x1e: {  	s24 =	ssub.s32 $0x2, s1;
	s1 =	sor.u32 s1, s2;
	[dreg:$0x14] =	wrdreg s4;
	vm3 =	vcmask $0x300;
	v21 =	vimm.s32 $0x0;
	v16 =	vsel vm0, v22, v16  }
0x1f: {  	s3 =	simm.s32 $0x2;
	s23 =	simm.s32 $0x4980;
	s5 =	smul.u32 $0x2580, s1;
	v17 =	vand.u32 $0xF, v19;
	v19 =	vunpack.c.0.s8.s32 v20;
	v20 =	vimm.s32 $0xECA86420  }
0x20: {  	s25 =	simm.s32 $0x5180;
	s26 =	sshrl.u32 s24, $0x1;
	s1 =	smul.u32 $0x5, s1;
	v22 =	vmul.u32 $0x4, v0;
	v17 =	vnsel vm2, $0xF, v17;
	vm2 =	vcmask $0x2B20  }
0x21: {  	s2 =	ssub.s32 s24, s26;
	s24 =	simm.s32 $0x4D80;
	[dreg:$0x13] =	wrdreg s5;
	v20 =	vunpack.c.l.s4.s8 v20;
	v17 =	vsel vm2, $0xE, v17;
	v19 =	vnsel vm1, $0x4, v19  }
0x22: {  	s26 =	simm.s32 $0x5580;
	[dreg:$0x15] =	wrdreg s1;
	s31 =	smax.u32 s2, $0x1;
	vm1 =	vcmask $0x1310;
	vm2 =	vcmask $0x1B18;
	v18 =	vsel vm0, v18, v19  }
0x23: {  	s5 =	simm.s32 $0x80;
	s2 =	simm.s32 $0x0;
	[dreg:$0x16] =	wrdreg s31;
	vm0 =	vcmask $0xB08;
	v19 =	vunpack.c.0.s8.s32 v20;
	v20 =	vmul.u32 $0x2, v0  }
.LBB2_1:
0x24: {  	[dreg:$0x17] =	wrdreg s2;
	s2 =	simm.s32 $0x0  }
.LBB2_2:
0x25: {  	s1 =	rddreg [dreg:$0x15]  }
0x26: {  	s1 =	sadd.s32 s1, s2  }
0x27: {  	s1 =	smul.u32 $0x4B0, s1  }
0x28: {  	s31 =	rddreg [dreg:$0x10]  }
0x29: {  	[dreg:$0x18] =	wrdreg s2;
	s7 =	simm.s32 $0x0;
	s1 =	sadd.s32 s31, s1  }
0x2a: {  	[tilespmem:s7], [sflag:$0x2] =	stream.linear.gather [hbm4b:s1+s7], $0x2580, $0x38;
	[tilespmem:$0x12480] =	vst v63  }
0x2b: {  	s4 =	smul.u32 $0x780, s2;
	s2 =	rddreg [dreg:$0x13];
	_ =	swait.ge [sflag:s3], $0x2580  }
0x2c: {  	[sflag:s3] =	ssyncset.done $0x0  }
0x2d: {  	s1 =	sadd.s32 s2, s4;
	[sflag:s3] =	ssyncadd.s32 $0xFFFFDA80  }
0x2e: {  	s6 =	sshrl.u32 s1, $0x3;
	s8 =	rddreg [dreg:$0x2]  }
0x2f: {  	[dreg:$0x1a] =	wrdreg s1;
	s1 =	sadd.s32 s8, s6  }
0x30: {  	[tilespmem:s14], [sflag:$0x2] =	stream.linear.gather [hbm4b:s1+s7], $0x780, $0x38;
	[tilespmem:$0x12480] =	vst v63  }
0x31: {  	_ =	swait.ge [sflag:s3], $0x780  }
0x32: {  	[sflag:s3] =	ssyncset.done $0x0  }
0x33: {  	[sflag:s3] =	ssyncadd.s32 $0xFFFFF880  }
0x34: {  	s9 =	rddreg [dreg:$0x1]  }
0x35: {  	s10 =	simm.s32 $0xFF00;
	[dreg:$0x19] =	wrdreg s6;
	s1 =	sadd.s32 s9, s6  }
0x36: {  	[tilespmem:s10], [sflag:$0x2] =	stream.linear.gather [hbm4b:s1+s7], $0x780, $0x38;
	[tilespmem:$0x12480] =	vst v63  }
0x37: {  	_ =	swait.ge [sflag:s3], $0x780  }
0x38: {  	[sflag:s3] =	ssyncset.done $0x0  }
0x39: {  	s1 =	simm.s32 $0x20;
	[sflag:s3] =	ssyncadd.s32 $0xFFFFF880  }
0x3a: {  	v24 =	vld [tilespmem:s1+$0xFFFFFFE0];
	_ =	sdelay $0x2  }
0x3b: {  	v26 =	vld [tilespmem:s1+$0x0]  }
0x3c: {  	v27 =	vld [tilespmem:s1+$0x10]  }
0x3d: {  	vm9 =	vgt.s32 v24, $0x0;
	v30 =	vadd.s32 $0xFFFFFFFF, v24;
	v24 =	vld [tilespmem:s1+$0xFFFFFFF0]  }
0x3e: {  	s11 =	simm.s32 $0x10;
	v28 =	vor.u32 s7, v0;
	s31 =	simm.s32 $0x30;
	s6 =	simm.s32 $0x20  }
0x3f: {  	v23 =	vor.u32 s11, v0;
	v25 =	vor.u32 s31, v0;
	v29 =	vor.u32 s6, v0  }
0x40: {  	v28 =	vsel vm9, v30, v28;
	vm9 =	vgt.s32 v26, $0x0;
	v26 =	vadd.s32 $0xFFFFFFFF, v26  }
0x41: {  	s4 =	simm.s32 $0x0;
	s8 =	simm.s32 $0x0;
	s6 =	simm.s32 $0x60;
	[tilespmem:s1+$0xFFFFFFE0] =	vst v28;
	v26 =	vsel vm9, v26, v29;
	vm9 =	vgt.s32 v27, $0x0;
	v27 =	vadd.s32 $0xFFFFFFFF, v27  }
.LBB2_3:
0x42: {  	v28 =	vld [tilespmem:s6+$0xFFFFFFE0];
	vm10 =	vgt.s32 v24, $0x0;
	v24 =	vadd.s32 $0xFFFFFFFF, v24;
	[tilespmem:s1+$0x0] =	vst v26;
	v25 =	vsel vm9, v27, v25  }
0x43: {  	s4 =	sadd.s32 $0x4, s4;
	v26 =	vld [tilespmem:s6+$0x0];
	v23 =	vsel vm10, v24, v23;
	[tilespmem:s1+$0x10] =	vst v25  }
0x44: {  	s8 =	sadd.s32 $0x40, s8;
	p0 =	slt.u32 s4, $0x254;
	v27 =	vld [tilespmem:s6+$0x10];
	[tilespmem:s1+$0xFFFFFFF0] =	vst v23;
	s1 =	smov.u32 s6  }
.Ltmp0:
0x45: {  	s9 =	sadd.s32 $0x10, s8;
	s10 =	sadd.s32 $0x20, s8;
	v24 =	vld [tilespmem:s6+$0xFFFFFFF0];
	(pc) =	sbr.rel @p0 .LBB2_3-.Ltmp0, $4  }
0x46: {  	v29 =	vor.u32 s8, v0;
	v23 =	vor.u32 s9, v0;
	v30 =	vor.u32 s10, v0;
	s9 =	sadd.s32 $0x30, s8  }
0x47: {  	v25 =	vor.u32 s9, v0;
	vm9 =	vgt.s32 v28, $0x0;
	v28 =	vadd.s32 $0xFFFFFFFF, v28  }
0x48: {  	v28 =	vsel vm9, v28, v29;
	vm9 =	vgt.s32 v26, $0x0;
	v26 =	vadd.s32 $0xFFFFFFFF, v26  }
0x49: {  	s6 =	sadd.s32 $0x40, s6;
	[tilespmem:s1+$0xFFFFFFE0] =	vst v28;
	v26 =	vsel vm9, v26, v30;
	vm9 =	vgt.s32 v27, $0x0;
	v27 =	vadd.s32 $0xFFFFFFFF, v27  }
0x4a: {  	vm10 =	vgt.s32 v24, $0x0;
	v63 =	vadd.s32 $0xFFFFFFFF, v24;
	[tilespmem:s1+$0x0] =	vst v26;
	v25 =	vsel vm9, v27, v25  }
0x4b: {  	v23 =	vsel vm10, v63, v23;
	[tilespmem:s1+$0x10] =	vst v25  }
0x4c: {  	s8 =	simm.s32 $0x0;
	vm10 =	vcmask $0x704;
	[tilespmem:s1+$0xFFFFFFF0] =	vst v23  }
.LBB2_5:
0x4d: {  	s1 =	smul.u32 $0x1E00, s8;
	_ =	sdelay $0x1  }
0x4e: {  	s1 =	sshra.s32 s1, $0x2  }
0x4f: {  	[tilespmem:s17], [sflag:$0x1] =	stream.indirect.gather [hbm4b:s0+s5], $0x8, s1, s5, $0xb8;
	[tilespmem:$0x12480] =	vst v63  }
0x50: {  	s4 =	sadd.s32 $0x80, s1  }
0x51: {  	[tilespmem:s13], [sflag:$0x1] =	stream.indirect.gather [hbm4b:s0+s5], $0x8, s4, s5, $0xb8;
	[tilespmem:$0x12480] =	vst v63  }
0x52: {  	s3 =	sadd.s32 $0x100, s1  }
0x53: {  	[tilespmem:s15], [sflag:$0x1] =	stream.indirect.gather [hbm4b:s0+s5], $0x8, s3, s5, $0xb8;
	[tilespmem:$0x12480] =	vst v63  }
0x54: {  	s6 =	sadd.s32 $0x180, s1  }
0x55: {  	[tilespmem:s16], [sflag:$0x1] =	stream.indirect.gather [hbm4b:s0+s5], $0x8, s6, s5, $0xb8;
	[tilespmem:$0x12480] =	vst v63  }
0x56: {  	s9 =	sadd.s32 $0x200, s1  }
0x57: {  	[tilespmem:s18], [sflag:$0x1] =	stream.indirect.gather [hbm4b:s0+s5], $0x8, s9, s5, $0xb8;
	[tilespmem:$0x12480] =	vst v63  }
0x58: {  	s10 =	sadd.s32 $0x280, s1  }
0x59: {  	[tilespmem:s19], [sflag:$0x1] =	stream.indirect.gather [hbm4b:s0+s5], $0x8, s10, s5, $0xb8;
	[tilespmem:$0x12480] =	vst v63  }
0x5a: {  	s11 =	sadd.s32 $0x300, s1  }
0x5b: {  	[tilespmem:s20], [sflag:$0x1] =	stream.indirect.gather [hbm4b:s0+s5], $0x8, s11, s5, $0xb8;
	[tilespmem:$0x12480] =	vst v63  }
0x5c: {  	s31 =	sadd.s32 $0x380, s1  }
0x5d: {  	[tilespmem:s21], [sflag:$0x1] =	stream.indirect.gather [hbm4b:s0+s5], $0x8, s31, s5, $0xb8;
	[tilespmem:$0x12480] =	vst v63  }
0x5e: {  	s2 =	sadd.s32 $0x400, s1  }
0x5f: {  	[tilespmem:s22], [sflag:$0x1] =	stream.indirect.gather [hbm4b:s0+s5], $0x8, s2, s5, $0xb8;
	[tilespmem:$0x12480] =	vst v63  }
0x60: {  	s3 =	sadd.s32 $0x480, s1  }
0x61: {  	[tilespmem:s23], [sflag:$0x1] =	stream.indirect.gather [hbm4b:s0+s5], $0x8, s3, s5, $0xb8;
	[tilespmem:$0x12480] =	vst v63  }
0x62: {  	s6 =	sadd.s32 $0x500, s1  }
0x63: {  	[tilespmem:s24], [sflag:$0x1] =	stream.indirect.gather [hbm4b:s0+s5], $0x8, s6, s5, $0xb8;
	[tilespmem:$0x12480] =	vst v63  }
0x64: {  	s9 =	sadd.s32 $0x580, s1  }
0x65: {  	[tilespmem:s25], [sflag:$0x1] =	stream.indirect.gather [hbm4b:s0+s5], $0x8, s9, s5, $0xb8;
	[tilespmem:$0x12480] =	vst v63  }
0x66: {  	s10 =	sadd.s32 $0x600, s1  }
0x67: {  	[tilespmem:s26], [sflag:$0x1] =	stream.indirect.gather [hbm4b:s0+s5], $0x8, s10, s5, $0xb8;
	[tilespmem:$0x12480] =	vst v63  }
0x68: {  	s11 =	sadd.s32 $0x680, s1  }
0x69: {  	[tilespmem:s28], [sflag:$0x1] =	stream.indirect.gather [hbm4b:s0+s5], $0x8, s11, s5, $0xb8;
	[tilespmem:$0x12480] =	vst v63  }
0x6a: {  	s1 =	sadd.s32 $0x700, s1  }
0x6b: {  	[tilespmem:s29], [sflag:$0x1] =	stream.indirect.gather [hbm4b:s0+s5], $0x8, s1, s5, $0xb8;
	[tilespmem:$0x12480] =	vst v63  }
0x6c: {  	_ =	swait.ge [sflag:s30], $0x400  }
0x6d: {  	[sflag:s30] =	ssyncset.done $0x0  }
0x6e: {  	[sflag:s30] =	ssyncadd.s32 $0xFFFFFC00  }
0x6f: {  	_ =	swait.ge [sflag:s30], $0x400  }
0x70: {  	[sflag:s30] =	ssyncset.done $0x0  }
0x71: {  	[sflag:s30] =	ssyncadd.s32 $0xFFFFFC00  }
0x72: {  	_ =	swait.ge [sflag:s30], $0x400  }
0x73: {  	[sflag:s30] =	ssyncset.done $0x0  }
0x74: {  	[sflag:s30] =	ssyncadd.s32 $0xFFFFFC00  }
0x75: {  	_ =	swait.ge [sflag:s30], $0x400  }
0x76: {  	[sflag:s30] =	ssyncset.done $0x0  }
0x77: {  	[sflag:s30] =	ssyncadd.s32 $0xFFFFFC00  }
0x78: {  	_ =	swait.ge [sflag:s30], $0x400  }
0x79: {  	[sflag:s30] =	ssyncset.done $0x0  }
0x7a: {  	[sflag:s30] =	ssyncadd.s32 $0xFFFFFC00  }
0x7b: {  	_ =	swait.ge [sflag:s30], $0x400  }
0x7c: {  	[sflag:s30] =	ssyncset.done $0x0  }
0x7d: {  	[sflag:s30] =	ssyncadd.s32 $0xFFFFFC00  }
0x7e: {  	_ =	swait.ge [sflag:s30], $0x400  }
0x7f: {  	[sflag:s30] =	ssyncset.done $0x0  }
0x80: {  	[sflag:s30] =	ssyncadd.s32 $0xFFFFFC00  }
0x81: {  	_ =	swait.ge [sflag:s30], $0x400  }
0x82: {  	[sflag:s30] =	ssyncset.done $0x0  }
0x83: {  	[sflag:s30] =	ssyncadd.s32 $0xFFFFFC00  }
0x84: {  	_ =	swait.ge [sflag:s30], $0x400  }
0x85: {  	[sflag:s30] =	ssyncset.done $0x0  }
0x86: {  	[sflag:s30] =	ssyncadd.s32 $0xFFFFFC00  }
0x87: {  	_ =	swait.ge [sflag:s30], $0x400  }
0x88: {  	[sflag:s30] =	ssyncset.done $0x0  }
0x89: {  	[sflag:s30] =	ssyncadd.s32 $0xFFFFFC00  }
0x8a: {  	_ =	swait.ge [sflag:s30], $0x400  }
0x8b: {  	[sflag:s30] =	ssyncset.done $0x0  }
0x8c: {  	[sflag:s30] =	ssyncadd.s32 $0xFFFFFC00  }
0x8d: {  	_ =	swait.ge [sflag:s30], $0x400  }
0x8e: {  	[sflag:s30] =	ssyncset.done $0x0  }
0x8f: {  	[sflag:s30] =	ssyncadd.s32 $0xFFFFFC00  }
0x90: {  	_ =	swait.ge [sflag:s30], $0x400  }
0x91: {  	[sflag:s30] =	ssyncset.done $0x0  }
0x92: {  	s31 =	simm.s32 $0x0;
	[sflag:s30] =	ssyncadd.s32 $0xFFFFFC00  }
0x93: {  	v23 =	vor.u32 s31, v0;
	_ =	swait.ge [sflag:s30], $0x400  }
0x94: {  	v24 =	vor.u32 s7, v5;
	v25 =	vshll.u32 v23, $0x3;
	[sflag:s30] =	ssyncset.done $0x0  }
0x95: {  	v27 =	vor.u32 $0x1, v25;
	[sflag:s30] =	ssyncadd.s32 $0xFFFFFC00  }
0x96: {  	_ =	swait.ge [sflag:s30], $0x400  }
0x97: {  	s6 =	smul.u32 $0x780, s8;
	[sflag:s30] =	ssyncset.done $0x0  }
0x98: {  	[sflag:s30] =	ssyncadd.s32 $0xFFFFFC00  }
0x99: {  	v26 =	vmov s6;
	v24 =	vld.idx.msk [tilespmem:v24+s14+$0x0], $0xffff  }
0x9a: {  	v23 =	vadd.s32 v26, v23;
	v27 =	vld.idx.msk [tilespmem:v27+s17+$0x0], $0xffff  }
0x9b: {  	v23 =	vshll.u32 v23, $0x2  }
0x9c: {  	v28 =	vor.u32 $0x2, v25;
	_ =	sdelay $0x1  }
0x9d: {  	vm9 =	vgt.s32 v24, v6  }
0x9e: {  	v24 =	vnsel vm9, $0x0, v27  }
0x9f: {  	[tilespmem:v23+s12+$0x0] =	vst.idx.msk $0xffff, v24  }
0xa0: {  	v24 =	vld.idx.msk [tilespmem:v28+s17+$0x0], $0xffff  }
0xa1: {  	v27 =	vor.u32 $0x1, v23  }
0xa2: {  	v28 =	vor.u32 $0x3, v25;
	_ =	sdelay $0x2  }
0xa3: {  	v24 =	vnsel vm9, $0x0, v24  }
0xa4: {  	[tilespmem:v27+s12+$0x0] =	vst.idx.msk $0xffff, v24  }
0xa5: {  	v24 =	vld.idx.msk [tilespmem:v28+s17+$0x0], $0xffff  }
0xa6: {  	v27 =	vor.u32 $0x2, v23  }
0xa7: {  	v25 =	vor.u32 $0x4, v25;
	_ =	sdelay $0x2  }
0xa8: {  	v24 =	vnsel vm9, $0x0, v24  }
0xa9: {  	[tilespmem:v27+s12+$0x0] =	vst.idx.msk $0xffff, v24  }
0xaa: {  	v24 =	vld.idx.msk [tilespmem:v25+s17+$0x0], $0xffff;
	v25 =	vmov s31  }
0xab: {  	v23 =	vor.u32 $0x3, v23;
	v27 =	vshll.u32 v25, $0x3  }
0xac: {  	v25 =	vor.u32 s7, v11;
	v28 =	vadd.s32 v10, v27  }
0xad: {  	v29 =	vor.u32 $0x1, v28;
	_ =	sdelay $0x1  }
0xae: {  	v24 =	vnsel vm9, $0x0, v24  }
0xaf: {  	[tilespmem:v23+s12+$0x0] =	vst.idx.msk $0xffff, v24  }
0xb0: {  	v23 =	vor.u32 s6, v1;
	v24 =	vld.idx.msk [tilespmem:v25+s14+$0x0], $0xffff  }
0xb1: {  	v25 =	vld.idx.msk [tilespmem:v29+s17+$0x0], $0xffff;
	v29 =	vadd.s32 s31, v23  }
0xb2: {  	v29 =	vshll.u32 v29, $0x2  }
0xb3: {  	v30 =	vor.u32 $0x2, v28;
	_ =	sdelay $0x1  }
0xb4: {  	vm9 =	vgt.s32 v24, v12  }
0xb5: {  	v24 =	vnsel vm9, $0x0, v25  }
0xb6: {  	[tilespmem:v29+s12+$0x0] =	vst.idx.msk $0xffff, v24  }
0xb7: {  	v24 =	vld.idx.msk [tilespmem:v30+s17+$0x0], $0xffff  }
0xb8: {  	v25 =	vor.u32 $0x1, v29  }
0xb9: {  	v30 =	vor.u32 $0x3, v28;
	_ =	sdelay $0x2  }
0xba: {  	v24 =	vnsel vm9, $0x0, v24  }
0xbb: {  	[tilespmem:v25+s12+$0x0] =	vst.idx.msk $0xffff, v24  }
0xbc: {  	v24 =	vld.idx.msk [tilespmem:v30+s17+$0x0], $0xffff  }
0xbd: {  	v25 =	vor.u32 $0x2, v29  }
0xbe: {  	v28 =	vor.u32 $0x4, v28;
	_ =	sdelay $0x2  }
0xbf: {  	v24 =	vnsel vm9, $0x0, v24  }
0xc0: {  	[tilespmem:v25+s12+$0x0] =	vst.idx.msk $0xffff, v24  }
0xc1: {  	v24 =	vld.idx.msk [tilespmem:v28+s17+$0x0], $0xffff  }
0xc2: {  	v25 =	vor.u32 $0x3, v29  }
0xc3: {  	v29 =	vor.u32 s7, v13;
	v28 =	vadd.s32 v9, v27  }
0xc4: {  	v30 =	vor.u32 $0x1, v28;
	_ =	sdelay $0x1  }
0xc5: {  	v24 =	vnsel vm9, $0x0, v24  }
0xc6: {  	[tilespmem:v25+s12+$0x0] =	vst.idx.msk $0xffff, v24  }
0xc7: {  	v24 =	vor.u32 s6, v2;
	v25 =	vld.idx.msk [tilespmem:v29+s14+$0x0], $0xffff  }
0xc8: {  	v29 =	vld.idx.msk [tilespmem:v30+s17+$0x0], $0xffff;
	v30 =	vadd.s32 s31, v24  }
0xc9: {  	v30 =	vshll.u32 v30, $0x2  }
0xca: {  	v31 =	vor.u32 $0x2, v28;
	_ =	sdelay $0x1  }
0xcb: {  	vm9 =	vgt.s32 v25, v14  }
0xcc: {  	v25 =	vnsel vm9, $0x0, v29  }
0xcd: {  	[tilespmem:v30+s12+$0x0] =	vst.idx.msk $0xffff, v25  }
0xce: {  	v25 =	vld.idx.msk [tilespmem:v31+s17+$0x0], $0xffff  }
0xcf: {  	v29 =	vor.u32 $0x1, v30  }
0xd0: {  	v31 =	vor.u32 $0x3, v28;
	_ =	sdelay $0x2  }
0xd1: {  	v25 =	vnsel vm9, $0x0, v25  }
0xd2: {  	[tilespmem:v29+s12+$0x0] =	vst.idx.msk $0xffff, v25  }
0xd3: {  	v25 =	vld.idx.msk [tilespmem:v31+s17+$0x0], $0xffff  }
0xd4: {  	v29 =	vor.u32 $0x2, v30  }
0xd5: {  	v28 =	vor.u32 $0x4, v28;
	_ =	sdelay $0x2  }
0xd6: {  	v25 =	vnsel vm9, $0x0, v25  }
0xd7: {  	[tilespmem:v29+s12+$0x0] =	vst.idx.msk $0xffff, v25  }
0xd8: {  	v25 =	vld.idx.msk [tilespmem:v28+s17+$0x0], $0xffff  }
0xd9: {  	v28 =	vor.u32 $0x3, v30  }
0xda: {  	v29 =	vadd.s32 v8, v27;
	v30 =	vor.u32 s7, v15  }
0xdb: {  	v31 =	vor.u32 $0x1, v29;
	_ =	sdelay $0x1  }
0xdc: {  	v25 =	vnsel vm9, $0x0, v25  }
0xdd: {  	[tilespmem:v28+s12+$0x0] =	vst.idx.msk $0xffff, v25  }
0xde: {  	v25 =	vor.u32 s6, v3;
	v28 =	vld.idx.msk [tilespmem:v30+s14+$0x0], $0xffff  }
0xdf: {  	v30 =	vld.idx.msk [tilespmem:v31+s17+$0x0], $0xffff;
	v31 =	vadd.s32 s31, v25  }
0xe0: {  	v31 =	vshll.u32 v31, $0x2  }
0xe1: {  	v32 =	vor.u32 $0x2, v29;
	_ =	sdelay $0x1  }
0xe2: {  	vm9 =	vgt.s32 v28, v16  }
0xe3: {  	v28 =	vnsel vm9, $0x0, v30  }
0xe4: {  	[tilespmem:v31+s12+$0x0] =	vst.idx.msk $0xffff, v28  }
0xe5: {  	v28 =	vld.idx.msk [tilespmem:v32+s17+$0x0], $0xffff  }
0xe6: {  	v30 =	vor.u32 $0x1, v31  }
0xe7: {  	v60 =	vor.u32 $0x3, v29;
	_ =	sdelay $0x2  }
0xe8: {  	v28 =	vnsel vm9, $0x0, v28  }
0xe9: {  	[tilespmem:v30+s12+$0x0] =	vst.idx.msk $0xffff, v28  }
0xea: {  	v28 =	vld.idx.msk [tilespmem:v60+s17+$0x0], $0xffff  }
0xeb: {  	v30 =	vor.u32 $0x2, v31  }
0xec: {  	v29 =	vor.u32 $0x4, v29;
	_ =	sdelay $0x2  }
0xed: {  	v28 =	vnsel vm9, $0x0, v28  }
0xee: {  	[tilespmem:v30+s12+$0x0] =	vst.idx.msk $0xffff, v28  }
0xef: {  	v28 =	vld.idx.msk [tilespmem:v29+s17+$0x0], $0xffff  }
0xf0: {  	v29 =	vor.u32 $0x3, v31  }
0xf1: {  	v30 =	vadd.s32 v7, v27;
	v31 =	vor.u32 s7, v17  }
0xf2: {  	v61 =	vor.u32 $0x1, v30;
	_ =	sdelay $0x1  }
0xf3: {  	v27 =	vnsel vm9, $0x0, v28  }
0xf4: {  	[tilespmem:v29+s12+$0x0] =	vst.idx.msk $0xffff, v27  }
0xf5: {  	v27 =	vor.u32 s6, v4;
	v28 =	vld.idx.msk [tilespmem:v31+s14+$0x0], $0xffff  }
0xf6: {  	v29 =	vld.idx.msk [tilespmem:v61+s17+$0x0], $0xffff;
	v31 =	vadd.s32 s31, v27  }
0xf7: {  	v31 =	vshll.u32 v31, $0x2  }
0xf8: {  	v62 =	vor.u32 $0x2, v30;
	_ =	sdelay $0x1  }
0xf9: {  	vm9 =	vgt.s32 v28, v18  }
0xfa: {  	v28 =	vnsel vm9, $0x0, v29  }
0xfb: {  	[tilespmem:v31+s12+$0x0] =	vst.idx.msk $0xffff, v28  }
0xfc: {  	v28 =	vld.idx.msk [tilespmem:v62+s17+$0x0], $0xffff  }
0xfd: {  	v29 =	vor.u32 $0x1, v31  }
0xfe: {  	v63 =	vor.u32 $0x3, v30;
	_ =	sdelay $0x2  }
0xff: {  	v28 =	vnsel vm9, $0x0, v28  }
0x100: {  	[tilespmem:v29+s12+$0x0] =	vst.idx.msk $0xffff, v28  }
0x101: {  	v28 =	vld.idx.msk [tilespmem:v63+s17+$0x0], $0xffff  }
0x102: {  	v29 =	vor.u32 $0x2, v31  }
0x103: {  	v30 =	vor.u32 $0x4, v30;
	_ =	sdelay $0x2  }
0x104: {  	v28 =	vnsel vm9, $0x0, v28  }
0x105: {  	[tilespmem:v29+s12+$0x0] =	vst.idx.msk $0xffff, v28  }
0x106: {  	s9 =	simm.s32 $0x50;
	v33 =	vld.idx.msk [tilespmem:v30+s17+$0x0], $0xffff  }
0x107: {  	s10 =	sadd.s32 $0x10, s7;
	v28 =	vor.u32 s9, v0;
	v30 =	vor.u32 $0x3, v31  }
0x108: {  	v29 =	vadd.s32 v26, v28;
	v28 =	vshll.u32 v28, $0x3;
	v31 =	vor.u32 s10, v5  }
0x109: {  	v32 =	vor.u32 $0x1, v28;
	_ =	sdelay $0x1  }
0x10a: {  	s4 =	simm.s32 $0xA0;
	v33 =	vnsel vm9, $0x0, v33  }
.LBB2_6:
0x10b: {  	p0 =	sne.s32 s4, $0x730;
	[tilespmem:v30+s12+$0x0] =	vst.idx.msk $0xffff, v33;
	s11 =	smov.u32 s4;
	s4 =	sadd.s32 $0x50, s4  }
0x10c: {  	v30 =	vld.idx.msk [tilespmem:v31+s14+$0x0], $0xffff  }
0x10d: {  	v31 =	vld.idx.msk [tilespmem:v32+s17+$0x0], $0xffff;
	_ =	sdelay $0x1  }
0x10e: {  	v29 =	vshll.u32 v29, $0x2  }
0x10f: {  	v32 =	vor.u32 $0x2, v28;
	_ =	sdelay $0x1  }
0x110: {  	vm9 =	vgt.s32 v30, v6  }
0x111: {  	v30 =	vnsel vm9, $0x0, v31  }
0x112: {  	[tilespmem:v29+s12+$0x0] =	vst.idx.msk $0xffff, v30  }
0x113: {  	v30 =	vld.idx.msk [tilespmem:v32+s17+$0x0], $0xffff;
	_ =	sdelay $0x1  }
0x114: {  	v31 =	vor.u32 $0x1, v29  }
0x115: {  	v32 =	vor.u32 $0x3, v28;
	_ =	sdelay $0x2  }
0x116: {  	v30 =	vnsel vm9, $0x0, v30  }
0x117: {  	[tilespmem:v31+s12+$0x0] =	vst.idx.msk $0xffff, v30  }
0x118: {  	v30 =	vld.idx.msk [tilespmem:v32+s17+$0x0], $0xffff;
	_ =	sdelay $0x1  }
0x119: {  	v31 =	vor.u32 $0x2, v29  }
0x11a: {  	v28 =	vor.u32 $0x4, v28;
	_ =	sdelay $0x2  }
0x11b: {  	v30 =	vnsel vm9, $0x0, v30  }
0x11c: {  	[tilespmem:v31+s12+$0x0] =	vst.idx.msk $0xffff, v30  }
0x11d: {  	v30 =	vld.idx.msk [tilespmem:v28+s17+$0x0], $0xffff  }
0x11e: {  	v28 =	vmov s9  }
0x11f: {  	v31 =	vor.u32 $0x3, v29;
	v29 =	vshll.u32 v28, $0x3  }
0x120: {  	v32 =	vor.u32 s10, v11;
	v33 =	vadd.s32 v10, v29;
	v28 =	vadd.s32 v7, v29  }
0x121: {  	v35 =	vadd.s32 v9, v29;
	v29 =	vadd.s32 v8, v29;
	v34 =	vor.u32 $0x1, v33;
	_ =	sdelay $0x1  }
0x122: {  	v30 =	vnsel vm9, $0x0, v30  }
0x123: {  	[tilespmem:v31+s12+$0x0] =	vst.idx.msk $0xffff, v30  }
0x124: {  	v30 =	vld.idx.msk [tilespmem:v32+s14+$0x0], $0xffff  }
0x125: {  	v31 =	vld.idx.msk [tilespmem:v34+s17+$0x0], $0xffff  }
0x126: {  	v32 =	vadd.s32 s9, v23  }
0x127: {  	v32 =	vshll.u32 v32, $0x2  }
0x128: {  	v34 =	vor.u32 $0x2, v33;
	_ =	sdelay $0x1  }
0x129: {  	vm9 =	vgt.s32 v30, v12  }
0x12a: {  	v30 =	vnsel vm9, $0x0, v31  }
0x12b: {  	[tilespmem:v32+s12+$0x0] =	vst.idx.msk $0xffff, v30  }
0x12c: {  	v30 =	vld.idx.msk [tilespmem:v34+s17+$0x0], $0xffff;
	_ =	sdelay $0x1  }
0x12d: {  	v31 =	vor.u32 $0x1, v32  }
0x12e: {  	v34 =	vor.u32 $0x3, v33;
	_ =	sdelay $0x2  }
0x12f: {  	v30 =	vnsel vm9, $0x0, v30  }
0x130: {  	[tilespmem:v31+s12+$0x0] =	vst.idx.msk $0xffff, v30  }
0x131: {  	v30 =	vld.idx.msk [tilespmem:v34+s17+$0x0], $0xffff;
	_ =	sdelay $0x1  }
0x132: {  	v31 =	vor.u32 $0x2, v32  }
0x133: {  	v33 =	vor.u32 $0x4, v33;
	_ =	sdelay $0x2  }
0x134: {  	v30 =	vnsel vm9, $0x0, v30  }
0x135: {  	[tilespmem:v31+s12+$0x0] =	vst.idx.msk $0xffff, v30  }
0x136: {  	v30 =	vld.idx.msk [tilespmem:v33+s17+$0x0], $0xffff;
	_ =	sdelay $0x1  }
0x137: {  	v31 =	vor.u32 $0x3, v32  }
0x138: {  	v32 =	vor.u32 s10, v13  }
0x139: {  	v33 =	vor.u32 $0x1, v35;
	_ =	sdelay $0x1  }
0x13a: {  	v30 =	vnsel vm9, $0x0, v30  }
0x13b: {  	[tilespmem:v31+s12+$0x0] =	vst.idx.msk $0xffff, v30  }
0x13c: {  	v30 =	vld.idx.msk [tilespmem:v32+s14+$0x0], $0xffff  }
0x13d: {  	v31 =	vld.idx.msk [tilespmem:v33+s17+$0x0], $0xffff  }
0x13e: {  	v32 =	vadd.s32 s9, v24  }
0x13f: {  	v32 =	vshll.u32 v32, $0x2  }
0x140: {  	v33 =	vor.u32 $0x2, v35;
	_ =	sdelay $0x1  }
0x141: {  	vm9 =	vgt.s32 v30, v14  }
0x142: {  	v30 =	vnsel vm9, $0x0, v31  }
0x143: {  	[tilespmem:v32+s12+$0x0] =	vst.idx.msk $0xffff, v30  }
0x144: {  	v30 =	vld.idx.msk [tilespmem:v33+s17+$0x0], $0xffff;
	_ =	sdelay $0x1  }
0x145: {  	v31 =	vor.u32 $0x1, v32  }
0x146: {  	v33 =	vor.u32 $0x3, v35;
	_ =	sdelay $0x2  }
0x147: {  	v30 =	vnsel vm9, $0x0, v30  }
0x148: {  	[tilespmem:v31+s12+$0x0] =	vst.idx.msk $0xffff, v30  }
0x149: {  	v30 =	vld.idx.msk [tilespmem:v33+s17+$0x0], $0xffff;
	_ =	sdelay $0x1  }
0x14a: {  	v31 =	vor.u32 $0x2, v32  }
0x14b: {  	v33 =	vor.u32 $0x4, v35;
	_ =	sdelay $0x2  }
0x14c: {  	v30 =	vnsel vm9, $0x0, v30  }
0x14d: {  	[tilespmem:v31+s12+$0x0] =	vst.idx.msk $0xffff, v30  }
0x14e: {  	v30 =	vld.idx.msk [tilespmem:v33+s17+$0x0], $0xffff;
	_ =	sdelay $0x1  }
0x14f: {  	v31 =	vor.u32 $0x3, v32  }
0x150: {  	v32 =	vor.u32 s10, v15  }
0x151: {  	v33 =	vor.u32 $0x1, v29;
	_ =	sdelay $0x1  }
0x152: {  	v30 =	vnsel vm9, $0x0, v30  }
0x153: {  	[tilespmem:v31+s12+$0x0] =	vst.idx.msk $0xffff, v30  }
0x154: {  	v30 =	vld.idx.msk [tilespmem:v32+s14+$0x0], $0xffff  }
0x155: {  	v31 =	vld.idx.msk [tilespmem:v33+s17+$0x0], $0xffff  }
0x156: {  	v32 =	vadd.s32 s9, v25  }
0x157: {  	v32 =	vshll.u32 v32, $0x2  }
0x158: {  	v33 =	vor.u32 $0x2, v29;
	_ =	sdelay $0x1  }
0x159: {  	vm9 =	vgt.s32 v30, v16  }
0x15a: {  	v30 =	vnsel vm9, $0x0, v31  }
0x15b: {  	[tilespmem:v32+s12+$0x0] =	vst.idx.msk $0xffff, v30  }
0x15c: {  	v30 =	vld.idx.msk [tilespmem:v33+s17+$0x0], $0xffff;
	_ =	sdelay $0x1  }
0x15d: {  	v31 =	vor.u32 $0x1, v32  }
0x15e: {  	v33 =	vor.u32 $0x3, v29;
	_ =	sdelay $0x2  }
0x15f: {  	v30 =	vnsel vm9, $0x0, v30  }
0x160: {  	[tilespmem:v31+s12+$0x0] =	vst.idx.msk $0xffff, v30  }
0x161: {  	v30 =	vld.idx.msk [tilespmem:v33+s17+$0x0], $0xffff;
	_ =	sdelay $0x1  }
0x162: {  	v31 =	vor.u32 $0x2, v32  }
0x163: {  	v29 =	vor.u32 $0x4, v29;
	_ =	sdelay $0x2  }
0x164: {  	v30 =	vnsel vm9, $0x0, v30  }
0x165: {  	[tilespmem:v31+s12+$0x0] =	vst.idx.msk $0xffff, v30  }
0x166: {  	v29 =	vld.idx.msk [tilespmem:v29+s17+$0x0], $0xffff;
	_ =	sdelay $0x1  }
0x167: {  	v30 =	vor.u32 $0x3, v32  }
0x168: {  	v31 =	vor.u32 s10, v17  }
0x169: {  	v32 =	vor.u32 $0x1, v28;
	_ =	sdelay $0x1  }
0x16a: {  	v29 =	vnsel vm9, $0x0, v29  }
0x16b: {  	[tilespmem:v30+s12+$0x0] =	vst.idx.msk $0xffff, v29  }
0x16c: {  	v29 =	vld.idx.msk [tilespmem:v31+s14+$0x0], $0xffff  }
0x16d: {  	v30 =	vld.idx.msk [tilespmem:v32+s17+$0x0], $0xffff  }
0x16e: {  	v31 =	vadd.s32 s9, v27;
	s9 =	smov.u32 s11  }
0x16f: {  	v31 =	vshll.u32 v31, $0x2  }
0x170: {  	v32 =	vor.u32 $0x2, v28;
	_ =	sdelay $0x1  }
0x171: {  	vm9 =	vgt.s32 v29, v18  }
0x172: {  	v29 =	vnsel vm9, $0x0, v30  }
0x173: {  	[tilespmem:v31+s12+$0x0] =	vst.idx.msk $0xffff, v29  }
0x174: {  	v29 =	vld.idx.msk [tilespmem:v32+s17+$0x0], $0xffff;
	_ =	sdelay $0x1  }
0x175: {  	v30 =	vor.u32 $0x1, v31  }
0x176: {  	v32 =	vor.u32 $0x3, v28;
	_ =	sdelay $0x2  }
0x177: {  	v29 =	vnsel vm9, $0x0, v29  }
0x178: {  	[tilespmem:v30+s12+$0x0] =	vst.idx.msk $0xffff, v29  }
0x179: {  	v29 =	vld.idx.msk [tilespmem:v32+s17+$0x0], $0xffff;
	_ =	sdelay $0x1  }
0x17a: {  	v30 =	vor.u32 $0x2, v31  }
0x17b: {  	v28 =	vor.u32 $0x4, v28;
	_ =	sdelay $0x2  }
0x17c: {  	v29 =	vnsel vm9, $0x0, v29  }
0x17d: {  	[tilespmem:v30+s12+$0x0] =	vst.idx.msk $0xffff, v29  }
0x17e: {  	v33 =	vld.idx.msk [tilespmem:v28+s17+$0x0], $0xffff;
	_ =	sdelay $0x1  }
.Ltmp1:
0x17f: {  	s10 =	sadd.s32 $0x10, s10;
	v30 =	vor.u32 $0x3, v31;
	v28 =	vor.u32 s9, v0;
	(pc) =	sbr.rel @p0 .LBB2_6-.Ltmp1, $3  }
0x180: {  	v31 =	vor.u32 s10, v5;
	v29 =	vadd.s32 v26, v28;
	v28 =	vshll.u32 v28, $0x3  }
0x181: {  	v32 =	vor.u32 $0x1, v28;
	_ =	sdelay $0x1  }
0x182: {  	v33 =	vnsel vm9, $0x0, v33  }
0x183: {  	_ =	sdelay $0x3  }
0x184: {  	[tilespmem:v30+s12+$0x0] =	vst.idx.msk $0xffff, v33  }
0x185: {  	v26 =	vld.idx.msk [tilespmem:v31+s14+$0x0], $0xffff  }
0x186: {  	v30 =	vld.idx.msk [tilespmem:v32+s17+$0x0], $0xffff  }
0x187: {  	v29 =	vshll.u32 v29, $0x2  }
0x188: {  	v55 =	vor.u32 $0x2, v28;
	_ =	sdelay $0x1  }
0x189: {  	vm9 =	vgt.s32 v26, v6  }
0x18a: {  	v26 =	vnsel vm9, $0x0, v30  }
0x18b: {  	[tilespmem:v29+s12+$0x0] =	vst.idx.msk $0xffff, v26  }
0x18c: {  	v26 =	vld.idx.msk [tilespmem:v55+s17+$0x0], $0xffff  }
0x18d: {  	v56 =	vor.u32 $0x1, v29  }
0x18e: {  	v57 =	vor.u32 $0x3, v28;
	_ =	sdelay $0x2  }
0x18f: {  	v26 =	vnsel vm9, $0x0, v26  }
0x190: {  	[tilespmem:v56+s12+$0x0] =	vst.idx.msk $0xffff, v26  }
0x191: {  	v26 =	vld.idx.msk [tilespmem:v57+s17+$0x0], $0xffff  }
0x192: {  	v58 =	vor.u32 $0x2, v29  }
0x193: {  	v59 =	vor.u32 $0x4, v28;
	_ =	sdelay $0x2  }
0x194: {  	v26 =	vnsel vm9, $0x0, v26  }
0x195: {  	[tilespmem:v58+s12+$0x0] =	vst.idx.msk $0xffff, v26  }
0x196: {  	v60 =	vmov s9;
	v26 =	vld.idx.msk [tilespmem:v59+s17+$0x0], $0xffff  }
0x197: {  	v28 =	vshll.u32 v60, $0x3;
	v29 =	vor.u32 $0x3, v29  }
0x198: {  	v61 =	vor.u32 s10, v11;
	v62 =	vadd.s32 v10, v28  }
0x199: {  	v63 =	vor.u32 $0x1, v62;
	_ =	sdelay $0x1  }
0x19a: {  	v26 =	vnsel vm9, $0x0, v26  }
0x19b: {  	[tilespmem:v29+s12+$0x0] =	vst.idx.msk $0xffff, v26  }
0x19c: {  	v26 =	vld.idx.msk [tilespmem:v61+s14+$0x0], $0xffff  }
0x19d: {  	v23 =	vadd.s32 s9, v23;
	v29 =	vld.idx.msk [tilespmem:v63+s17+$0x0], $0xffff  }
0x19e: {  	v23 =	vshll.u32 v23, $0x2  }
0x19f: {  	v36 =	vor.u32 $0x2, v62;
	_ =	sdelay $0x1  }
0x1a0: {  	vm9 =	vgt.s32 v26, v12  }
0x1a1: {  	v26 =	vnsel vm9, $0x0, v29  }
0x1a2: {  	[tilespmem:v23+s12+$0x0] =	vst.idx.msk $0xffff, v26  }
0x1a3: {  	v26 =	vld.idx.msk [tilespmem:v36+s17+$0x0], $0xffff  }
0x1a4: {  	v37 =	vor.u32 $0x1, v23  }
0x1a5: {  	v38 =	vor.u32 $0x3, v62;
	_ =	sdelay $0x2  }
0x1a6: {  	v26 =	vnsel vm9, $0x0, v26  }
0x1a7: {  	[tilespmem:v37+s12+$0x0] =	vst.idx.msk $0xffff, v26  }
0x1a8: {  	v26 =	vld.idx.msk [tilespmem:v38+s17+$0x0], $0xffff  }
0x1a9: {  	v39 =	vor.u32 $0x2, v23  }
0x1aa: {  	v40 =	vor.u32 $0x4, v62;
	_ =	sdelay $0x2  }
0x1ab: {  	v26 =	vnsel vm9, $0x0, v26  }
0x1ac: {  	[tilespmem:v39+s12+$0x0] =	vst.idx.msk $0xffff, v26  }
0x1ad: {  	v26 =	vld.idx.msk [tilespmem:v40+s17+$0x0], $0xffff  }
0x1ae: {  	v23 =	vor.u32 $0x3, v23  }
0x1af: {  	v42 =	vor.u32 s10, v13;
	v41 =	vadd.s32 v9, v28  }
0x1b0: {  	v43 =	vor.u32 $0x1, v41;
	_ =	sdelay $0x1  }
0x1b1: {  	v26 =	vnsel vm9, $0x0, v26  }
0x1b2: {  	[tilespmem:v23+s12+$0x0] =	vst.idx.msk $0xffff, v26  }
0x1b3: {  	v23 =	vld.idx.msk [tilespmem:v42+s14+$0x0], $0xffff  }
0x1b4: {  	v24 =	vadd.s32 s9, v24;
	v26 =	vld.idx.msk [tilespmem:v43+s17+$0x0], $0xffff  }
0x1b5: {  	v24 =	vshll.u32 v24, $0x2  }
0x1b6: {  	v44 =	vor.u32 $0x2, v41;
	_ =	sdelay $0x1  }
0x1b7: {  	vm9 =	vgt.s32 v23, v14  }
0x1b8: {  	v23 =	vnsel vm9, $0x0, v26  }
0x1b9: {  	[tilespmem:v24+s12+$0x0] =	vst.idx.msk $0xffff, v23  }
0x1ba: {  	v23 =	vld.idx.msk [tilespmem:v44+s17+$0x0], $0xffff  }
0x1bb: {  	v45 =	vor.u32 $0x1, v24  }
0x1bc: {  	v46 =	vor.u32 $0x3, v41;
	_ =	sdelay $0x2  }
0x1bd: {  	v23 =	vnsel vm9, $0x0, v23  }
0x1be: {  	[tilespmem:v45+s12+$0x0] =	vst.idx.msk $0xffff, v23  }
0x1bf: {  	v23 =	vld.idx.msk [tilespmem:v46+s17+$0x0], $0xffff  }
0x1c0: {  	v47 =	vor.u32 $0x2, v24  }
0x1c1: {  	v29 =	vor.u32 $0x4, v41;
	_ =	sdelay $0x2  }
0x1c2: {  	v23 =	vnsel vm9, $0x0, v23  }
0x1c3: {  	[tilespmem:v47+s12+$0x0] =	vst.idx.msk $0xffff, v23  }
0x1c4: {  	v23 =	vld.idx.msk [tilespmem:v29+s17+$0x0], $0xffff  }
0x1c5: {  	v24 =	vor.u32 $0x3, v24  }
0x1c6: {  	v49 =	vor.u32 s10, v15;
	v48 =	vadd.s32 v8, v28  }
0x1c7: {  	v50 =	vor.u32 $0x1, v48;
	_ =	sdelay $0x1  }
0x1c8: {  	v23 =	vnsel vm9, $0x0, v23  }
0x1c9: {  	[tilespmem:v24+s12+$0x0] =	vst.idx.msk $0xffff, v23  }
0x1ca: {  	v23 =	vld.idx.msk [tilespmem:v49+s14+$0x0], $0xffff  }
0x1cb: {  	v25 =	vadd.s32 s9, v25;
	v24 =	vld.idx.msk [tilespmem:v50+s17+$0x0], $0xffff  }
0x1cc: {  	v25 =	vshll.u32 v25, $0x2  }
0x1cd: {  	v51 =	vor.u32 $0x2, v48;
	_ =	sdelay $0x1  }
0x1ce: {  	vm9 =	vgt.s32 v23, v16  }
0x1cf: {  	v23 =	vnsel vm9, $0x0, v24  }
0x1d0: {  	[tilespmem:v25+s12+$0x0] =	vst.idx.msk $0xffff, v23  }
0x1d1: {  	v23 =	vld.idx.msk [tilespmem:v51+s17+$0x0], $0xffff  }
0x1d2: {  	v52 =	vor.u32 $0x1, v25  }
0x1d3: {  	v53 =	vor.u32 $0x3, v48;
	_ =	sdelay $0x2  }
0x1d4: {  	v23 =	vnsel vm9, $0x0, v23  }
0x1d5: {  	[tilespmem:v52+s12+$0x0] =	vst.idx.msk $0xffff, v23  }
0x1d6: {  	v23 =	vld.idx.msk [tilespmem:v53+s17+$0x0], $0xffff  }
0x1d7: {  	v54 =	vor.u32 $0x2, v25  }
0x1d8: {  	v26 =	vor.u32 $0x4, v48;
	_ =	sdelay $0x2  }
0x1d9: {  	v23 =	vnsel vm9, $0x0, v23  }
0x1da: {  	[tilespmem:v54+s12+$0x0] =	vst.idx.msk $0xffff, v23  }
0x1db: {  	v23 =	vld.idx.msk [tilespmem:v26+s17+$0x0], $0xffff  }
0x1dc: {  	v55 =	vor.u32 $0x3, v25  }
0x1dd: {  	v56 =	vadd.s32 v7, v28;
	v57 =	vor.u32 s10, v17  }
0x1de: {  	v28 =	vor.u32 $0x1, v56;
	_ =	sdelay $0x1  }
0x1df: {  	v23 =	vnsel vm9, $0x0, v23  }
0x1e0: {  	[tilespmem:v55+s12+$0x0] =	vst.idx.msk $0xffff, v23  }
0x1e1: {  	v23 =	vld.idx.msk [tilespmem:v57+s14+$0x0], $0xffff  }
0x1e2: {  	v58 =	vadd.s32 s9, v27;
	v24 =	vld.idx.msk [tilespmem:v28+s17+$0x0], $0xffff  }
0x1e3: {  	v26 =	vshll.u32 v58, $0x2  }
0x1e4: {  	v59 =	vor.u32 $0x2, v56;
	_ =	sdelay $0x1  }
0x1e5: {  	vm9 =	vgt.s32 v23, v18  }
0x1e6: {  	v23 =	vnsel vm9, $0x0, v24  }
0x1e7: {  	[tilespmem:v26+s12+$0x0] =	vst.idx.msk $0xffff, v23  }
0x1e8: {  	v23 =	vld.idx.msk [tilespmem:v59+s17+$0x0], $0xffff  }
0x1e9: {  	v60 =	vor.u32 $0x1, v26  }
0x1ea: {  	v61 =	vor.u32 $0x3, v56;
	_ =	sdelay $0x2  }
0x1eb: {  	v23 =	vnsel vm9, $0x0, v23  }
0x1ec: {  	[tilespmem:v60+s12+$0x0] =	vst.idx.msk $0xffff, v23  }
0x1ed: {  	v23 =	vld.idx.msk [tilespmem:v61+s17+$0x0], $0xffff  }
0x1ee: {  	v62 =	vor.u32 $0x2, v26  }
0x1ef: {  	v25 =	vor.u32 $0x4, v56;
	_ =	sdelay $0x2  }
0x1f0: {  	v23 =	vnsel vm9, $0x0, v23  }
0x1f1: {  	[tilespmem:v62+s12+$0x0] =	vst.idx.msk $0xffff, v23  }
0x1f2: {  	s8 =	sadd.s32 $0x1, s8;
	v23 =	vld.idx.msk [tilespmem:v25+s17+$0x0], $0xffff  }
0x1f3: {  	p0 =	sne.s32 s8, $0x5;
	v63 =	vor.u32 $0x3, v26  }
.Ltmp2:
0x1f4: {  	_ = 	snop;
	(pc) =	sbr.rel @p0 .LBB2_5-.Ltmp2, $3  }
0x1f5: {  	_ =	sdelay $0x1  }
0x1f6: {  	v23 =	vnsel vm9, $0x0, v23  }
0x1f7: {  	s7 =	sadd.s32 $0x180, s7;
	[tilespmem:v63+s12+$0x0] =	vst.idx.msk $0xffff, v23  }
0x1f8: {  	s3 =	simm.s32 $0xFF00  }
0x1f9: {  	v23 =	vld [tilespmem:s3+$0x0];
	_ =	sdelay $0x4  }
0x1fa: {  	(v2sf) =	vpush v23, $0x0  }
0x1fb: {  	(v2sf) =	vpush v23, $0x7;
	_ =	sdelay $0x1  }
0x1fc: {  	(v2sf) =	vpush v23, $0x1  }
0x1fd: {  	(v2sf) =	vpush v23, $0x2;
	_ =	sdelay $0x1  }
0x1fe: {  	(v2sf) =	vpush v23, $0x9;
	_ =	sdelay $0x2  }
0x1ff: {  	(v2sf) =	vpush v23, $0x3;
	_ =	sdelay $0x1  }
0x200: {  	(v2sf) =	vpush v23, $0x4  }
0x201: {  	(v2sf) =	vpush v23, $0xC  }
0x202: {  	(v2sf) =	vpush v23, $0x8  }
0x203: {  	(v2sf) =	vpush v23, $0xA  }
0x204: {  	s1 =	spop (v2sf)  }
0x205: {  	s4 =	spop (v2sf);
	s16 =	smulhi.u32 $0x66666667, s1  }
0x206: {  	(v2sf) =	vpush v23, $0xF;
	s8 =	sshra.s32 s4, $0x1F;
	s4 =	smulhi.u32 $0x66666667, s4  }
0x207: {  	s6 =	spop (v2sf);
	s13 =	smul.u32 $0x66666667, s8  }
0x208: {  	s9 =	spop (v2sf);
	s0 =	smulhi.u32 $0x66666667, s6  }
0x209: {  	s6 =	sshra.s32 s6, $0x1F;
	s22 =	smulhi.u32 $0x66666667, s9  }
0x20a: {  	s2 =	spop (v2sf);
	s15 =	smul.u32 $0x66666667, s6  }
0x20b: {  	s5 =	sshra.s32 s9, $0x1F;
	s11 =	smulhi.u32 $0x66666667, s2  }
0x20c: {  	(v2sf) =	vpush v23, $0xD;
	s8 =	sshra.s32 s2, $0x1F;
	s25 =	smul.u32 $0x66666667, s5  }
0x20d: {  	(v2sf) =	vpush v23, $0xE;
	s18 =	spop (v2sf);
	s21 =	smul.u32 $0x66666667, s8  }
0x20e: {  	(v2sf) =	vpush v23, $0xB;
	s5 =	simm.s32 $0x0;
	s7 =	sshra.s32 s18, $0x1F;
	s18 =	smulhi.u32 $0x66666667, s18  }
0x20f: {  	(v2sf) =	vpush v23, $0x5;
	s4 =	sadd.s32 s13, s4;
	s20 =	spop (v2sf);
	s31 =	smul.u32 $0x66666667, s7  }
0x210: {  	s23 =	spop (v2sf);
	s6 =	sshra.s32 s20, $0x1F;
	s20 =	smulhi.u32 $0x66666667, s20  }
0x211: {  	(v2sf) =	vpush v23, $0x6;
	s24 =	spop (v2sf);
	s29 =	smul.u32 $0x66666667, s6;
	s6 =	sshra.s32 s1, $0x1F  }
0x212: {  	s8 =	simm.s32 $0x10;
	s26 =	spop (v2sf);
	s6 =	smul.u32 $0x66666667, s6  }
0x213: {  	s0 =	sadd.s32 s15, s0;
	s7 =	simm.s32 $0xF780;
	s28 =	smulhi.u32 $0x66666667, s26  }
0x214: {  	s19 =	sshra.s32 s24, $0x1F;
	s10 =	sshra.s32 s26, $0x1F;
	s26 =	smulhi.u32 $0x66666667, s23  }
0x215: {  	s22 =	sadd.s32 s25, s22;
	s30 =	spop (v2sf);
	s1 =	smul.u32 $0x66666667, s19  }
0x216: {  	s9 =	sadd.s32 s21, s11;
	s31 =	sadd.s32 s31, s18;
	s2 =	smulhi.u32 $0x66666667, s30  }
0x217: {  	s18 =	sshra.s32 s0, $0x18;
	s23 =	sshra.s32 s23, $0x1F;
	s13 =	smul.u32 $0x66666667, s10  }
0x218: {  	s29 =	sadd.s32 s29, s20;
	s23 =	smul.u32 $0x66666667, s23;
	s30 =	sshra.s32 s30, $0x1F  }
0x219: {  	s20 =	sshra.s32 s0, $0x1F;
	s30 =	smul.u32 $0x66666667, s30;
	[dreg:$0x1b] =	wrdreg s2  }
0x21a: {  	s10 =	sadd.s32 s13, s28;
	s28 =	sadd.s32 s6, s16;
	s16 =	smulhi.u32 $0x66666667, s24  }
0x21b: {  	s24 =	sshra.s32 s4, $0x1F;
	s26 =	sadd.s32 s23, s26;
	s2 =	spop (v2sf)  }
0x21c: {  	s11 =	spop (v2sf);
	s6 =	sshra.s32 s2, $0x1F;
	s2 =	smulhi.u32 $0x66666667, s2  }
0x21d: {  	v24 =	vmov s24;
	s24 =	sshrl.u32 s28, $0x1F;
	s21 =	spop (v2sf);
	s15 =	smul.u32 $0x66666667, s6  }
0x21e: {  	s6 =	sadd.s32 s1, s16;
	s16 =	rddreg [dreg:$0x1b];
	s19 =	spop (v2sf)  }
0x21f: {  	s13 =	smulhi.u32 $0x66666667, s19;
	s25 =	sshra.s32 s19, $0x1F;
	s2 =	sadd.s32 s15, s2  }
0x220: {  	s15 =	sadd.s32 s30, s16;
	s23 =	spop (v2sf);
	s1 =	smul.u32 $0x66666667, s25  }
0x221: {  	s16 =	smulhi.u32 $0x66666667, s23;
	s30 =	sshra.s32 s23, $0x1F;
	s23 =	sshra.s32 s28, $0x18  }
0x222: {  	s0 =	sshrl.u32 s0, $0x1F;
	v25 =	vmov s24;
	s24 =	sshrl.u32 s31, $0x1F;
	v24 =	vsel vm3, s23, v24;
	s23 =	sshra.s32 s28, $0x1F  }
0x223: {  	s13 =	sadd.s32 s1, s13;
	s1 =	sshra.s32 s11, $0x1F;
	s11 =	smulhi.u32 $0x66666667, s11  }
0x224: {  	v25 =	vnsel vm3, $0x0, v25;
	s19 =	sshrl.u32 s22, $0x1F;
	v24 =	vsel vm10, s23, v24;
	s23 =	sshra.s32 s21, $0x1F;
	s21 =	smulhi.u32 $0x66666667, s21  }
0x225: {  	v25 =	vsel vm0, s0, v25;
	s25 =	sshra.s32 s22, $0x18;
	s22 =	sshra.s32 s22, $0x1F;
	s1 =	smul.u32 $0x66666667, s1  }
0x226: {  	v25 =	vsel vm1, s19, v25;
	s19 =	sshra.s32 s29, $0x1F;
	s28 =	sshra.s32 s9, $0x18;
	v24 =	vsel vm0, s18, v24;
	s18 =	smul.u32 $0x66666667, s23  }
0x227: {  	v28 =	vsel vm2, s24, v25;
	s24 =	sshrl.u32 s29, $0x1F;
	v24 =	vsel vm11, s20, v24;
	s20 =	sadd.s32 s1, s11;
	s1 =	sshra.s32 s29, $0x18  }
0x228: {  	v24 =	vsel vm1, s25, v24;
	s25 =	sshrl.u32 s6, $0x1F;
	s18 =	sadd.s32 s18, s21;
	s6 =	sshra.s32 s6, $0x18  }
0x229: {  	s21 =	sshra.s32 s31, $0x1F;
	v24 =	vsel vm12, s22, v24;
	v26 =	vmov s25;
	s22 =	sshra.s32 s26, $0x18;
	s25 =	sshra.s32 s31, $0x18;
	v29 =	vmov s6  }
0x22a: {  	s29 =	smul.u32 $0x66666667, s30;
	v27 =	vmov s22;
	v24 =	vsel vm2, s25, v24;
	s22 =	sshrl.u32 s26, $0x1F;
	s25 =	sshrl.u32 s9, $0x1F;
	v29 =	vsel vm0, s28, v29  }
0x22b: {  	s23 =	sshra.s32 s10, $0x18;
	s30 =	sshrl.u32 s10, $0x1F;
	s31 =	sshra.s32 s13, $0x18;
	v24 =	vsel vm13, s21, v24;
	v25 =	vmov s22;
	v30 =	vsel vm0, s25, v26  }
0x22c: {  	s26 =	sshrl.u32 s2, $0x1F;
	s2 =	sshra.s32 s2, $0x18;
	s6 =	sadd.s32 s29, s16;
	v26 =	vsel vm4, s24, v28;
	v28 =	vsel vm1, s23, v29;
	v24 =	vsel vm4, s1, v24  }
0x22d: {  	s25 =	simm.s32 $0xF790;
	s21 =	sshra.s32 s18, $0x18;
	v27 =	vsel vm0, s2, v27;
	s22 =	sshrl.u32 s13, $0x1F;
	v25 =	vsel vm0, s26, v25;
	v31 =	vsel vm15, s19, v24  }
0x22e: {  	s18 =	sshrl.u32 s18, $0x1F;
	s13 =	sshra.s32 s13, $0x1F;
	s1 =	sshra.s32 s20, $0x18;
	v29 =	vsel vm1, s30, v30;
	v24 =	vshrl.u32 v23, $0xA;
	v30 =	vsel vm5, s31, v31  }
.LBB2_9:
0x22f: {  	v29 =	vsel vm2, s18, v29  }
0x230: {  	s2 =	sshrl.u32 s20, $0x1F;
	v28 =	vsel vm2, s21, v28;
	v30 =	vsel vm14, s13, v30;
	v26 =	vsel vm5, s22, v26  }
0x231: {  	s24 =	sshra.s32 s6, $0x18;
	s26 =	sshrl.u32 s6, $0x1F;
	s28 =	sshra.s32 s15, $0x18;
	v27 =	vsel vm1, s1, v27;
	vm9 =	vcmask $0x3734;
	v25 =	vsel vm1, s2, v25  }
0x232: {  	s29 =	sshra.s32 s6, $0x1F;
	s30 =	sshrl.u32 s4, $0x1F;
	s0 =	sshrl.u32 s15, $0x1F;
	v30 =	vsel vm6, s24, v30;
	v26 =	vsel vm6, s26, v26;
	v27 =	vsel vm2, s28, v27  }
0x233: {  	s31 =	sshra.s32 s4, $0x18;
	v30 =	vsel vm9, s29, v30;
	v26 =	vsel vm7, s30, v26;
	v25 =	vsel vm2, s0, v25  }
0x234: {  	v27 =	vcombine.low v28, v27;
	v30 =	vsel vm7, s31, v30;
	v25 =	vcombine.low v29, v25  }
0x235: {  	v26 =	vperm.xlane v26, v20;
	v28 =	vperm.xlane v30, v20  }
0x236: {  	v27 =	vperm.xlane v27, v19;
	v25 =	vperm.xlane v25, v19;
	_ =	sdelay $0x1  }
0x237: {  	v27 =	vsel vm8, v28, v27;
	v25 =	vsel vm8, v26, v25  }
0x238: {  	v25 =	vadd.s32 v25, v27  }
0x239: {  	v26 =	vld [tilespmem:s7+$0x0];
	v27 =	vmul.u32 $0xFD800000, v25  }
0x23a: {  	v28 =	vsub.s32 $0x0, v23  }
0x23b: {  	vm9 =	vlt.s32 v23, $0x1;
	vm10 =	vne.s32 v27, v28  }
0x23c: {  	v27 =	vmov s5;
	vm9 =	vmand vm9, vm10  }
0x23d: {  	v27 =	vshll.u32 v27, $0x2;
	v28 =	vsel vm9, $0xFFFFFFFF, v21  }
0x23e: {  	vm9 =	vgt.s32 v26, $0x0;
	v26 =	vor.u32 v22, v27;
	v25 =	vadd.s32 v28, v25  }
0x23f: {  	v28 =	vor.u32 $0x1, v26;
	v27 =	vmul.u32 $0xFD800000, v25  }
0x240: {  	v29 =	vor.u32 $0x2, v26  }
0x241: {  	v30 =	vor.u32 $0x3, v26;
	v27 =	vadd.s32 v23, v27  }
0x242: {  	s10 =	simm.s32 $0x10680;
	v25 =	vnsel vm9, $0x0, v25;
	v27 =	vshra.s32 v27, $0x14  }
0x243: {  	v24 =	vand.u32 $0x3FF, v24;
	[tilespmem:v26+s10+$0x0] =	vst.idx.msk $0xffff, v25;
	v25 =	vnsel vm9, $0x0, v27  }
0x244: {  	v24 =	vnsel vm9, $0x0, v24;
	v23 =	vand.u32 $0x3FF, v23;
	[tilespmem:v28+s10+$0x0] =	vst.idx.msk $0xffff, v25  }
0x245: {  	v23 =	vnsel vm9, $0x0, v23;
	[tilespmem:v29+s10+$0x0] =	vst.idx.msk $0xffff, v24  }
0x246: {  	s3 =	sadd.s32 $0x10, s3;
	[tilespmem:v30+s10+$0x0] =	vst.idx.msk $0xffff, v23  }
0x247: {  	v23 =	vld [tilespmem:s3+$0x0];
	_ =	sdelay $0x4  }
0x248: {  	(v2sf) =	vpush v23, $0x0  }
0x249: {  	(v2sf) =	vpush v23, $0x7;
	_ =	sdelay $0x1  }
0x24a: {  	(v2sf) =	vpush v23, $0x1  }
0x24b: {  	(v2sf) =	vpush v23, $0x2;
	_ =	sdelay $0x1  }
0x24c: {  	(v2sf) =	vpush v23, $0x9  }
0x24d: {  	(v2sf) =	vpush v23, $0x3  }
0x24e: {  	(v2sf) =	vpush v23, $0x4;
	_ =	sdelay $0x2  }
0x24f: {  	(v2sf) =	vpush v23, $0xC  }
0x250: {  	[dreg:$0x6] =	wrdreg s25  }
0x251: {  	s6 =	sadd.s32 $0x10, s8;
	[dreg:$0x4] =	wrdreg s3;
	(v2sf) =	vpush v23, $0x8  }
0x252: {  	[dreg:$0x5] =	wrdreg s6;
	s0 =	smov.u32 s25;
	(v2sf) =	vpush v23, $0xA  }
0x253: {  	s2 =	smov.u32 s8;
	[dreg:$0x8] =	wrdreg s0;
	s11 =	spop (v2sf)  }
0x254: {  	s9 =	smov.u32 s2;
	s13 =	smulhi.u32 $0x66666667, s11;
	s15 =	spop (v2sf)  }
0x255: {  	[dreg:$0x7] =	wrdreg s9;
	s16 =	sshra.s32 s15, $0x1F;
	s2 =	smulhi.u32 $0x66666667, s15  }
0x256: {  	p0 =	sne.s32 s8, $0x770;
	(v2sf) =	vpush v23, $0xF;
	s18 =	spop (v2sf);
	s1 =	smul.u32 $0x66666667, s16  }
0x257: {  	s11 =	sshra.s32 s11, $0x1F;
	s21 =	spop (v2sf);
	s3 =	smulhi.u32 $0x66666667, s18  }
0x258: {  	(v2sf) =	vpush v23, $0xD;
	[dreg:$0xe] =	wrdreg s13;
	s19 =	sshra.s32 s18, $0x1F;
	s5 =	smulhi.u32 $0x66666667, s21  }
0x259: {  	s22 =	sshra.s32 s21, $0x1F;
	s30 =	spop (v2sf);
	s13 =	smul.u32 $0x66666667, s19  }
0x25a: {  	s31 =	smulhi.u32 $0x66666667, s30;
	s20 =	sshra.s32 s30, $0x1F;
	s23 =	spop (v2sf)  }
0x25b: {  	s4 =	sadd.s32 s1, s2;
	s15 =	smul.u32 $0x66666667, s22;
	s25 =	spop (v2sf)  }
0x25c: {  	(v2sf) =	vpush v23, $0xE;
	s24 =	sshra.s32 s23, $0x1F;
	s20 =	smul.u32 $0x66666667, s20;
	[dreg:$0x9] =	wrdreg s4  }
0x25d: {  	s2 =	sshra.s32 s4, $0x1F;
	s16 =	sadd.s32 s13, s3;
	s8 =	smul.u32 $0x66666667, s24  }
0x25e: {  	s26 =	sshra.s32 s25, $0x1F;
	s28 =	spop (v2sf);
	s25 =	smulhi.u32 $0x66666667, s25  }
0x25f: {  	s5 =	sadd.s32 s15, s5;
	s18 =	sadd.s32 s20, s31;
	s26 =	smul.u32 $0x66666667, s26  }
0x260: {  	s29 =	spop (v2sf);
	s31 =	sshra.s32 s28, $0x1F;
	s28 =	smulhi.u32 $0x66666667, s28  }
0x261: {  	(v2sf) =	vpush v23, $0xB;
	s21 =	sshra.s32 s29, $0x1F;
	s30 =	spop (v2sf);
	s29 =	smulhi.u32 $0x66666667, s29  }
0x262: {  	s15 =	sshra.s32 s16, $0x1F;
	s10 =	sshra.s32 s16, $0x18;
	s0 =	smulhi.u32 $0x66666667, s30  }
0x263: {  	(v2sf) =	vpush v23, $0x5;
	s1 =	sshrl.u32 s5, $0x1F;
	s9 =	sshra.s32 s30, $0x1F;
	s30 =	smulhi.u32 $0x66666667, s23  }
0x264: {  	s16 =	sshrl.u32 s16, $0x1F;
	[dreg:$0xc] =	wrdreg s1;
	s3 =	smul.u32 $0x66666667, s21  }
0x265: {  	(v2sf) =	vpush v23, $0x6;
	s22 =	sshra.s32 s5, $0x18;
	s6 =	spop (v2sf);
	s21 =	smul.u32 $0x66666667, s11  }
0x266: {  	s23 =	sshra.s32 s18, $0x18;
	s25 =	sadd.s32 s26, s25;
	s26 =	smul.u32 $0x66666667, s31  }
0x267: {  	s18 =	sshrl.u32 s18, $0x1F;
	s20 =	spop (v2sf);
	s7 =	smulhi.u32 $0x66666667, s6  }
0x268: {  	v25 =	vmov s2;
	s13 =	smul.u32 $0x66666667, s9;
	[dreg:$0xa] =	wrdreg s23;
	s2 =	sshra.s32 s6, $0x1F  }
0x269: {  	s1 =	sshra.s32 s20, $0x1F;
	s30 =	sadd.s32 s8, s30;
	s2 =	smul.u32 $0x66666667, s2  }
0x26a: {  	s26 =	sadd.s32 s26, s28;
	s20 =	smulhi.u32 $0x66666667, s20;
	s28 =	rddreg [dreg:$0x6]  }
0x26b: {  	s3 =	sadd.s32 s3, s29;
	[dreg:$0xb] =	wrdreg s7;
	s7 =	spop (v2sf)  }
0x26c: {  	s24 =	sadd.s32 s13, s0;
	s13 =	rddreg [dreg:$0xe];
	s19 =	sshra.s32 s7, $0x1F  }
0x26d: {  	s0 =	sshra.s32 s24, $0x18;
	s21 =	sadd.s32 s21, s13;
	s7 =	smulhi.u32 $0x66666667, s7  }
0x26e: {  	[dreg:$0xd] =	wrdreg s0;
	s8 =	sshra.s32 s21, $0x18;
	s31 =	sshra.s32 s21, $0x1F  }
0x26f: {  	vm9 =	vcmask $0x704;
	s21 =	sshrl.u32 s21, $0x1F;
	s19 =	smul.u32 $0x66666667, s19;
	v25 =	vsel vm3, s8, v25;
	s8 =	sshra.s32 s25, $0x1F  }
0x270: {  	v26 =	vmov s21;
	s21 =	sshrl.u32 s26, $0x1F;
	s23 =	spop (v2sf);
	v25 =	vsel vm9, s31, v25;
	s31 =	sshrl.u32 s3, $0x1F  }
0x271: {  	s3 =	sshra.s32 s3, $0x18;
	s9 =	sshra.s32 s23, $0x1F;
	v25 =	vsel vm0, s10, v25;
	v27 =	vmov s31;
	s31 =	rddreg [dreg:$0xc]  }
0x272: {  	v25 =	vsel vm11, s15, v25;
	s15 =	sshra.s32 s30, $0x18;
	s29 =	smul.u32 $0x66666667, s9;
	s6 =	spop (v2sf)  }
0x273: {  	v25 =	vsel vm1, s22, v25;
	s22 =	sshra.s32 s30, $0x1F;
	s11 =	smulhi.u32 $0x66666667, s6;
	s4 =	sshra.s32 s6, $0x1F  }
0x274: {  	s0 =	spop (v2sf);
	s6 =	sshrl.u32 s30, $0x1F;
	s30 =	smulhi.u32 $0x66666667, s23  }
0x275: {  	s10 =	sshra.s32 s26, $0x18;
	v28 =	vmov s3;
	s3 =	rddreg [dreg:$0x4];
	s13 =	smulhi.u32 $0x66666667, s0  }
0x276: {  	v26 =	vnsel vm3, $0x0, v26;
	s9 =	sshrl.u32 s24, $0x1F;
	s24 =	sadd.s32 s29, s30;
	s29 =	rddreg [dreg:$0xd]  }
0x277: {  	v26 =	vsel vm0, s16, v26;
	s16 =	sshrl.u32 s25, $0x1F;
	s4 =	smul.u32 $0x66666667, s4;
	[dreg:$0xf] =	wrdreg s13  }
0x278: {  	s13 =	sshra.s32 s0, $0x1F;
	s0 =	smul.u32 $0x66666667, s1;
	s1 =	sshra.s32 s5, $0x1F  }
0x279: {  	s5 =	sshra.s32 s25, $0x18;
	s4 =	sadd.s32 s4, s11;
	s25 =	sadd.s32 $0x10, s28  }
0x27a: {  	v29 =	vmov s21;
	v27 =	vsel vm0, s18, v27;
	s28 =	rddreg [dreg:$0xa];
	s21 =	sshra.s32 s24, $0x18;
	s18 =	sshrl.u32 s24, $0x1F  }
0x27b: {  	v26 =	vsel vm1, s31, v26;
	v25 =	vsel vm12, s1, v25;
	s26 =	smul.u32 $0x66666667, s13;
	s30 =	sshra.s32 s4, $0x18;
	s31 =	rddreg [dreg:$0xf]  }
.Ltmp3:
0x27c: {  	v24 =	vshrl.u32 v23, $0xA;
	s13 =	sshra.s32 s4, $0x1F;
	v25 =	vsel vm2, s15, v25;
	s15 =	rddreg [dreg:$0xb];
	(pc) =	sbr.rel @p0 .LBB2_9-.Ltmp3, $4  }
0x27d: {  	v30 =	vmov s10;
	v26 =	vsel vm2, s6, v26;
	s0 =	sadd.s32 s0, s20;
	s20 =	sadd.s32 s19, s7;
	s7 =	rddreg [dreg:$0x8];
	v25 =	vsel vm13, s22, v25  }
0x27e: {  	v26 =	vsel vm4, s16, v26;
	v28 =	vsel vm0, s28, v28;
	s23 =	sshrl.u32 s0, $0x1F;
	s22 =	sshrl.u32 s4, $0x1F;
	s4 =	rddreg [dreg:$0x9];
	v31 =	vsel vm4, s5, v25  }
0x27f: {  	v28 =	vsel vm1, s29, v28;
	s15 =	sadd.s32 s2, s15;
	s0 =	sshra.s32 s0, $0x18;
	v25 =	vsel vm0, s23, v29;
	s5 =	rddreg [dreg:$0x7];
	v31 =	vsel vm15, s8, v31  }
0x280: {  	s1 =	sshra.s32 s20, $0x18;
	s6 =	sadd.s32 s26, s31;
	v29 =	vsel vm1, s9, v27;
	v27 =	vsel vm0, s0, v30;
	s8 =	rddreg [dreg:$0x5];
	v30 =	vsel vm5, s30, v31  }
0x281: {  	v29 =	vsel vm2, s18, v29  }
0x282: {  	s0 =	sshrl.u32 s20, $0x1F;
	v28 =	vsel vm2, s21, v28;
	v30 =	vsel vm14, s13, v30;
	v27 =	vsel vm1, s1, v27  }
0x283: {  	s2 =	sshra.s32 s6, $0x18;
	s9 =	sshra.s32 s15, $0x18;
	v26 =	vsel vm5, s22, v26;
	s13 =	sshrl.u32 s6, $0x1F;
	vm9 =	vcmask $0x3734;
	v25 =	vsel vm1, s0, v25  }
0x284: {  	s10 =	sshra.s32 s6, $0x1F;
	s11 =	sshrl.u32 s15, $0x1F;
	v30 =	vsel vm6, s2, v30;
	v27 =	vsel vm2, s9, v27;
	v26 =	vsel vm6, s13, v26  }
0x285: {  	s15 =	sshra.s32 s4, $0x18;
	s16 =	sshrl.u32 s4, $0x1F;
	v30 =	vsel vm9, s10, v30;
	v25 =	vsel vm2, s11, v25;
	v27 =	vcombine.low v28, v27  }
0x286: {  	v26 =	vsel vm7, s16, v26;
	v53 =	vsel vm7, s15, v30;
	v25 =	vcombine.low v29, v25  }
0x287: {  	v26 =	vperm.xlane v26, v20;
	v28 =	vperm.xlane v53, v20  }
0x288: {  	v27 =	vperm.xlane v27, v19;
	v25 =	vperm.xlane v25, v19;
	_ =	sdelay $0x1  }
0x289: {  	v27 =	vsel vm8, v28, v27;
	v25 =	vsel vm8, v26, v25  }
0x28a: {  	v25 =	vadd.s32 v25, v27  }
0x28b: {  	v54 =	vmul.u32 $0xFD800000, v25  }
0x28c: {  	v55 =	vsub.s32 $0x0, v23  }
0x28d: {  	vm9 =	vlt.s32 v23, $0x1;
	vm10 =	vne.s32 v54, v55  }
0x28e: {  	v56 =	vld [tilespmem:s7+$0x0];
	v57 =	vmov s5;
	vm9 =	vmand vm9, vm10  }
0x28f: {  	v27 =	vshll.u32 v57, $0x2;
	v58 =	vsel vm9, $0xFFFFFFFF, v21  }
0x290: {  	v27 =	vor.u32 v22, v27;
	v25 =	vadd.s32 v58, v25  }
0x291: {  	v59 =	vor.u32 $0x1, v27;
	v28 =	vmul.u32 $0xFD800000, v25  }
0x292: {  	v60 =	vor.u32 $0x2, v27  }
0x293: {  	v62 =	vor.u32 $0x3, v27;
	vm9 =	vgt.s32 v56, $0x0;
	v61 =	vadd.s32 v23, v28  }
0x294: {  	s18 =	simm.s32 $0x10680;
	s19 =	rddreg [dreg:$0x1a];
	v25 =	vnsel vm9, $0x0, v25;
	v26 =	vshra.s32 v61, $0x14  }
0x295: {  	v24 =	vand.u32 $0x3FF, v24;
	s20 =	smul.u32 $0x14, s19;
	[tilespmem:v27+s18+$0x0] =	vst.idx.msk $0xffff, v25;
	v63 =	vnsel vm9, $0x0, v26  }
0x296: {  	v24 =	vnsel vm9, $0x0, v24;
	v23 =	vand.u32 $0x3FF, v23;
	[tilespmem:v59+s18+$0x0] =	vst.idx.msk $0xffff, v63  }
0x297: {  	s21 =	rddreg [dreg:$0x11];
	s0 =	sshrl.u32 s20, $0x3;
	v23 =	vnsel vm9, $0x0, v23;
	[tilespmem:v60+s18+$0x0] =	vst.idx.msk $0xffff, v24  }
0x298: {  	s22 =	simm.s32 $0x0;
	s3 =	simm.s32 $0x2;
	s0 =	sadd.s32 s21, s0;
	[tilespmem:v62+s18+$0x0] =	vst.idx.msk $0xffff, v23  }
0x299: {  	[hbm4b:s0+s22] =	stream.linear.scatter [tilespmem:s12], [sflag:$0x2], $0x9600, $0x38;
	[tilespmem:$0x12480] =	vst v63  }
0x29a: {  	_ =	swait.ge [sflag:s3], $0x9600  }
0x29b: {  	s23 =	sshrl.u32 s19, $0x1;
	[sflag:s3] =	ssyncset.done $0x0;
	s24 =	rddreg [dreg:$0x12]  }
0x29c: {  	[sflag:s3] =	ssyncadd.s32 $0xFFFF6A00;
	s0 =	sadd.s32 s24, s23  }
0x29d: {  	[hbm4b:s0+s22] =	stream.linear.scatter [tilespmem:s18], [sflag:$0x2], $0x1E00, $0x38;
	[tilespmem:$0x12480] =	vst v63  }
0x29e: {  	_ =	swait.ge [sflag:s3], $0x1E00  }
0x29f: {  	s25 =	rddreg [dreg:$0x14]  }
0x2a0: {  	[sflag:s3] =	ssyncset.done $0x0;
	s26 =	rddreg [dreg:$0x19]  }
0x2a1: {  	[sflag:s3] =	ssyncadd.s32 $0xFFFFE200;
	s0 =	sadd.s32 s25, s26  }
0x2a2: {  	[hbm4b:s0+s22] =	stream.linear.scatter [tilespmem:s14], [sflag:$0x2], $0x780, $0x38;
	[tilespmem:$0x12480] =	vst v63  }
0x2a3: {  	_ =	swait.ge [sflag:s3], $0x780  }
0x2a4: {  	s5 =	simm.s32 $0x80;
	s31 =	rddreg [dreg:$0x18]  }
0x2a5: {  	s28 =	simm.s32 $0x5980;
	s29 =	simm.s32 $0x5D80;
	s2 =	sadd.s32 $0x1, s31  }
0x2a6: {  	s30 =	simm.s32 $0x1;
	s13 =	simm.s32 $0x2980;
	p0 =	sne.s32 s2, $0x5  }
.Ltmp4:
0x2a7: {  	s19 =	simm.s32 $0x3980;
	s16 =	simm.s32 $0x3180;
	(pc) =	sbr.rel @p0 .LBB2_2-.Ltmp4, $4  }
0x2a8: {  	s15 =	simm.s32 $0x2D80;
	s20 =	simm.s32 $0x3D80;
	s21 =	simm.s32 $0x4180  }
0x2a9: {  	s23 =	simm.s32 $0x4980;
	s24 =	simm.s32 $0x4D80;
	[sflag:s3] =	ssyncset.done $0x0  }
0x2aa: {  	s18 =	simm.s32 $0x3580;
	s25 =	simm.s32 $0x5180;
	[sflag:s3] =	ssyncadd.s32 $0xFFFFF880  }
0x2ab: {  	s26 =	simm.s32 $0x5580;
	s22 =	simm.s32 $0x4580;
	s0 =	rddreg [dreg:$0x0]  }
0x2ac: {  	s2 =	rddreg [dreg:$0x17]  }
0x2ad: {  	s1 =	rddreg [dreg:$0x16];
	s2 =	sadd.s32 $0x1, s2  }
0x2ae: {  	p0 =	sne.s32 s2, s1  }
.Ltmp5:
0x2af: {  	_ = 	snop;
	(pc) =	sbr.rel @p0 .LBB2_1-.Ltmp5, $1  }
0x2b0: {  	_ =	sdelay $0x3  }
0x2b1: {  	_ =	sfence.sel $0x180000  }
0x2b2: {  	[bflag:$0x0] =	sbarrier.arrive $0xFFFF  }
0x2b3: {  	_ =	strace $0x90000059  }
0x2b4: {  	s0 =	stileid.u32;
	[bflag:$0x2] =	sbarrier.arrive $0xFFFF  }
0x2b5: {  	p0 =	sne.s32 s0, $0x0;
	s0 =	rddreg [dreg:$0x3]  }
0x2b6: {  	s0 =	sadd.s32 @!p0 $0x100000, s0  }
0x2b7: {  	[sflag:s0] =	ssyncadd.tile.s32 @!p0 $0x1;
	_ =	shalt  }
.Lfunc_end2:
_tile_overlayer_lowered:
.L_overlay_start_2:
0x2b8: {  	(tag) =	ssettag $0x2  }
0x2b9: {  	s0 =	rddreg [dreg:$0x0];
	s2 =	stileid.u32  }
0x2ba: {  	s1 =	rddreg [dreg:$0x1];
	p0 =	sne.s32 s2, $0x0  }
0x2bb: {  	s3 =	rddreg [dreg:$0x2];
	[bflag:$0x3] =	sbarrier.arrive $0xFFFF;
	s2 =	simm.s32 @!p0 $0x1C02  }
0x2bc: {  	[timem:s3], [sflag:s2] =	dma.local @!p0 [hbm:s0], s1  }
0x2bd: {  	s0 =	simm.s32 @!p0 $0x2  }
0x2be: {  	_ =	swait.ge @!p0 [sflag:s0], s1  }
0x2bf: {  	s1 =	ssub.s32 @!p0 $0x0, s1;
	[sflag:s0] =	ssyncset.done @!p0 $0x0  }
0x2c0: {  	[sflag:s0] =	ssyncadd.s32 @!p0 s1  }
0x2c1: {  	[bflag:$0x3] =	sbarrier.arrive $0xFFFF  }
0x2c2: {  	_ =	shalt  }

// kernel: scatter_offload_async_start.1
scs
__scs_entry_jumppad:
0x0: {  	(pc) =	sbr.rel $0x88, $3  }
0x1: {  	(tag) =	ssettag $0x0;
	lr =	simm.s32 $0x1  }
0x2: {  	[smem:$0x3FA0] =	sst lr;
	_ =	strace $0xD0000000  }
0x3: {  	_ = 	snop  }
0x4: {  	_ = 	snop  }
0x5: {  	_ = 	snop  }
0x6: {  	_ = 	snop  }
0x7: {  	_ = 	snop  }
__scs_overlays_trampoline_lowered:
0x8: {  	[smem:$0x3FAF] =	sst s0  }
0x9: {  	[smem:$0x3FB0] =	sst s1  }
0xa: {  	[smem:$0x3FB1] =	sst s2  }
0xb: {  	[smem:$0x3FB2] =	sst s3  }
0xc: {  	[smem:$0x3FB3] =	sst s4  }
0xd: {  	[smem:$0x3FB4] =	sst s5  }
0xe: {  	[smem:$0x3FB5] =	sst s6  }
0xf: {  	[smem:$0x3FB6] =	sst s7  }
0x10: {  	[smem:$0x3FB7] =	sst s8  }
0x11: {  	[smem:$0x3FB8] =	sst s9;
	s0 =	simm.s32 @!p0 $0x0  }
0x12: {  	s1 =	sld [smem:$0x3F9E];
	s0 =	simm.s32 @p0 $0x1  }
0x13: {  	[smem:$0x3FB9] =	sst s0;
	s0 =	simm.s32 @!p1 $0x0  }
0x14: {  	s2 =	sld [smem:$0x3F9D];
	s0 =	simm.s32 @p1 $0x1  }
0x15: {  	[smem:$0x3FBA] =	sst s0;
	s0 =	simm.s32 @!p2 $0x0  }
0x16: {  	s3 =	sld [smem:$0x3FDB];
	s0 =	simm.s32 @p2 $0x1  }
0x17: {  	s4 =	simm.s32 $0x1BF5;
	[smem:$0x3FBC] =	sst s0  }
0x18: {  	s0 =	sld [smem:$0x3F9F];
	_ =	swait.ge [sflag:s4], $0x0  }
0x19: {  	s7 =	sld [smem:$0x3FA0]  }
0x1a: {  	s8 =	sadd.s32 $0xFFFFE003, lr  }
0x1b: {  	s9 =	sadd.s32 $0xFFFFFEF7, lr;
	s5 =	simm.s32 $0xFFFFFFFF;
	p2 =	slt.u32 s8, $0xFFFFF086  }
0x1c: {  	p1 =	slt.u32 s9, $0xF7A;
	s5 =	simm.s32 @!p2 $0x0  }
0x1d: {  	s5 =	simm.s32 @p1 $0x1;
	p0 =	seq.s32 s7, s2  }
0x1e: {  	s7 =	smul.u32 @!p0 $0xF7A, s2;
	p2 =	seq.s32 @!p0 s5, $0x0  }
0x1f: {  	s9 =	smul.u32 $0xF7A, s1;
	s8 =	simm.s32 @!p0 $0x1BF5;
	p2 =	por !p2, p0  }
0x20: {  	[sflag:s8] =	ssyncset.s32 @!p0 $0xFFFFF086;
	s6 =	sadd.s32 @!p0 s3, s7;
	s7 =	simm.s32 @!p0 $0x108  }
0x21: {  	s3 =	sadd.s32 s3, s9;
	s6 =	sadd.s32 @!p0 $0x88, s6;
	s7 =	simm.s32 @p2 $0x1082  }
0x22: {  	[simem:s7], [sflag:s8] =	dma.local @!p0 [hbm:s6], $0xF7A  }
0x23: {  	s9 =	sor.u32 $0xD0000000, s2;
	s6 =	simm.s32 $0x108;
	_ =	swait.ge @!p0 [sflag:s8], $0x0  }
0x24: {  	s3 =	sadd.s32 $0x88, s3;
	s6 =	simm.s32 @!p1 $0x1082;
	[sflag:s4] =	ssyncset.s32 $0xFFFFF086  }
0x25: {  	[simem:s6], [sflag:s4] =	dma.local [hbm:s3], $0xF7A  }
0x26: {  	[smem:$0x3FA0] =	sst s1;
	(tag) =	ssettag s2;
	_ =	strace s9  }
0x27: {  	s1 =	sld [smem:$0x3FB0]  }
0x28: {  	s2 =	sld [smem:$0x3FB1]  }
0x29: {  	s4 =	sld [smem:$0x3FB3]  }
0x2a: {  	p0 =	seq.s32 s5, $0x0;
	s5 =	sld [smem:$0x3FB4]  }
0x2b: {  	s6 =	sld [smem:$0x3FB5]  }
0x2c: {  	s7 =	sld [smem:$0x3FB6]  }
0x2d: {  	s3 =	simm.s32 $0x108;
	s8 =	sld [smem:$0x3FB7]  }
0x2e: {  	s3 =	simm.s32 @!p0 $0x1082;
	s9 =	sld [smem:$0x3FB8]  }
0x2f: {  	lr =	sadd.s32 s0, s3;
	s0 =	sld [smem:$0x3FAF]  }
0x30: {  	s3 =	sld [smem:$0x3FB2]  }
0x31: {  	[smem:$0x3FBB] =	sst s10  }
0x32: {  	s10 =	sld [smem:$0x3FB9];
	_ =	sdelay $0x3  }
0x33: {  	p0 =	seq.s32 s10, $0x1;
	s10 =	sld [smem:$0x3FBB];
	_ =	sdelay $0x3  }
0x34: {  	[smem:$0x3FBB] =	sst s10  }
0x35: {  	s10 =	sld [smem:$0x3FBA];
	_ =	sdelay $0x3  }
0x36: {  	p1 =	seq.s32 s10, $0x1;
	s10 =	sld [smem:$0x3FBB];
	_ =	sdelay $0x3  }
0x37: {  	[smem:$0x3FBB] =	sst s10  }
0x38: {  	s10 =	sld [smem:$0x3FBC]  }
0x39: {  	_ = 	snop;
	(pc) =	sbr.ind lr, $3  }
0x3a: {  	_ = 	snop  }
0x3b: {  	_ = 	snop  }
0x3c: {  	p2 =	seq.s32 s10, $0x1;
	s10 =	sld [smem:$0x3FBB]  }
0x3d: {  	_ =	shalt  }
0x3e: {  	_ =	shalt  }
0x3f: {  	_ =	shalt  }
0x40: {  	_ =	shalt  }
0x41: {  	_ =	shalt  }
0x42: {  	_ =	shalt  }
0x43: {  	_ =	shalt  }
0x44: {  	_ =	shalt  }
0x45: {  	_ =	shalt  }
0x46: {  	_ =	shalt  }
0x47: {  	_ =	shalt  }
0x48: {  	_ =	shalt  }
0x49: {  	_ =	shalt  }
0x4a: {  	_ =	shalt  }
0x4b: {  	_ =	shalt  }
0x4c: {  	_ =	shalt  }
0x4d: {  	_ =	shalt  }
0x4e: {  	_ =	shalt  }
0x4f: {  	_ =	shalt  }
0x50: {  	_ =	shalt  }
0x51: {  	_ =	shalt  }
0x52: {  	_ =	shalt  }
0x53: {  	_ =	shalt  }
0x54: {  	_ =	shalt  }
0x55: {  	_ =	shalt  }
0x56: {  	_ =	shalt  }
0x57: {  	_ =	shalt  }
0x58: {  	_ =	shalt  }
0x59: {  	_ =	shalt  }
0x5a: {  	_ =	shalt  }
0x5b: {  	_ =	shalt  }
0x5c: {  	_ =	shalt  }
0x5d: {  	_ =	shalt  }
0x5e: {  	_ =	shalt  }
0x5f: {  	_ =	shalt  }
0x60: {  	_ =	shalt  }
0x61: {  	_ =	shalt  }
0x62: {  	_ =	shalt  }
0x63: {  	_ =	shalt  }
0x64: {  	_ =	shalt  }
0x65: {  	_ =	shalt  }
0x66: {  	_ =	shalt  }
0x67: {  	_ =	shalt  }
0x68: {  	_ =	shalt  }
0x69: {  	_ =	shalt  }
0x6a: {  	_ =	shalt  }
0x6b: {  	_ =	shalt  }
0x6c: {  	_ =	shalt  }
0x6d: {  	_ =	shalt  }
0x6e: {  	_ =	shalt  }
0x6f: {  	_ =	shalt  }
0x70: {  	_ =	shalt  }
0x71: {  	_ =	shalt  }
0x72: {  	_ =	shalt  }
0x73: {  	_ =	shalt  }
0x74: {  	_ =	shalt  }
0x75: {  	_ =	shalt  }
0x76: {  	_ =	shalt  }
0x77: {  	_ =	shalt  }
0x78: {  	_ =	shalt  }
0x79: {  	_ =	shalt  }
0x7a: {  	_ =	shalt  }
0x7b: {  	_ =	shalt  }
0x7c: {  	_ =	shalt  }
0x7d: {  	_ =	shalt  }
0x7e: {  	_ =	shalt  }
0x7f: {  	_ =	shalt  }
0x80: {  	_ =	shalt  }
0x81: {  	_ =	shalt  }
0x82: {  	_ =	shalt  }
0x83: {  	_ =	shalt  }
0x84: {  	_ =	shalt  }
0x85: {  	_ =	shalt  }
0x86: {  	_ =	shalt  }
0x87: {  	_ =	shalt  }
.Lfunc_end0:
.L_simem_size_0:
called_computation.1_lowered:
.L_overlay_start_0:
0x88: {  	s0 =	sld [smem:$0x3FD9]  }
0x89: {  	s1 =	sld [smem:$0x3FFE];
	_ =	sdelay $0x3  }
0x8a: {  	s0 =	sadd.s32 s1, s0  }
0x8b: {  	[smem:$0x3FC7] =	sst s0  }
0x8c: {  	_ = 	snop  }
0x8d: {  	(tm) =	ssettm $0x1  }
0x8e: {  	s14 =	sld [smem:$0x3FFB];
	_ =	sdelay $0x3  }
0x8f: {  	_ =	strace s14  }
0x90: {  	s0 =	sld [smem:$0x3FFC];
	_ =	sdelay $0x3  }
0x91: {  	_ =	strace s0  }
0x92: {  	s0 =	sld [smem:$0x3FFD];
	_ =	sdelay $0x3  }
0x93: {  	_ =	strace s0  }
0x94: {  	_ =	strace $0x8FFFFFFF  }
0x95: {  	s15 =	sld [smem:$0x3FDB];
	_ =	sdelay $0x1  }
0x96: {  	s16 =	simm.s32 $_scs_section_size  }
0x97: {  	s2 =	simm.s32 $_size__tile_overlayer_lowered;
	s3 =	simm.s32 $_tile_overlayer_lowered  }
0x98: {  	s4 =	simm.s32 $0x1BFF;
	s17 =	sshll.u32 s3, $0x1;
	s1 =	sadd.s32 s16, s15  }
0x99: {  	s18 =	simm.s32 $0x0;
	s2 =	sshll.u32 s2, $0x1;
	s3 =	sadd.s32 s17, s1  }
0x9a: {  	[timem:s18], [sflag:s4] =	dma.local [hbm:s3], s2  }
0x9b: {  	_ =	swait.ge [sflag:s4], s2  }
0x9c: {  	s2 =	ssub.s32 $0x0, s2;
	[sflag:s4] =	ssyncset.done $0x0  }
0x9d: {  	[sflag:s4] =	ssyncadd.s32 s2;
	_ =	sdelay $0x1  }
0x9e: {  	s19 =	simm.s32 $0x1B8B  }
0x9f: {  	_ =	swait.ge [sflag:s19], $0x1  }
0xa0: {  	[sflag:s19] =	ssyncset.done $0x0  }
0xa1: {  	s21 =	simm.s32 $0x1B8E;
	s20 =	sld [smem:$0x3FFE];
	[sflag:s19] =	ssyncadd.s32 $0xFFFFFFFF  }
0xa2: {  	s22 =	simm.s32 $execute0_lowered;
	[smem:$0x3FD2] =	sst s21  }
0xa3: {  	s3 =	sshll.u32 s22, $0x1;
	_ =	strace $0x8000004F;
	[dreg:$0x1] =	wrdreg $0xFFFFFFFF  }
0xa4: {  	s23 =	simm.s32 $_size_execute0_lowered;
	s3 =	sadd.s32 s1, s3;
	[dreg:$0x0] =	wrdreg $0x0  }
0xa5: {  	s4 =	sshll.u32 s23, $0x1;
	[dreg:$0x2] =	wrdreg s3  }
0xa6: {  	[dreg:$0x3] =	wrdreg s4  }
0xa7: {  	[dreg:$0x4] =	wrdreg $0xC0  }
0xa8: {  	s24 =	simm.s32 $execute1_lowered;
	_ =	task [dreg:s18], $0x5FFFF  }
0xa9: {  	s3 =	sshll.u32 s24, $0x1;
	[dreg:$0x1] =	wrdreg $0xFFFFFFFF  }
0xaa: {  	s1 =	sadd.s32 s1, s3;
	[dreg:$0x0] =	wrdreg $0x60  }
0xab: {  	[dreg:$0x2] =	wrdreg s1  }
0xac: {  	[dreg:$0x3] =	wrdreg s20  }
0xad: {  	[dreg:$0x4] =	wrdreg $0xA  }
0xae: {  	_ =	task.clear_ibuf [dreg:s18], $0x5FFFF;
	_ =	strace $0x9000004F  }
0xaf: {  	s25 =	simm.s32 $0xA;
	_ =	strace $0x80000051  }
0xb0: {  	_ =	swait.ge [sflag:s25], $0x1  }
0xb1: {  	[sflag:s25] =	ssyncadd.s32 $0xFFFFFFFF  }
0xb2: {  	_ =	strace $0x90000051  }
0xb3: {  	_ =	strace $0x80000052;
	[dreg:$0x1] =	wrdreg $0xFFFFFFFF  }
0xb4: {  	[dreg:$0x0] =	wrdreg $0x2030  }
0xb5: {  	[dreg:$0x2] =	wrdreg s20  }
0xb6: {  	[dreg:$0x3] =	wrdreg $0xB  }
0xb7: {  	_ =	task.clear_ibuf [dreg:s18], $0x4FFFF;
	_ =	strace $0x90000052  }
0xb8: {  	s26 =	simm.s32 $0xB;
	_ =	strace $0x80000054  }
0xb9: {  	_ =	swait.ge [sflag:s26], $0x1  }
0xba: {  	[sflag:s26] =	ssyncadd.s32 $0xFFFFFFFF  }
0xbb: {  	_ =	strace $0x90000054  }
0xbc: {  	_ =	sfence  }
0xbd: {  	s28 =	sld [smem:$0x0];
	_ =	sdelay $0x1  }
0xbe: {  	s29 =	srdreg.scid  }
0xbf: {  	s30 =	sshll.u32 s29, $0xD;
	s31 =	sshrl.u32 s29, $0x2  }
0xc0: {  	s2 =	sand.u32 $0x1, s29;
	s3 =	sand.u32 $0x4000, s30;
	s1 =	sadd.s32 s31, s28  }
0xc1: {  	s2 =	sor.u32 s3, s2;
	s1 =	sshll.u32 s1, $0x11  }
0xc2: {  	s1 =	sor.u32 s1, s2  }
0xc3: {  	s1 =	sadd.s32 $0x8F2B, s1  }
0xc4: {  	[sflag:s1] =	ssyncadd.remote.s32 $0x1  }
0xc5: {  	_ =	sfence.sel $0xFFFF  }
0xc6: {  	[dreg:$0x0] =	wrdreg $0xFFFFFFFF;
	(pc) =	sbr.abs _section_cstart, $3  }
0xc7: {  	[dreg:$0x1] =	wrdreg $0xFFFFFFFF  }
0xc8: {  	_ =	task.clear_ibuf [dreg:s18], $0x2FFFF;
	_ =	strace $0x9FFFFFFF  }
0xc9: {  	(tm) =	ssettm $0x7FFFFFFF  }
tec
execute0_lowered:
.L_overlay_start_1:
0x0: {  	(tag) =	ssettag $0x1  }
0x1: {  	s2 =	rddreg [dreg:$0x0]  }
0x2: {  	s5 =	rddreg [dreg:$0x1]  }
0x3: {  	s0 =	rddreg [dreg:$0x2];
	s3 =	stileid.u32  }
0x4: {  	[bflag:$0x3] =	sbarrier.arrive $0xFFFF;
	s1 =	simm.s32 $_size_execute1_lowered;
	s31 =	simm.s32 $0x2  }
0x5: {  	s8 =	simm.s32 $0x0;
	p0 =	sne.s32 s3, $0x0;
	s1 =	sshll.u32 s1, $0x1  }
.Ltmp0:
0x6: {  	s4 =	simm.s32 @!p0 $0x1C3F;
	s6 =	simm.s32 @!p0 $0x4060;
	(pc) =	sbr.rel .LBB2_1-.Ltmp0, $4  }
0x7: {  	[timem:s6], [sflag:s4] =	dma.local @!p0 [hbm:s2], s1  }
0x8: {  	s3 =	smul.u32 $0x25A0, s3;
	s4 =	simm.s32 $0x1;
	_ =	strace $0x80000050  }
0x9: {  	s2 =	sadd.s32 $0x60000, s5;
	s5 =	sadd.s32 $0x7F400, s5;
	[sflag:s4] =	ssyncpa.u1 $0x0  }
0xa: {  	s7 =	smov.u32 s3;
	s6 =	simm.s32 $0x0;
	[sflag:s31] =	ssyncpa.u1 $0x0  }
.LBB2_7:
0xb: {  	s10 =	sadd.s32 $0x25A00, s7  }
0xc: {  	p1 =	slt.u32 s6, $0x2;
	s6 =	sadd.s32 $0x1, s6;
	p2 =	sgt.s32 s10, $0x4B000  }
0xd: {  	s10 =	smov.u32 @p2 s3;
	p2 =	sne.s32 s6, $0x4  }
.Ltmp1:
0xe: {  	_ = 	snop;
	(pc) =	sbr.rel @!p2 .LBB2_8-.Ltmp1, $4  }
0xf: {  	s9 =	simm.s32 @!p1 $0x2  }
0x10: {  	_ =	swait.ge @!p1 [sflag:s9], $0x25A0  }
0x11: {  	[sflag:s9] =	ssyncset.done @!p1 $0x0  }
0x12: {  	s8 =	smov.u32 s7;
	s7 =	smov.u32 s10;
	[sflag:s9] =	ssyncadd.s32 @!p1 $0xFFFFDA60  }
.LBB2_1:
0x13: {  	p1 =	sgt.u32 s6, $0x1  }
0x14: {  	s9 =	sxor.u32 @!p1 $0x1, s6  }
0x15: {  	s9 =	smul.u32 @!p1 $0x9680, s9  }
0x16: {  	s10 =	sshrl.u32 @!p1 s7, $0x3  }
0x17: {  	s11 =	sand.u32 @!p1 $0x7, s7;
	s10 =	sadd.s32 @!p1 s2, s10;
	s9 =	sshra.s32 @!p1 s9, $0x2  }
0x18: {  	[tilespmem:s9], [sflag:$0x1] =	stream.linear.gather @!p1 [hbm4b:s10+s11], $0x25A0, $0x38;
	[tilespmem:$0x9680] =	vst v63  }
0x19: {  	p1 =	seq.s32 s6, $0x0  }
0x1a: {  	p2 =	seq.s32 @!p1 s6, $0x3  }
0x1b: {  	p1 =	por p1, p2  }
.Ltmp2:
0x1c: {  	_ = 	snop;
	(pc) =	sbr.rel @p1 .LBB2_7-.Ltmp2, $1  }
0x1d: {  	_ =	sdelay $0x3  }
0x1e: {  	s9 =	sand.u32 $0x1, s6  }
0x1f: {  	_ =	swait.ge [sflag:s4], $0x25A0;
	s11 =	simm.s32 $0x25A0;
	p1 =	seq.s32 s9, $0x1  }
0x20: {  	[sflag:s4] =	ssyncset.done $0x0;
	s11 =	simm.s32 @!p1 $0x0  }
0x21: {  	[sflag:s4] =	ssyncadd.s32 $0xFFFFDA60;
	s13 =	sadd.s32 $0x80, s11  }
0x22: {  	v0 =	vld [tilespmem:s13+$0x70]  }
0x23: {  	v1 =	vld [tilespmem:s13+$0xFFFFFF90]  }
0x24: {  	v2 =	vld [tilespmem:s13+$0xFFFFFFA0]  }
0x25: {  	v3 =	vld [tilespmem:s13+$0xFFFFFFB0]  }
0x26: {  	s9 =	sadd.s32 $0x4BC0, s11;
	v4 =	vld [tilespmem:s13+$0xFFFFFFC0]  }
0x27: {  	v5 =	vld [tilespmem:s13+$0xFFFFFFD0];
	[tilespmem:s9+$0x70] =	vst v0  }
0x28: {  	[tilespmem:s9+$0xFFFFFF90] =	vst v1;
	v0 =	vld [tilespmem:s13+$0xFFFFFFE0]  }
0x29: {  	[tilespmem:s9+$0xFFFFFFA0] =	vst v2;
	v1 =	vld [tilespmem:s13+$0xFFFFFFF0]  }
0x2a: {  	[tilespmem:s9+$0xFFFFFFB0] =	vst v3;
	v2 =	vld [tilespmem:s13+$0x0]  }
0x2b: {  	[tilespmem:s9+$0xFFFFFFC0] =	vst v4;
	v3 =	vld [tilespmem:s13+$0x10]  }
0x2c: {  	[tilespmem:s9+$0xFFFFFFD0] =	vst v5;
	v5 =	vld [tilespmem:s13+$0x20]  }
0x2d: {  	[tilespmem:s9+$0xFFFFFFE0] =	vst v0;
	v0 =	vld [tilespmem:s13+$0x30]  }
0x2e: {  	[tilespmem:s9+$0xFFFFFFF0] =	vst v1;
	v1 =	vld [tilespmem:s13+$0x40]  }
0x2f: {  	[tilespmem:s9+$0x0] =	vst v2;
	v2 =	vld [tilespmem:s13+$0x50]  }
0x30: {  	s12 =	simm.s32 $0x0;
	[tilespmem:s9+$0x10] =	vst v3;
	v3 =	vld [tilespmem:s13+$0x60]  }
0x31: {  	s10 =	sadd.s32 $0x4B40, s11;
	s11 =	sshll.u32 s11, $0x2;
	v4 =	vld [tilespmem:s13+$0xFFFFFF80];
	[tilespmem:s9+$0x20] =	vst v5;
	s13 =	sadd.s32 $0x100, s13  }
.LBB2_3:
0x32: {  	v5 =	vld [tilespmem:s13+$0x70];
	s12 =	sadd.s32 $0x100, s12;
	[tilespmem:s9+$0x30] =	vst v0  }
0x33: {  	v0 =	vld [tilespmem:s13+$0xFFFFFF90];
	p1 =	slt.u32 s12, $0x2400;
	[tilespmem:s9+$0x40] =	vst v1  }
0x34: {  	v1 =	vld [tilespmem:s13+$0xFFFFFFA0];
	[tilespmem:s9+$0x50] =	vst v2  }
0x35: {  	v2 =	vld [tilespmem:s13+$0xFFFFFFB0];
	[tilespmem:s9+$0x60] =	vst v3  }
0x36: {  	v3 =	vld [tilespmem:s13+$0xFFFFFFC0];
	[tilespmem:s9+$0xFFFFFF80] =	vst v4;
	s9 =	sadd.s32 $0x100, s9  }
0x37: {  	v4 =	vld [tilespmem:s13+$0xFFFFFFD0];
	[tilespmem:s9+$0x70] =	vst v5  }
0x38: {  	[tilespmem:s9+$0xFFFFFF90] =	vst v0;
	v0 =	vld [tilespmem:s13+$0xFFFFFFE0]  }
0x39: {  	[tilespmem:s9+$0xFFFFFFA0] =	vst v1;
	v1 =	vld [tilespmem:s13+$0xFFFFFFF0]  }
0x3a: {  	[tilespmem:s9+$0xFFFFFFB0] =	vst v2;
	v2 =	vld [tilespmem:s13+$0x0]  }
0x3b: {  	[tilespmem:s9+$0xFFFFFFC0] =	vst v3;
	v3 =	vld [tilespmem:s13+$0x10]  }
0x3c: {  	[tilespmem:s9+$0xFFFFFFD0] =	vst v4;
	v5 =	vld [tilespmem:s13+$0x20]  }
.Ltmp3:
0x3d: {  	[tilespmem:s9+$0xFFFFFFE0] =	vst v0;
	v0 =	vld [tilespmem:s13+$0x30];
	(pc) =	sbr.rel @p1 .LBB2_3-.Ltmp3, $4  }
0x3e: {  	[tilespmem:s9+$0xFFFFFFF0] =	vst v1;
	v1 =	vld [tilespmem:s13+$0x40]  }
0x3f: {  	[tilespmem:s9+$0x0] =	vst v2;
	v2 =	vld [tilespmem:s13+$0x50]  }
0x40: {  	[tilespmem:s9+$0x10] =	vst v3;
	v3 =	vld [tilespmem:s13+$0x60]  }
0x41: {  	v4 =	vld [tilespmem:s13+$0xFFFFFF80];
	[tilespmem:s9+$0x20] =	vst v5;
	s13 =	sadd.s32 $0x100, s13  }
0x42: {  	[tilespmem:s9+$0x30] =	vst v0  }
0x43: {  	[tilespmem:s9+$0x40] =	vst v1  }
0x44: {  	[tilespmem:s9+$0x50] =	vst v2  }
0x45: {  	s11 =	sshrl.u32 s11, $0x2;
	[tilespmem:s9+$0x60] =	vst v3  }
0x46: {  	s12 =	simm.s32 $0x24F0;
	[tilespmem:s9+$0xFFFFFF80] =	vst v4;
	s9 =	sadd.s32 $0x7040, s11;
	s11 =	sadd.s32 $0x2500, s11  }
.LBB2_5:
0x47: {  	s12 =	sadd.s32 $0x10, s12  }
0x48: {  	v0 =	vld [tilespmem:s11+$0x0];
	p1 =	slt.u32 s12, $0x2590  }
.Ltmp4:
0x49: {  	_ = 	snop;
	(pc) =	sbr.rel @p1 .LBB2_5-.Ltmp4, $2  }
0x4a: {  	_ =	sdelay $0x2  }
0x4b: {  	s11 =	sadd.s32 $0x10, s11;
	[tilespmem:s9+$0x0] =	vst v0;
	s9 =	sadd.s32 $0x10, s9  }
.Ltmp5:
0x4c: {  	(pc) =	sbr.rel .LBB2_7-.Ltmp5, $4  }
0x4d: {  	_ = 	snop  }
0x4e: {  	s9 =	sshrl.u32 s8, $0x3  }
0x4f: {  	s31 =	sand.u32 $0x7, s8;
	s9 =	sadd.s32 s5, s9  }
0x50: {  	[hbm4b:s9+s31] =	stream.linear.scatter [tilespmem:s10], [sflag:$0x2], $0x25A0, $0x38;
	[tilespmem:$0x9680] =	vst v63  }
.LBB2_8:
0x51: {  	_ =	sfence.sel $0x180000  }
0x52: {  	s2 =	simm.s32 $0x1;
	[bflag:$0x0] =	sbarrier.arrive $0xFFFF  }
0x53: {  	s31 =	simm.s32 $0x2;
	[sflag:s2] =	ssyncpa.u1 $0x1  }
0x54: {  	[sflag:s31] =	ssyncpa.u1 $0x1  }
0x55: {  	_ =	strace $0x90000050  }
0x56: {  	s0 =	sadd.s32 @!p0 $0x100000, s0;
	[bflag:$0x2] =	sbarrier.arrive $0xFFFF  }
0x57: {  	[sflag:s0] =	ssyncadd.tile.s32 @!p0 $0x1;
	s0 =	simm.s32 @!p0 $0x3F  }
0x58: {  	_ =	swait.ge @!p0 [sflag:s0], s1  }
0x59: {  	s1 =	ssub.s32 @!p0 $0x0, s1;
	[sflag:s0] =	ssyncset.done @!p0 $0x0  }
0x5a: {  	[sflag:s0] =	ssyncadd.s32 @!p0 s1  }
0x5b: {  	[bflag:$0x3] =	sbarrier.arrive $0xFFFF  }
0x5c: {  	_ =	shalt  }
.Lfunc_end2:
execute1_lowered:
.L_overlay_start_2:
0x5d: {  	(tag) =	ssettag $0x2  }
0x5e: {  	s7 =	rddreg [dreg:$0x0]  }
0x5f: {  	s0 =	rddreg [dreg:$0x1];
	_ =	strace $0x80000053  }
0x60: {  	s3 =	stileid.u32;
	s4 =	simm.s32 $0x3E;
	s1 =	sadd.s32 $0x7F400, s7  }
0x61: {  	p0 =	sne.s32 s3, $0x0;
	[sflag:s4] =	ssyncpa.u1 $0x0;
	s29 =	smul.u32 $0x3, s3  }
0x62: {  	s30 =	smin.u32 s3, $0x2;
	s2 =	simm.s32 @!p0 $0x1C3E;
	s5 =	simm.s32 @!p0 $0x0  }
0x63: {  	[spmem:s5], [sflag:s2] =	dma.local @!p0 [hbm:s1], $0x9680  }
0x64: {  	s2 =	sadd.s32 s30, s29  }
0x65: {  	p1 =	slt.u32 s3, $0x2;
	s3 =	simm.s32 $0x7D00;
	s2 =	smul.u32 $0x1F40, s2  }
0x66: {  	s3 =	simm.s32 @!p1 $0x5DC0  }
0x67: {  	s3 =	sadd.s32 s3, s2  }
0x68: {  	s3 =	smin.u32 s3, $0x61A80  }
0x69: {  	s8 =	ssub.s32 s3, s2  }
0x6a: {  	p1 =	sgt.s32 s8, $0x0  }
0x6b: {  	s8 =	simm.s32 @!p1 $0x0  }
0x6c: {  	s5 =	simm.s32 @!p0 $0x3E;
	s31 =	smulhi.u32 $0x10624DD3, s8  }
0x6d: {  	_ =	swait.ge @!p0 [sflag:s5], $0x9680  }
0x6e: {  	s6 =	simm.s32 $0x2;
	[sflag:s5] =	ssyncset.done @!p0 $0x0;
	s9 =	sshrl.u32 s31, $0x9  }
0x6f: {  	s11 =	simm.s32 $0x0;
	[sflag:s5] =	ssyncadd.s32 @!p0 $0xFFFF6980;
	s10 =	smul.u32 $0x1F40, s9  }
.Ltmp6:
0x70: {  	s5 =	sadd.s32 $0x24C00, s7;
	[bflag:$0x0] =	sbarrier.arrive $0xFFFF;
	(pc) =	sbr.rel .LBB3_1-.Ltmp6, $4  }
0x71: {  	s7 =	sadd.s32 $0x73000, s7;
	[sflag:s4] =	ssyncpa.u1 $0x1;
	s4 =	simm.s32 $0x1  }
0x72: {  	[sflag:s4] =	ssyncpa.u1 $0x0;
	p1 =	sne.s32 s8, s10;
	s8 =	simm.s32 $0x1  }
0x73: {  	(ifvalue) =	ssetifvalue $0x4B400;
	[sflag:s6] =	ssyncpa.u1 $0x0;
	s8 =	simm.s32 @!p1 $0x0  }
0x74: {  	vm0 =	vmmov $0xffff;
	s10 =	smov.u32 s2;
	s8 =	sadd.s32 s8, s9;
	s9 =	simm.s32 $0x0  }
.LBB3_5:
0x75: {  	p2 =	sne.s32 s11, s8  }
.Ltmp7:
0x76: {  	_ = 	snop;
	(pc) =	sbr.rel @!p2 .LBB3_6-.Ltmp7, $4  }
0x77: {  	_ = 	snop  }
0x78: {  	s12 =	sadd.s32 $0x1F40, s10  }
0x79: {  	s10 =	smov.u32 s2;
	s13 =	sadd.s32 $0x1, s11;
	p1 =	slt.s32 s12, s3  }
0x7a: {  	s11 =	smov.u32 s13;
	s10 =	smov.u32 @p1 s12  }
.LBB3_1:
0x7b: {  	p1 =	sge.u32 s11, s8  }
0x7c: {  	s12 =	sxor.u32 @!p1 $0xFFFFFFFF, s11  }
0x7d: {  	s12 =	sand.u32 @!p1 $0x1, s12  }
0x7e: {  	s12 =	smul.u32 @!p1 $0x1F40, s12  }
0x7f: {  	s13 =	sshrl.u32 @!p1 s10, $0x3  }
0x80: {  	s16 =	sand.u32 @!p1 $0x7, s10;
	s14 =	sadd.s32 @!p1 s5, s13;
	s15 =	sadd.s32 @!p1 $0x4B40, s12  }
0x81: {  	[tilespmem:s15], [sflag:$0x2] =	stream.linear.gather @!p1 [hbm4b:s14+s16], $0x1F40, $0x38;
	[tilespmem:$0xC840] =	vst v63  }
0x82: {  	s13 =	sadd.s32 @!p1 s7, s13;
	s12 =	sadd.s32 @!p1 $0x89C0, s12  }
0x83: {  	[tilespmem:s12], [sflag:$0x2] =	stream.linear.gather @!p1 [hbm4b:s13+s16], $0x1F40, $0x38;
	[tilespmem:$0xC840] =	vst v63  }
0x84: {  	p1 =	seq.s32 s11, $0x0  }
.Ltmp8:
0x85: {  	_ = 	snop;
	(pc) =	sbr.rel @p1 .LBB3_5-.Ltmp8, $1  }
0x86: {  	_ =	sdelay $0x3  }
0x87: {  	s12 =	sand.u32 $0x1, s11  }
0x88: {  	_ =	swait.ge [sflag:s6], $0x3E80;
	p1 =	seq.s32 s12, $0x1;
	s12 =	simm.s32 $0x1F40  }
0x89: {  	[sflag:s6] =	ssyncset.done $0x0;
	s12 =	simm.s32 @!p1 $0x0  }
0x8a: {  	[sflag:s6] =	ssyncadd.s32 $0xFFFFC180;
	s14 =	sadd.s32 $0x4B40, s12  }
0x8b: {  	v0 =	vld.msk [tilespmem:s14+$0x0 ss:$0x1], $0xffff;
	_ =	sdelay $0x4  }
0x8c: {  	v0 =	vmin.u32 v0, $0x4B400;
	_ =	sdelay $0x3  }
0x8d: {  	s13 =	simm.s32 $0x0;
	s12 =	sadd.s32 $0x89C0, s12;
	s14 =	sadd.s32 $0x10, s14  }
0x8e: {  	[spmem:s9] =	stream.indirect_vreg.scatter.add.s32 [tilespmem:s12], [sflag:$0x1], $0x1, v0, vm0, $0x4038;
	[tilespmem:$0xC840] =	vst v63  }
.LBB3_3:
0x8f: {  	v0 =	vld.msk [tilespmem:s14+$0x0 ss:$0x1], $0xffff;
	s13 =	sadd.s32 $0x10, s13  }
0x90: {  	p1 =	slt.u32 s13, $0x1F30;
	_ =	sdelay $0x4  }
0x91: {  	v0 =	vmin.u32 v0, $0x4B400  }
.Ltmp9:
0x92: {  	(pc) =	sbr.rel @p1 .LBB3_3-.Ltmp9, $3  }
0x93: {  	_ =	sdelay $0x1  }
0x94: {  	s14 =	sadd.s32 $0x10, s14;
	s12 =	sadd.s32 $0x10, s12  }
0x95: {  	[spmem:s9] =	stream.indirect_vreg.scatter.add.s32 [tilespmem:s12], [sflag:$0x1], $0x1, v0, vm0, $0x4038;
	[tilespmem:$0xC840] =	vst v63  }
.Ltmp10:
0x96: {  	(pc) =	sbr.rel .LBB3_5-.Ltmp10, $4  }
0x97: {  	_ = 	snop  }
0x98: {  	_ =	swait.ge [sflag:s4], $0x1F40  }
0x99: {  	[sflag:s4] =	ssyncset.done $0x0  }
0x9a: {  	[sflag:s4] =	ssyncadd.s32 $0xFFFFE0C0  }
.LBB3_6:
0x9b: {  	_ =	sfence.sel $0x180000  }
0x9c: {  	s2 =	simm.s32 $0x2;
	[bflag:$0x0] =	sbarrier.arrive $0xFFFF  }
0x9d: {  	s30 =	simm.s32 $0x1;
	[sflag:s2] =	ssyncpa.u1 $0x1  }
0x9e: {  	[sflag:s30] =	ssyncpa.u1 $0x1  }
0x9f: {  	_ =	sfence.stream.spmem  }
0xa0: {  	s31 =	simm.s32 $0x3D;
	[bflag:$0x0] =	sbarrier.arrive $0xFFFF  }
0xa1: {  	s2 =	simm.s32 @p0 $0x3D;
	[sflag:s31] =	ssyncpa.u1 $0x0  }
0xa2: {  	[sflag:s2] =	ssyncpa.u1 @p0 $0x1  }
0xa3: {  	[bflag:$0x0] =	sbarrier.arrive @p0 $0xFFFF  }
0xa4: {  	_ =	strace @p0 $0x90000053  }
0xa5: {  	s3 =	simm.s32 @!p0 $0x1C3D;
	s2 =	simm.s32 @!p0 $0x0;
	[bflag:$0x2] =	sbarrier.arrive @p0 $0xFFFF  }
0xa6: {  	[hbm:s1], [sflag:s3] =	dma.local @!p0 [spmem:s2], $0x9680  }
0xa7: {  	s1 =	simm.s32 @!p0 $0x3D  }
0xa8: {  	_ =	swait.ge @!p0 [sflag:s1], $0x9680  }
0xa9: {  	[sflag:s1] =	ssyncset.done @!p0 $0x0  }
0xaa: {  	[sflag:s1] =	ssyncadd.s32 @!p0 $0xFFFF6980  }
0xab: {  	[sflag:s1] =	ssyncpa.u1 @!p0 $0x1  }
0xac: {  	[bflag:$0x0] =	sbarrier.arrive @!p0 $0xFFFF  }
0xad: {  	_ =	strace @!p0 $0x90000053  }
0xae: {  	s0 =	sadd.s32 @!p0 $0x100000, s0;
	[bflag:$0x2] =	sbarrier.arrive @!p0 $0xFFFF  }
0xaf: {  	[sflag:s0] =	ssyncadd.tile.s32 @!p0 $0x1;
	_ =	shalt  }
.Lfunc_end3:
_tile_overlayer_lowered:
.L_overlay_start_3:
0xb0: {  	(tag) =	ssettag $0x3  }
0xb1: {  	s0 =	rddreg [dreg:$0x0];
	s2 =	stileid.u32  }
0xb2: {  	s1 =	rddreg [dreg:$0x1];
	p0 =	sne.s32 s2, $0x0  }
0xb3: {  	s3 =	rddreg [dreg:$0x2];
	[bflag:$0x3] =	sbarrier.arrive $0xFFFF;
	s2 =	simm.s32 @!p0 $0x1C01  }
0xb4: {  	[timem:s3], [sflag:s2] =	dma.local @!p0 [hbm:s0], s1  }
0xb5: {  	s0 =	simm.s32 @!p0 $0x1  }
0xb6: {  	_ =	swait.ge @!p0 [sflag:s0], s1  }
0xb7: {  	s1 =	ssub.s32 @!p0 $0x0, s1;
	[sflag:s0] =	ssyncset.done @!p0 $0x0  }
0xb8: {  	[sflag:s0] =	ssyncadd.s32 @!p0 s1  }
0xb9: {  	[bflag:$0x3] =	sbarrier.arrive $0xFFFF  }
0xba: {  	_ =	shalt  }

// kernel: scatter_offload_async_start.2
scs
__scs_entry_jumppad:
0x0: {  	(pc) =	sbr.rel $0x88, $3  }
0x1: {  	(tag) =	ssettag $0x0;
	lr =	simm.s32 $0x1  }
0x2: {  	[smem:$0x3FA0] =	sst lr;
	_ =	strace $0xD0000000  }
0x3: {  	_ = 	snop  }
0x4: {  	_ = 	snop  }
0x5: {  	_ = 	snop  }
0x6: {  	_ = 	snop  }
0x7: {  	_ = 	snop  }
__scs_overlays_trampoline_lowered:
0x8: {  	[smem:$0x3FAF] =	sst s0  }
0x9: {  	[smem:$0x3FB0] =	sst s1  }
0xa: {  	[smem:$0x3FB1] =	sst s2  }
0xb: {  	[smem:$0x3FB2] =	sst s3  }
0xc: {  	[smem:$0x3FB3] =	sst s4  }
0xd: {  	[smem:$0x3FB4] =	sst s5  }
0xe: {  	[smem:$0x3FB5] =	sst s6  }
0xf: {  	[smem:$0x3FB6] =	sst s7  }
0x10: {  	[smem:$0x3FB7] =	sst s8  }
0x11: {  	[smem:$0x3FB8] =	sst s9;
	s0 =	simm.s32 @!p0 $0x0  }
0x12: {  	s1 =	sld [smem:$0x3F9E];
	s0 =	simm.s32 @p0 $0x1  }
0x13: {  	[smem:$0x3FB9] =	sst s0;
	s0 =	simm.s32 @!p1 $0x0  }
0x14: {  	s2 =	sld [smem:$0x3F9D];
	s0 =	simm.s32 @p1 $0x1  }
0x15: {  	[smem:$0x3FBA] =	sst s0;
	s0 =	simm.s32 @!p2 $0x0  }
0x16: {  	s3 =	sld [smem:$0x3FDB];
	s0 =	simm.s32 @p2 $0x1  }
0x17: {  	s4 =	simm.s32 $0x1BF5;
	[smem:$0x3FBC] =	sst s0  }
0x18: {  	s0 =	sld [smem:$0x3F9F];
	_ =	swait.ge [sflag:s4], $0x0  }
0x19: {  	s7 =	sld [smem:$0x3FA0]  }
0x1a: {  	s8 =	sadd.s32 $0xFFFFE003, lr  }
0x1b: {  	s9 =	sadd.s32 $0xFFFFFEF7, lr;
	s5 =	simm.s32 $0xFFFFFFFF;
	p2 =	slt.u32 s8, $0xFFFFF086  }
0x1c: {  	p1 =	slt.u32 s9, $0xF7A;
	s5 =	simm.s32 @!p2 $0x0  }
0x1d: {  	s5 =	simm.s32 @p1 $0x1;
	p0 =	seq.s32 s7, s2  }
0x1e: {  	s7 =	smul.u32 @!p0 $0xF7A, s2;
	p2 =	seq.s32 @!p0 s5, $0x0  }
0x1f: {  	s9 =	smul.u32 $0xF7A, s1;
	s8 =	simm.s32 @!p0 $0x1BF5;
	p2 =	por !p2, p0  }
0x20: {  	[sflag:s8] =	ssyncset.s32 @!p0 $0xFFFFF086;
	s6 =	sadd.s32 @!p0 s3, s7;
	s7 =	simm.s32 @!p0 $0x108  }
0x21: {  	s3 =	sadd.s32 s3, s9;
	s6 =	sadd.s32 @!p0 $0x88, s6;
	s7 =	simm.s32 @p2 $0x1082  }
0x22: {  	[simem:s7], [sflag:s8] =	dma.local @!p0 [hbm:s6], $0xF7A  }
0x23: {  	s9 =	sor.u32 $0xD0000000, s2;
	s6 =	simm.s32 $0x108;
	_ =	swait.ge @!p0 [sflag:s8], $0x0  }
0x24: {  	s3 =	sadd.s32 $0x88, s3;
	s6 =	simm.s32 @!p1 $0x1082;
	[sflag:s4] =	ssyncset.s32 $0xFFFFF086  }
0x25: {  	[simem:s6], [sflag:s4] =	dma.local [hbm:s3], $0xF7A  }
0x26: {  	[smem:$0x3FA0] =	sst s1;
	(tag) =	ssettag s2;
	_ =	strace s9  }
0x27: {  	s1 =	sld [smem:$0x3FB0]  }
0x28: {  	s2 =	sld [smem:$0x3FB1]  }
0x29: {  	s4 =	sld [smem:$0x3FB3]  }
0x2a: {  	p0 =	seq.s32 s5, $0x0;
	s5 =	sld [smem:$0x3FB4]  }
0x2b: {  	s6 =	sld [smem:$0x3FB5]  }
0x2c: {  	s7 =	sld [smem:$0x3FB6]  }
0x2d: {  	s3 =	simm.s32 $0x108;
	s8 =	sld [smem:$0x3FB7]  }
0x2e: {  	s3 =	simm.s32 @!p0 $0x1082;
	s9 =	sld [smem:$0x3FB8]  }
0x2f: {  	lr =	sadd.s32 s0, s3;
	s0 =	sld [smem:$0x3FAF]  }
0x30: {  	s3 =	sld [smem:$0x3FB2]  }
0x31: {  	[smem:$0x3FBB] =	sst s10  }
0x32: {  	s10 =	sld [smem:$0x3FB9];
	_ =	sdelay $0x3  }
0x33: {  	p0 =	seq.s32 s10, $0x1;
	s10 =	sld [smem:$0x3FBB];
	_ =	sdelay $0x3  }
0x34: {  	[smem:$0x3FBB] =	sst s10  }
0x35: {  	s10 =	sld [smem:$0x3FBA];
	_ =	sdelay $0x3  }
0x36: {  	p1 =	seq.s32 s10, $0x1;
	s10 =	sld [smem:$0x3FBB];
	_ =	sdelay $0x3  }
0x37: {  	[smem:$0x3FBB] =	sst s10  }
0x38: {  	s10 =	sld [smem:$0x3FBC]  }
0x39: {  	_ = 	snop;
	(pc) =	sbr.ind lr, $3  }
0x3a: {  	_ = 	snop  }
0x3b: {  	_ = 	snop  }
0x3c: {  	p2 =	seq.s32 s10, $0x1;
	s10 =	sld [smem:$0x3FBB]  }
0x3d: {  	_ =	shalt  }
0x3e: {  	_ =	shalt  }
0x3f: {  	_ =	shalt  }
0x40: {  	_ =	shalt  }
0x41: {  	_ =	shalt  }
0x42: {  	_ =	shalt  }
0x43: {  	_ =	shalt  }
0x44: {  	_ =	shalt  }
0x45: {  	_ =	shalt  }
0x46: {  	_ =	shalt  }
0x47: {  	_ =	shalt  }
0x48: {  	_ =	shalt  }
0x49: {  	_ =	shalt  }
0x4a: {  	_ =	shalt  }
0x4b: {  	_ =	shalt  }
0x4c: {  	_ =	shalt  }
0x4d: {  	_ =	shalt  }
0x4e: {  	_ =	shalt  }
0x4f: {  	_ =	shalt  }
0x50: {  	_ =	shalt  }
0x51: {  	_ =	shalt  }
0x52: {  	_ =	shalt  }
0x53: {  	_ =	shalt  }
0x54: {  	_ =	shalt  }
0x55: {  	_ =	shalt  }
0x56: {  	_ =	shalt  }
0x57: {  	_ =	shalt  }
0x58: {  	_ =	shalt  }
0x59: {  	_ =	shalt  }
0x5a: {  	_ =	shalt  }
0x5b: {  	_ =	shalt  }
0x5c: {  	_ =	shalt  }
0x5d: {  	_ =	shalt  }
0x5e: {  	_ =	shalt  }
0x5f: {  	_ =	shalt  }
0x60: {  	_ =	shalt  }
0x61: {  	_ =	shalt  }
0x62: {  	_ =	shalt  }
0x63: {  	_ =	shalt  }
0x64: {  	_ =	shalt  }
0x65: {  	_ =	shalt  }
0x66: {  	_ =	shalt  }
0x67: {  	_ =	shalt  }
0x68: {  	_ =	shalt  }
0x69: {  	_ =	shalt  }
0x6a: {  	_ =	shalt  }
0x6b: {  	_ =	shalt  }
0x6c: {  	_ =	shalt  }
0x6d: {  	_ =	shalt  }
0x6e: {  	_ =	shalt  }
0x6f: {  	_ =	shalt  }
0x70: {  	_ =	shalt  }
0x71: {  	_ =	shalt  }
0x72: {  	_ =	shalt  }
0x73: {  	_ =	shalt  }
0x74: {  	_ =	shalt  }
0x75: {  	_ =	shalt  }
0x76: {  	_ =	shalt  }
0x77: {  	_ =	shalt  }
0x78: {  	_ =	shalt  }
0x79: {  	_ =	shalt  }
0x7a: {  	_ =	shalt  }
0x7b: {  	_ =	shalt  }
0x7c: {  	_ =	shalt  }
0x7d: {  	_ =	shalt  }
0x7e: {  	_ =	shalt  }
0x7f: {  	_ =	shalt  }
0x80: {  	_ =	shalt  }
0x81: {  	_ =	shalt  }
0x82: {  	_ =	shalt  }
0x83: {  	_ =	shalt  }
0x84: {  	_ =	shalt  }
0x85: {  	_ =	shalt  }
0x86: {  	_ =	shalt  }
0x87: {  	_ =	shalt  }
.Lfunc_end0:
.L_simem_size_0:
called_computation.2_lowered:
.L_overlay_start_0:
0x88: {  	s0 =	sld [smem:$0x3FD9]  }
0x89: {  	s1 =	sld [smem:$0x3FFE];
	_ =	sdelay $0x3  }
0x8a: {  	s0 =	sadd.s32 s1, s0  }
0x8b: {  	[smem:$0x3FC7] =	sst s0  }
0x8c: {  	_ = 	snop  }
0x8d: {  	(tm) =	ssettm $0x1  }
0x8e: {  	s14 =	sld [smem:$0x3FFB];
	_ =	sdelay $0x3  }
0x8f: {  	_ =	strace s14  }
0x90: {  	s0 =	sld [smem:$0x3FFC];
	_ =	sdelay $0x3  }
0x91: {  	_ =	strace s0  }
0x92: {  	s0 =	sld [smem:$0x3FFD];
	_ =	sdelay $0x3  }
0x93: {  	_ =	strace s0  }
0x94: {  	_ =	strace $0x8FFFFFFF  }
0x95: {  	s15 =	sld [smem:$0x3FDB];
	_ =	sdelay $0x1  }
0x96: {  	s16 =	simm.s32 $_scs_section_size  }
0x97: {  	s2 =	simm.s32 $_size__tile_overlayer_lowered;
	s3 =	simm.s32 $_tile_overlayer_lowered  }
0x98: {  	s4 =	simm.s32 $0x1BFF;
	s17 =	sshll.u32 s3, $0x1;
	s1 =	sadd.s32 s16, s15  }
0x99: {  	s18 =	simm.s32 $0x0;
	s2 =	sshll.u32 s2, $0x1;
	s3 =	sadd.s32 s17, s1  }
0x9a: {  	[timem:s18], [sflag:s4] =	dma.local [hbm:s3], s2  }
0x9b: {  	_ =	swait.ge [sflag:s4], s2  }
0x9c: {  	s2 =	ssub.s32 $0x0, s2;
	[sflag:s4] =	ssyncset.done $0x0  }
0x9d: {  	[sflag:s4] =	ssyncadd.s32 s2;
	_ =	sdelay $0x1  }
0x9e: {  	s19 =	simm.s32 $0x1B8B  }
0x9f: {  	_ =	swait.ge [sflag:s19], $0x1  }
0xa0: {  	[sflag:s19] =	ssyncset.done $0x0  }
0xa1: {  	s21 =	simm.s32 $0x1B8E;
	s20 =	sld [smem:$0x3FFE];
	[sflag:s19] =	ssyncadd.s32 $0xFFFFFFFF  }
0xa2: {  	s22 =	simm.s32 $execute0_lowered;
	[smem:$0x3FD2] =	sst s21  }
0xa3: {  	s3 =	sshll.u32 s22, $0x1;
	_ =	strace $0x80000049;
	[dreg:$0x1] =	wrdreg $0xFFFFFFFF  }
0xa4: {  	s23 =	simm.s32 $_size_execute0_lowered;
	s3 =	sadd.s32 s1, s3;
	[dreg:$0x0] =	wrdreg $0x0  }
0xa5: {  	s4 =	sshll.u32 s23, $0x1;
	[dreg:$0x2] =	wrdreg s3  }
0xa6: {  	[dreg:$0x3] =	wrdreg s4  }
0xa7: {  	[dreg:$0x4] =	wrdreg $0xC0  }
0xa8: {  	s24 =	simm.s32 $execute1_lowered;
	_ =	task [dreg:s18], $0x5FFFF  }
0xa9: {  	s3 =	sshll.u32 s24, $0x1;
	[dreg:$0x1] =	wrdreg $0xFFFFFFFF  }
0xaa: {  	s1 =	sadd.s32 s1, s3;
	[dreg:$0x0] =	wrdreg $0x60  }
0xab: {  	[dreg:$0x2] =	wrdreg s1  }
0xac: {  	[dreg:$0x3] =	wrdreg s20  }
0xad: {  	[dreg:$0x4] =	wrdreg $0xC  }
0xae: {  	_ =	task.clear_ibuf [dreg:s18], $0x5FFFF;
	_ =	strace $0x90000049  }
0xaf: {  	s25 =	simm.s32 $0xC;
	_ =	strace $0x8000004B  }
0xb0: {  	_ =	swait.ge [sflag:s25], $0x1  }
0xb1: {  	[sflag:s25] =	ssyncadd.s32 $0xFFFFFFFF  }
0xb2: {  	_ =	strace $0x9000004B  }
0xb3: {  	_ =	strace $0x8000004C;
	[dreg:$0x1] =	wrdreg $0xFFFFFFFF  }
0xb4: {  	[dreg:$0x0] =	wrdreg $0x2030  }
0xb5: {  	[dreg:$0x2] =	wrdreg s20  }
0xb6: {  	[dreg:$0x3] =	wrdreg $0xD  }
0xb7: {  	_ =	task.clear_ibuf [dreg:s18], $0x4FFFF;
	_ =	strace $0x9000004C  }
0xb8: {  	s26 =	simm.s32 $0xD;
	_ =	strace $0x8000004E  }
0xb9: {  	_ =	swait.ge [sflag:s26], $0x1  }
0xba: {  	[sflag:s26] =	ssyncadd.s32 $0xFFFFFFFF  }
0xbb: {  	_ =	strace $0x9000004E  }
0xbc: {  	_ =	sfence  }
0xbd: {  	s28 =	sld [smem:$0x0];
	_ =	sdelay $0x1  }
0xbe: {  	s29 =	srdreg.scid  }
0xbf: {  	s30 =	sshll.u32 s29, $0xD;
	s31 =	sshrl.u32 s29, $0x2  }
0xc0: {  	s2 =	sand.u32 $0x1, s29;
	s3 =	sand.u32 $0x4000, s30;
	s1 =	sadd.s32 s31, s28  }
0xc1: {  	s2 =	sor.u32 s3, s2;
	s1 =	sshll.u32 s1, $0x11  }
0xc2: {  	s1 =	sor.u32 s1, s2  }
0xc3: {  	s1 =	sadd.s32 $0x8F2B, s1  }
0xc4: {  	[sflag:s1] =	ssyncadd.remote.s32 $0x1  }
0xc5: {  	_ =	sfence.sel $0xFFFF  }
0xc6: {  	[dreg:$0x0] =	wrdreg $0xFFFFFFFF;
	(pc) =	sbr.abs _section_cstart, $3  }
0xc7: {  	[dreg:$0x1] =	wrdreg $0xFFFFFFFF  }
0xc8: {  	_ =	task.clear_ibuf [dreg:s18], $0x2FFFF;
	_ =	strace $0x9FFFFFFF  }
0xc9: {  	(tm) =	ssettm $0x7FFFFFFF  }
tec
execute0_lowered:
.L_overlay_start_1:
0x0: {  	(tag) =	ssettag $0x1  }
0x1: {  	s2 =	rddreg [dreg:$0x0]  }
0x2: {  	s5 =	rddreg [dreg:$0x1]  }
0x3: {  	s0 =	rddreg [dreg:$0x2];
	s3 =	stileid.u32  }
0x4: {  	[bflag:$0x3] =	sbarrier.arrive $0xFFFF;
	s1 =	simm.s32 $_size_execute1_lowered;
	s31 =	simm.s32 $0x2  }
0x5: {  	s8 =	simm.s32 $0x0;
	p0 =	sne.s32 s3, $0x0;
	s1 =	sshll.u32 s1, $0x1  }
.Ltmp0:
0x6: {  	s4 =	simm.s32 @!p0 $0x1C3F;
	s6 =	simm.s32 @!p0 $0x4060;
	(pc) =	sbr.rel .LBB2_1-.Ltmp0, $4  }
0x7: {  	[timem:s6], [sflag:s4] =	dma.local @!p0 [hbm:s2], s1  }
0x8: {  	s3 =	smul.u32 $0x25A0, s3;
	s4 =	simm.s32 $0x1;
	_ =	strace $0x8000004A  }
0x9: {  	s2 =	sadd.s32 $0x60000, s5;
	s5 =	sadd.s32 $0x69800, s5;
	[sflag:s4] =	ssyncpa.u1 $0x0  }
0xa: {  	s7 =	smov.u32 s3;
	s6 =	simm.s32 $0x0;
	[sflag:s31] =	ssyncpa.u1 $0x0  }
.LBB2_7:
0xb: {  	s10 =	sadd.s32 $0x25A00, s7  }
0xc: {  	p1 =	slt.u32 s6, $0x2;
	s6 =	sadd.s32 $0x1, s6;
	p2 =	sgt.s32 s10, $0x4B000  }
0xd: {  	s10 =	smov.u32 @p2 s3;
	p2 =	sne.s32 s6, $0x4  }
.Ltmp1:
0xe: {  	_ = 	snop;
	(pc) =	sbr.rel @!p2 .LBB2_8-.Ltmp1, $4  }
0xf: {  	s9 =	simm.s32 @!p1 $0x2  }
0x10: {  	_ =	swait.ge @!p1 [sflag:s9], $0x25A0  }
0x11: {  	[sflag:s9] =	ssyncset.done @!p1 $0x0  }
0x12: {  	s8 =	smov.u32 s7;
	s7 =	smov.u32 s10;
	[sflag:s9] =	ssyncadd.s32 @!p1 $0xFFFFDA60  }
.LBB2_1:
0x13: {  	p1 =	sgt.u32 s6, $0x1  }
0x14: {  	s9 =	sxor.u32 @!p1 $0x1, s6  }
0x15: {  	s9 =	smul.u32 @!p1 $0x9680, s9  }
0x16: {  	s10 =	sshrl.u32 @!p1 s7, $0x3  }
0x17: {  	s11 =	sand.u32 @!p1 $0x7, s7;
	s10 =	sadd.s32 @!p1 s2, s10;
	s9 =	sshra.s32 @!p1 s9, $0x2  }
0x18: {  	[tilespmem:s9], [sflag:$0x1] =	stream.linear.gather @!p1 [hbm4b:s10+s11], $0x25A0, $0x38;
	[tilespmem:$0x9680] =	vst v63  }
0x19: {  	p1 =	seq.s32 s6, $0x0  }
0x1a: {  	p2 =	seq.s32 @!p1 s6, $0x3  }
0x1b: {  	p1 =	por p1, p2  }
.Ltmp2:
0x1c: {  	_ = 	snop;
	(pc) =	sbr.rel @p1 .LBB2_7-.Ltmp2, $1  }
0x1d: {  	_ =	sdelay $0x3  }
0x1e: {  	s9 =	sand.u32 $0x1, s6  }
0x1f: {  	_ =	swait.ge [sflag:s4], $0x25A0;
	s11 =	simm.s32 $0x25A0;
	p1 =	seq.s32 s9, $0x1  }
0x20: {  	[sflag:s4] =	ssyncset.done $0x0;
	s11 =	simm.s32 @!p1 $0x0  }
0x21: {  	[sflag:s4] =	ssyncadd.s32 $0xFFFFDA60;
	s13 =	sadd.s32 $0x80, s11  }
0x22: {  	v0 =	vld [tilespmem:s13+$0x70]  }
0x23: {  	v1 =	vld [tilespmem:s13+$0xFFFFFF90]  }
0x24: {  	v2 =	vld [tilespmem:s13+$0xFFFFFFA0]  }
0x25: {  	v3 =	vld [tilespmem:s13+$0xFFFFFFB0]  }
0x26: {  	s9 =	sadd.s32 $0x4BC0, s11;
	v4 =	vld [tilespmem:s13+$0xFFFFFFC0]  }
0x27: {  	v5 =	vld [tilespmem:s13+$0xFFFFFFD0];
	[tilespmem:s9+$0x70] =	vst v0  }
0x28: {  	[tilespmem:s9+$0xFFFFFF90] =	vst v1;
	v0 =	vld [tilespmem:s13+$0xFFFFFFE0]  }
0x29: {  	[tilespmem:s9+$0xFFFFFFA0] =	vst v2;
	v1 =	vld [tilespmem:s13+$0xFFFFFFF0]  }
0x2a: {  	[tilespmem:s9+$0xFFFFFFB0] =	vst v3;
	v2 =	vld [tilespmem:s13+$0x0]  }
0x2b: {  	[tilespmem:s9+$0xFFFFFFC0] =	vst v4;
	v3 =	vld [tilespmem:s13+$0x10]  }
0x2c: {  	[tilespmem:s9+$0xFFFFFFD0] =	vst v5;
	v5 =	vld [tilespmem:s13+$0x20]  }
0x2d: {  	[tilespmem:s9+$0xFFFFFFE0] =	vst v0;
	v0 =	vld [tilespmem:s13+$0x30]  }
0x2e: {  	[tilespmem:s9+$0xFFFFFFF0] =	vst v1;
	v1 =	vld [tilespmem:s13+$0x40]  }
0x2f: {  	[tilespmem:s9+$0x0] =	vst v2;
	v2 =	vld [tilespmem:s13+$0x50]  }
0x30: {  	s12 =	simm.s32 $0x0;
	[tilespmem:s9+$0x10] =	vst v3;
	v3 =	vld [tilespmem:s13+$0x60]  }
0x31: {  	s10 =	sadd.s32 $0x4B40, s11;
	s11 =	sshll.u32 s11, $0x2;
	v4 =	vld [tilespmem:s13+$0xFFFFFF80];
	[tilespmem:s9+$0x20] =	vst v5;
	s13 =	sadd.s32 $0x100, s13  }
.LBB2_3:
0x32: {  	v5 =	vld [tilespmem:s13+$0x70];
	s12 =	sadd.s32 $0x100, s12;
	[tilespmem:s9+$0x30] =	vst v0  }
0x33: {  	v0 =	vld [tilespmem:s13+$0xFFFFFF90];
	p1 =	slt.u32 s12, $0x2400;
	[tilespmem:s9+$0x40] =	vst v1  }
0x34: {  	v1 =	vld [tilespmem:s13+$0xFFFFFFA0];
	[tilespmem:s9+$0x50] =	vst v2  }
0x35: {  	v2 =	vld [tilespmem:s13+$0xFFFFFFB0];
	[tilespmem:s9+$0x60] =	vst v3  }
0x36: {  	v3 =	vld [tilespmem:s13+$0xFFFFFFC0];
	[tilespmem:s9+$0xFFFFFF80] =	vst v4;
	s9 =	sadd.s32 $0x100, s9  }
0x37: {  	v4 =	vld [tilespmem:s13+$0xFFFFFFD0];
	[tilespmem:s9+$0x70] =	vst v5  }
0x38: {  	[tilespmem:s9+$0xFFFFFF90] =	vst v0;
	v0 =	vld [tilespmem:s13+$0xFFFFFFE0]  }
0x39: {  	[tilespmem:s9+$0xFFFFFFA0] =	vst v1;
	v1 =	vld [tilespmem:s13+$0xFFFFFFF0]  }
0x3a: {  	[tilespmem:s9+$0xFFFFFFB0] =	vst v2;
	v2 =	vld [tilespmem:s13+$0x0]  }
0x3b: {  	[tilespmem:s9+$0xFFFFFFC0] =	vst v3;
	v3 =	vld [tilespmem:s13+$0x10]  }
0x3c: {  	[tilespmem:s9+$0xFFFFFFD0] =	vst v4;
	v5 =	vld [tilespmem:s13+$0x20]  }
.Ltmp3:
0x3d: {  	[tilespmem:s9+$0xFFFFFFE0] =	vst v0;
	v0 =	vld [tilespmem:s13+$0x30];
	(pc) =	sbr.rel @p1 .LBB2_3-.Ltmp3, $4  }
0x3e: {  	[tilespmem:s9+$0xFFFFFFF0] =	vst v1;
	v1 =	vld [tilespmem:s13+$0x40]  }
0x3f: {  	[tilespmem:s9+$0x0] =	vst v2;
	v2 =	vld [tilespmem:s13+$0x50]  }
0x40: {  	[tilespmem:s9+$0x10] =	vst v3;
	v3 =	vld [tilespmem:s13+$0x60]  }
0x41: {  	v4 =	vld [tilespmem:s13+$0xFFFFFF80];
	[tilespmem:s9+$0x20] =	vst v5;
	s13 =	sadd.s32 $0x100, s13  }
0x42: {  	[tilespmem:s9+$0x30] =	vst v0  }
0x43: {  	[tilespmem:s9+$0x40] =	vst v1  }
0x44: {  	[tilespmem:s9+$0x50] =	vst v2  }
0x45: {  	s11 =	sshrl.u32 s11, $0x2;
	[tilespmem:s9+$0x60] =	vst v3  }
0x46: {  	s12 =	simm.s32 $0x24F0;
	[tilespmem:s9+$0xFFFFFF80] =	vst v4;
	s9 =	sadd.s32 $0x7040, s11;
	s11 =	sadd.s32 $0x2500, s11  }
.LBB2_5:
0x47: {  	s12 =	sadd.s32 $0x10, s12  }
0x48: {  	v0 =	vld [tilespmem:s11+$0x0];
	p1 =	slt.u32 s12, $0x2590  }
.Ltmp4:
0x49: {  	_ = 	snop;
	(pc) =	sbr.rel @p1 .LBB2_5-.Ltmp4, $2  }
0x4a: {  	_ =	sdelay $0x2  }
0x4b: {  	s11 =	sadd.s32 $0x10, s11;
	[tilespmem:s9+$0x0] =	vst v0;
	s9 =	sadd.s32 $0x10, s9  }
.Ltmp5:
0x4c: {  	(pc) =	sbr.rel .LBB2_7-.Ltmp5, $4  }
0x4d: {  	_ = 	snop  }
0x4e: {  	s9 =	sshrl.u32 s8, $0x3  }
0x4f: {  	s31 =	sand.u32 $0x7, s8;
	s9 =	sadd.s32 s5, s9  }
0x50: {  	[hbm4b:s9+s31] =	stream.linear.scatter [tilespmem:s10], [sflag:$0x2], $0x25A0, $0x38;
	[tilespmem:$0x9680] =	vst v63  }
.LBB2_8:
0x51: {  	_ =	sfence.sel $0x180000  }
0x52: {  	s2 =	simm.s32 $0x1;
	[bflag:$0x0] =	sbarrier.arrive $0xFFFF  }
0x53: {  	s31 =	simm.s32 $0x2;
	[sflag:s2] =	ssyncpa.u1 $0x1  }
0x54: {  	[sflag:s31] =	ssyncpa.u1 $0x1  }
0x55: {  	_ =	strace $0x9000004A  }
0x56: {  	s0 =	sadd.s32 @!p0 $0x100000, s0;
	[bflag:$0x2] =	sbarrier.arrive $0xFFFF  }
0x57: {  	[sflag:s0] =	ssyncadd.tile.s32 @!p0 $0x1;
	s0 =	simm.s32 @!p0 $0x3F  }
0x58: {  	_ =	swait.ge @!p0 [sflag:s0], s1  }
0x59: {  	s1 =	ssub.s32 @!p0 $0x0, s1;
	[sflag:s0] =	ssyncset.done @!p0 $0x0  }
0x5a: {  	[sflag:s0] =	ssyncadd.s32 @!p0 s1  }
0x5b: {  	[bflag:$0x3] =	sbarrier.arrive $0xFFFF  }
0x5c: {  	_ =	shalt  }
.Lfunc_end2:
execute1_lowered:
.L_overlay_start_2:
0x5d: {  	(tag) =	ssettag $0x2  }
0x5e: {  	s2 =	rddreg [dreg:$0x0]  }
0x5f: {  	s0 =	rddreg [dreg:$0x1];
	_ =	strace $0x8000004D  }
0x60: {  	s4 =	stileid.u32;
	s5 =	simm.s32 $0x3E;
	s1 =	sadd.s32 $0x69800, s2  }
0x61: {  	p0 =	sne.s32 s4, $0x0;
	[sflag:s5] =	ssyncpa.u1 $0x0;
	s29 =	smul.u32 $0x3, s4  }
0x62: {  	s30 =	smin.u32 s4, $0x2;
	s3 =	simm.s32 @!p0 $0x1C3E;
	s6 =	simm.s32 @!p0 $0x0  }
0x63: {  	[spmem:s6], [sflag:s3] =	dma.local @!p0 [hbm:s1], $0x9680  }
0x64: {  	s3 =	sadd.s32 s30, s29  }
0x65: {  	p1 =	slt.u32 s4, $0x2;
	s4 =	simm.s32 $0x7D00;
	s3 =	smul.u32 $0x1F40, s3  }
0x66: {  	s4 =	simm.s32 @!p1 $0x5DC0  }
0x67: {  	s4 =	sadd.s32 s4, s3  }
0x68: {  	s4 =	smin.u32 s4, $0x61A80  }
0x69: {  	s7 =	ssub.s32 s4, s3  }
0x6a: {  	p1 =	sgt.s32 s7, $0x0  }
0x6b: {  	s7 =	simm.s32 @!p1 $0x0  }
0x6c: {  	s6 =	simm.s32 @!p0 $0x3E;
	s31 =	smulhi.u32 $0x10624DD3, s7  }
0x6d: {  	_ =	swait.ge @!p0 [sflag:s6], $0x9680  }
0x6e: {  	[sflag:s6] =	ssyncset.done @!p0 $0x0;
	s8 =	sshrl.u32 s31, $0x9  }
0x6f: {  	s11 =	simm.s32 $0x0;
	[sflag:s6] =	ssyncadd.s32 @!p0 $0xFFFF6980;
	s9 =	smul.u32 $0x1F40, s8  }
.Ltmp6:
0x70: {  	s6 =	simm.s32 $0x2;
	[bflag:$0x0] =	sbarrier.arrive $0xFFFF;
	(pc) =	sbr.rel .LBB3_1-.Ltmp6, $4  }
0x71: {  	s10 =	smov.u32 s3;
	[sflag:s5] =	ssyncpa.u1 $0x1;
	s5 =	simm.s32 $0x1  }
0x72: {  	[sflag:s5] =	ssyncpa.u1 $0x0;
	p1 =	sne.s32 s7, s9;
	s9 =	simm.s32 $0x1  }
0x73: {  	(ifvalue) =	ssetifvalue $0x4B400;
	[sflag:s6] =	ssyncpa.u1 $0x0;
	s9 =	simm.s32 @!p1 $0x0  }
0x74: {  	vm0 =	vmmov $0xffff;
	s7 =	sadd.s32 $0xC400, s2;
	s8 =	sadd.s32 s9, s8;
	s9 =	simm.s32 $0x0  }
.LBB3_5:
0x75: {  	p2 =	sne.s32 s11, s8  }
.Ltmp7:
0x76: {  	_ = 	snop;
	(pc) =	sbr.rel @!p2 .LBB3_6-.Ltmp7, $4  }
0x77: {  	_ = 	snop  }
0x78: {  	s12 =	sadd.s32 $0x1F40, s10  }
0x79: {  	s10 =	smov.u32 s3;
	s13 =	sadd.s32 $0x1, s11;
	p1 =	slt.s32 s12, s4  }
0x7a: {  	s11 =	smov.u32 s13;
	s10 =	smov.u32 @p1 s12  }
.LBB3_1:
0x7b: {  	p1 =	sge.u32 s11, s8  }
0x7c: {  	s12 =	sxor.u32 @!p1 $0xFFFFFFFF, s11  }
0x7d: {  	s12 =	sand.u32 @!p1 $0x1, s12  }
0x7e: {  	s12 =	smul.u32 @!p1 $0x1F40, s12  }
0x7f: {  	s13 =	sshrl.u32 @!p1 s10, $0x3  }
0x80: {  	s16 =	sand.u32 @!p1 $0x7, s10;
	s14 =	sadd.s32 @!p1 s7, s13;
	s15 =	sadd.s32 @!p1 $0x4B40, s12  }
0x81: {  	[tilespmem:s15], [sflag:$0x2] =	stream.linear.gather @!p1 [hbm4b:s14+s16], $0x1F40, $0x38;
	[tilespmem:$0xC840] =	vst v63  }
0x82: {  	s13 =	sadd.s32 @!p1 s2, s13;
	s12 =	sadd.s32 @!p1 $0x89C0, s12  }
0x83: {  	[tilespmem:s12], [sflag:$0x2] =	stream.linear.gather @!p1 [hbm4b:s13+s16], $0x1F40, $0x38;
	[tilespmem:$0xC840] =	vst v63  }
0x84: {  	p1 =	seq.s32 s11, $0x0  }
.Ltmp8:
0x85: {  	_ = 	snop;
	(pc) =	sbr.rel @p1 .LBB3_5-.Ltmp8, $1  }
0x86: {  	_ =	sdelay $0x3  }
0x87: {  	s12 =	sand.u32 $0x1, s11  }
0x88: {  	_ =	swait.ge [sflag:s6], $0x3E80;
	p1 =	seq.s32 s12, $0x1;
	s12 =	simm.s32 $0x1F40  }
0x89: {  	[sflag:s6] =	ssyncset.done $0x0;
	s12 =	simm.s32 @!p1 $0x0  }
0x8a: {  	[sflag:s6] =	ssyncadd.s32 $0xFFFFC180;
	s14 =	sadd.s32 $0x4B40, s12  }
0x8b: {  	v0 =	vld.msk [tilespmem:s14+$0x0 ss:$0x1], $0xffff;
	_ =	sdelay $0x4  }
0x8c: {  	v0 =	vmin.u32 v0, $0x4B400;
	_ =	sdelay $0x3  }
0x8d: {  	s13 =	simm.s32 $0x0;
	s12 =	sadd.s32 $0x89C0, s12;
	s14 =	sadd.s32 $0x10, s14  }
0x8e: {  	[spmem:s9] =	stream.indirect_vreg.scatter.add.s32 [tilespmem:s12], [sflag:$0x1], $0x1, v0, vm0, $0x4038;
	[tilespmem:$0xC840] =	vst v63  }
.LBB3_3:
0x8f: {  	v0 =	vld.msk [tilespmem:s14+$0x0 ss:$0x1], $0xffff;
	s13 =	sadd.s32 $0x10, s13  }
0x90: {  	p1 =	slt.u32 s13, $0x1F30;
	_ =	sdelay $0x4  }
0x91: {  	v0 =	vmin.u32 v0, $0x4B400  }
.Ltmp9:
0x92: {  	(pc) =	sbr.rel @p1 .LBB3_3-.Ltmp9, $3  }
0x93: {  	_ =	sdelay $0x1  }
0x94: {  	s14 =	sadd.s32 $0x10, s14;
	s12 =	sadd.s32 $0x10, s12  }
0x95: {  	[spmem:s9] =	stream.indirect_vreg.scatter.add.s32 [tilespmem:s12], [sflag:$0x1], $0x1, v0, vm0, $0x4038;
	[tilespmem:$0xC840] =	vst v63  }
.Ltmp10:
0x96: {  	(pc) =	sbr.rel .LBB3_5-.Ltmp10, $4  }
0x97: {  	_ = 	snop  }
0x98: {  	_ =	swait.ge [sflag:s5], $0x1F40  }
0x99: {  	[sflag:s5] =	ssyncset.done $0x0  }
0x9a: {  	[sflag:s5] =	ssyncadd.s32 $0xFFFFE0C0  }
.LBB3_6:
0x9b: {  	_ =	sfence.sel $0x180000  }
0x9c: {  	s2 =	simm.s32 $0x2;
	[bflag:$0x0] =	sbarrier.arrive $0xFFFF  }
0x9d: {  	s30 =	simm.s32 $0x1;
	[sflag:s2] =	ssyncpa.u1 $0x1  }
0x9e: {  	[sflag:s30] =	ssyncpa.u1 $0x1  }
0x9f: {  	_ =	sfence.stream.spmem  }
0xa0: {  	s31 =	simm.s32 $0x3D;
	[bflag:$0x0] =	sbarrier.arrive $0xFFFF  }
0xa1: {  	s2 =	simm.s32 @p0 $0x3D;
	[sflag:s31] =	ssyncpa.u1 $0x0  }
0xa2: {  	[sflag:s2] =	ssyncpa.u1 @p0 $0x1  }
0xa3: {  	[bflag:$0x0] =	sbarrier.arrive @p0 $0xFFFF  }
0xa4: {  	_ =	strace @p0 $0x9000004D  }
0xa5: {  	s3 =	simm.s32 @!p0 $0x1C3D;
	s2 =	simm.s32 @!p0 $0x0;
	[bflag:$0x2] =	sbarrier.arrive @p0 $0xFFFF  }
0xa6: {  	[hbm:s1], [sflag:s3] =	dma.local @!p0 [spmem:s2], $0x9680  }
0xa7: {  	s1 =	simm.s32 @!p0 $0x3D  }
0xa8: {  	_ =	swait.ge @!p0 [sflag:s1], $0x9680  }
0xa9: {  	[sflag:s1] =	ssyncset.done @!p0 $0x0  }
0xaa: {  	[sflag:s1] =	ssyncadd.s32 @!p0 $0xFFFF6980  }
0xab: {  	[sflag:s1] =	ssyncpa.u1 @!p0 $0x1  }
0xac: {  	[bflag:$0x0] =	sbarrier.arrive @!p0 $0xFFFF  }
0xad: {  	_ =	strace @!p0 $0x9000004D  }
0xae: {  	s0 =	sadd.s32 @!p0 $0x100000, s0;
	[bflag:$0x2] =	sbarrier.arrive @!p0 $0xFFFF  }
0xaf: {  	[sflag:s0] =	ssyncadd.tile.s32 @!p0 $0x1;
	_ =	shalt  }
.Lfunc_end3:
_tile_overlayer_lowered:
.L_overlay_start_3:
0xb0: {  	(tag) =	ssettag $0x3  }
0xb1: {  	s0 =	rddreg [dreg:$0x0];
	s2 =	stileid.u32  }
0xb2: {  	s1 =	rddreg [dreg:$0x1];
	p0 =	sne.s32 s2, $0x0  }
0xb3: {  	s3 =	rddreg [dreg:$0x2];
	[bflag:$0x3] =	sbarrier.arrive $0xFFFF;
	s2 =	simm.s32 @!p0 $0x1C01  }
0xb4: {  	[timem:s3], [sflag:s2] =	dma.local @!p0 [hbm:s0], s1  }
0xb5: {  	s0 =	simm.s32 @!p0 $0x1  }
0xb6: {  	_ =	swait.ge @!p0 [sflag:s0], s1  }
0xb7: {  	s1 =	ssub.s32 @!p0 $0x0, s1;
	[sflag:s0] =	ssyncset.done @!p0 $0x0  }
0xb8: {  	[sflag:s0] =	ssyncadd.s32 @!p0 s1  }
0xb9: {  	[bflag:$0x3] =	sbarrier.arrive $0xFFFF  }
0xba: {  	_ =	shalt  }

// kernel: scatter_offload_async_start
scs
__scs_entry_jumppad:
0x0: {  	(pc) =	sbr.rel $0x88, $3  }
0x1: {  	(tag) =	ssettag $0x0;
	lr =	simm.s32 $0x1  }
0x2: {  	[smem:$0x3FA0] =	sst lr;
	_ =	strace $0xD0000000  }
0x3: {  	_ = 	snop  }
0x4: {  	_ = 	snop  }
0x5: {  	_ = 	snop  }
0x6: {  	_ = 	snop  }
0x7: {  	_ = 	snop  }
__scs_overlays_trampoline_lowered:
0x8: {  	[smem:$0x3FAF] =	sst s0  }
0x9: {  	[smem:$0x3FB0] =	sst s1  }
0xa: {  	[smem:$0x3FB1] =	sst s2  }
0xb: {  	[smem:$0x3FB2] =	sst s3  }
0xc: {  	[smem:$0x3FB3] =	sst s4  }
0xd: {  	[smem:$0x3FB4] =	sst s5  }
0xe: {  	[smem:$0x3FB5] =	sst s6  }
0xf: {  	[smem:$0x3FB6] =	sst s7  }
0x10: {  	[smem:$0x3FB7] =	sst s8  }
0x11: {  	[smem:$0x3FB8] =	sst s9;
	s0 =	simm.s32 @!p0 $0x0  }
0x12: {  	s1 =	sld [smem:$0x3F9E];
	s0 =	simm.s32 @p0 $0x1  }
0x13: {  	[smem:$0x3FB9] =	sst s0;
	s0 =	simm.s32 @!p1 $0x0  }
0x14: {  	s2 =	sld [smem:$0x3F9D];
	s0 =	simm.s32 @p1 $0x1  }
0x15: {  	[smem:$0x3FBA] =	sst s0;
	s0 =	simm.s32 @!p2 $0x0  }
0x16: {  	s3 =	sld [smem:$0x3FDB];
	s0 =	simm.s32 @p2 $0x1  }
0x17: {  	s4 =	simm.s32 $0x1BF5;
	[smem:$0x3FBC] =	sst s0  }
0x18: {  	s0 =	sld [smem:$0x3F9F];
	_ =	swait.ge [sflag:s4], $0x0  }
0x19: {  	s7 =	sld [smem:$0x3FA0]  }
0x1a: {  	s8 =	sadd.s32 $0xFFFFE003, lr  }
0x1b: {  	s9 =	sadd.s32 $0xFFFFFEF7, lr;
	s5 =	simm.s32 $0xFFFFFFFF;
	p2 =	slt.u32 s8, $0xFFFFF086  }
0x1c: {  	p1 =	slt.u32 s9, $0xF7A;
	s5 =	simm.s32 @!p2 $0x0  }
0x1d: {  	s5 =	simm.s32 @p1 $0x1;
	p0 =	seq.s32 s7, s2  }
0x1e: {  	s7 =	smul.u32 @!p0 $0xF7A, s2;
	p2 =	seq.s32 @!p0 s5, $0x0  }
0x1f: {  	s9 =	smul.u32 $0xF7A, s1;
	s8 =	simm.s32 @!p0 $0x1BF5;
	p2 =	por !p2, p0  }
0x20: {  	[sflag:s8] =	ssyncset.s32 @!p0 $0xFFFFF086;
	s6 =	sadd.s32 @!p0 s3, s7;
	s7 =	simm.s32 @!p0 $0x108  }
0x21: {  	s3 =	sadd.s32 s3, s9;
	s6 =	sadd.s32 @!p0 $0x88, s6;
	s7 =	simm.s32 @p2 $0x1082  }
0x22: {  	[simem:s7], [sflag:s8] =	dma.local @!p0 [hbm:s6], $0xF7A  }
0x23: {  	s9 =	sor.u32 $0xD0000000, s2;
	s6 =	simm.s32 $0x108;
	_ =	swait.ge @!p0 [sflag:s8], $0x0  }
0x24: {  	s3 =	sadd.s32 $0x88, s3;
	s6 =	simm.s32 @!p1 $0x1082;
	[sflag:s4] =	ssyncset.s32 $0xFFFFF086  }
0x25: {  	[simem:s6], [sflag:s4] =	dma.local [hbm:s3], $0xF7A  }
0x26: {  	[smem:$0x3FA0] =	sst s1;
	(tag) =	ssettag s2;
	_ =	strace s9  }
0x27: {  	s1 =	sld [smem:$0x3FB0]  }
0x28: {  	s2 =	sld [smem:$0x3FB1]  }
0x29: {  	s4 =	sld [smem:$0x3FB3]  }
0x2a: {  	p0 =	seq.s32 s5, $0x0;
	s5 =	sld [smem:$0x3FB4]  }
0x2b: {  	s6 =	sld [smem:$0x3FB5]  }
0x2c: {  	s7 =	sld [smem:$0x3FB6]  }
0x2d: {  	s3 =	simm.s32 $0x108;
	s8 =	sld [smem:$0x3FB7]  }
0x2e: {  	s3 =	simm.s32 @!p0 $0x1082;
	s9 =	sld [smem:$0x3FB8]  }
0x2f: {  	lr =	sadd.s32 s0, s3;
	s0 =	sld [smem:$0x3FAF]  }
0x30: {  	s3 =	sld [smem:$0x3FB2]  }
0x31: {  	[smem:$0x3FBB] =	sst s10  }
0x32: {  	s10 =	sld [smem:$0x3FB9];
	_ =	sdelay $0x3  }
0x33: {  	p0 =	seq.s32 s10, $0x1;
	s10 =	sld [smem:$0x3FBB];
	_ =	sdelay $0x3  }
0x34: {  	[smem:$0x3FBB] =	sst s10  }
0x35: {  	s10 =	sld [smem:$0x3FBA];
	_ =	sdelay $0x3  }
0x36: {  	p1 =	seq.s32 s10, $0x1;
	s10 =	sld [smem:$0x3FBB];
	_ =	sdelay $0x3  }
0x37: {  	[smem:$0x3FBB] =	sst s10  }
0x38: {  	s10 =	sld [smem:$0x3FBC]  }
0x39: {  	_ = 	snop;
	(pc) =	sbr.ind lr, $3  }
0x3a: {  	_ = 	snop  }
0x3b: {  	_ = 	snop  }
0x3c: {  	p2 =	seq.s32 s10, $0x1;
	s10 =	sld [smem:$0x3FBB]  }
0x3d: {  	_ =	shalt  }
0x3e: {  	_ =	shalt  }
0x3f: {  	_ =	shalt  }
0x40: {  	_ =	shalt  }
0x41: {  	_ =	shalt  }
0x42: {  	_ =	shalt  }
0x43: {  	_ =	shalt  }
0x44: {  	_ =	shalt  }
0x45: {  	_ =	shalt  }
0x46: {  	_ =	shalt  }
0x47: {  	_ =	shalt  }
0x48: {  	_ =	shalt  }
0x49: {  	_ =	shalt  }
0x4a: {  	_ =	shalt  }
0x4b: {  	_ =	shalt  }
0x4c: {  	_ =	shalt  }
0x4d: {  	_ =	shalt  }
0x4e: {  	_ =	shalt  }
0x4f: {  	_ =	shalt  }
0x50: {  	_ =	shalt  }
0x51: {  	_ =	shalt  }
0x52: {  	_ =	shalt  }
0x53: {  	_ =	shalt  }
0x54: {  	_ =	shalt  }
0x55: {  	_ =	shalt  }
0x56: {  	_ =	shalt  }
0x57: {  	_ =	shalt  }
0x58: {  	_ =	shalt  }
0x59: {  	_ =	shalt  }
0x5a: {  	_ =	shalt  }
0x5b: {  	_ =	shalt  }
0x5c: {  	_ =	shalt  }
0x5d: {  	_ =	shalt  }
0x5e: {  	_ =	shalt  }
0x5f: {  	_ =	shalt  }
0x60: {  	_ =	shalt  }
0x61: {  	_ =	shalt  }
0x62: {  	_ =	shalt  }
0x63: {  	_ =	shalt  }
0x64: {  	_ =	shalt  }
0x65: {  	_ =	shalt  }
0x66: {  	_ =	shalt  }
0x67: {  	_ =	shalt  }
0x68: {  	_ =	shalt  }
0x69: {  	_ =	shalt  }
0x6a: {  	_ =	shalt  }
0x6b: {  	_ =	shalt  }
0x6c: {  	_ =	shalt  }
0x6d: {  	_ =	shalt  }
0x6e: {  	_ =	shalt  }
0x6f: {  	_ =	shalt  }
0x70: {  	_ =	shalt  }
0x71: {  	_ =	shalt  }
0x72: {  	_ =	shalt  }
0x73: {  	_ =	shalt  }
0x74: {  	_ =	shalt  }
0x75: {  	_ =	shalt  }
0x76: {  	_ =	shalt  }
0x77: {  	_ =	shalt  }
0x78: {  	_ =	shalt  }
0x79: {  	_ =	shalt  }
0x7a: {  	_ =	shalt  }
0x7b: {  	_ =	shalt  }
0x7c: {  	_ =	shalt  }
0x7d: {  	_ =	shalt  }
0x7e: {  	_ =	shalt  }
0x7f: {  	_ =	shalt  }
0x80: {  	_ =	shalt  }
0x81: {  	_ =	shalt  }
0x82: {  	_ =	shalt  }
0x83: {  	_ =	shalt  }
0x84: {  	_ =	shalt  }
0x85: {  	_ =	shalt  }
0x86: {  	_ =	shalt  }
0x87: {  	_ =	shalt  }
.Lfunc_end0:
.L_simem_size_0:
called_computation_lowered:
.L_overlay_start_0:
0x88: {  	s0 =	sld [smem:$0x3FD9]  }
0x89: {  	s1 =	sld [smem:$0x3FFE];
	_ =	sdelay $0x3  }
0x8a: {  	s0 =	sadd.s32 s1, s0  }
0x8b: {  	[smem:$0x3FC7] =	sst s0  }
0x8c: {  	_ = 	snop  }
0x8d: {  	s0 =	sld [smem:$0x3FD0];
	_ =	sdelay $0x2  }
0x8e: {  	s13 =	simm.s32 $0xF;
	s2 =	simm.s32 $0x10  }
0x8f: {  	[smem:s2], [sflag:s13] =	dma.local [hbm:s0], $0x1  }
0x90: {  	_ =	swait.eq [sflag:s13], $0x1  }
0x91: {  	[sflag:s13] =	ssyncset.done $0x0  }
0x92: {  	[sflag:s13] =	ssyncadd.s32 $0xFFFFFFFF  }
0x93: {  	s14 =	sld [smem:$0x11];
	(tm) =	ssettm $0x1  }
0x94: {  	s15 =	sld [smem:$0x3FFB];
	_ =	sdelay $0x3  }
0x95: {  	_ =	strace s15  }
0x96: {  	s1 =	sld [smem:$0x3FFC];
	_ =	sdelay $0x3  }
0x97: {  	_ =	strace s1  }
0x98: {  	s1 =	sld [smem:$0x3FFD];
	_ =	sdelay $0x3  }
0x99: {  	_ =	strace s1  }
0x9a: {  	_ =	strace $0x8FFFFFFF  }
0x9b: {  	s16 =	sld [smem:$0x3FDB];
	_ =	sdelay $0x1  }
0x9c: {  	s17 =	simm.s32 $_scs_section_size  }
0x9d: {  	s3 =	simm.s32 $_size__tile_overlayer_lowered;
	s4 =	simm.s32 $_tile_overlayer_lowered  }
0x9e: {  	s20 =	simm.s32 $0x1BFF;
	s19 =	sshll.u32 s4, $0x1;
	s1 =	sadd.s32 s17, s16  }
0x9f: {  	s5 =	simm.s32 $0x0;
	s18 =	sshll.u32 s3, $0x1;
	s3 =	sadd.s32 s19, s1  }
0xa0: {  	[timem:s5], [sflag:s20] =	dma.local [hbm:s3], s18  }
0xa1: {  	_ =	swait.ge [sflag:s20], s18  }
0xa2: {  	s2 =	ssub.s32 $0x0, s18;
	[sflag:s20] =	ssyncset.done $0x0  }
0xa3: {  	[sflag:s20] =	ssyncadd.s32 s2;
	_ =	sdelay $0x1  }
0xa4: {  	s21 =	simm.s32 $0x1B8B  }
0xa5: {  	_ =	swait.ge [sflag:s21], $0x1  }
0xa6: {  	[sflag:s21] =	ssyncset.done $0x0  }
0xa7: {  	s23 =	simm.s32 $0x1B8E;
	s22 =	sld [smem:$0x3FFE];
	[sflag:s21] =	ssyncadd.s32 $0xFFFFFFFF  }
0xa8: {  	s24 =	simm.s32 $execute0_lowered;
	[smem:$0x3FD2] =	sst s23  }
0xa9: {  	s3 =	sshll.u32 s24, $0x1;
	_ =	strace $0x80000046;
	[dreg:$0x1] =	wrdreg $0xFFFFFFFF  }
0xaa: {  	s25 =	simm.s32 $_size_execute0_lowered;
	s1 =	sadd.s32 s1, s3;
	[dreg:$0x0] =	wrdreg $0x0  }
0xab: {  	s3 =	sshll.u32 s25, $0x1;
	[dreg:$0x2] =	wrdreg s1  }
0xac: {  	[dreg:$0x3] =	wrdreg s3  }
0xad: {  	[dreg:$0x4] =	wrdreg $0xC0  }
0xae: {  	_ =	task [dreg:s5], $0x5FFFF  }
0xaf: {  	[dreg:$0x1] =	wrdreg $0xFFFFFFFF  }
0xb0: {  	[dreg:$0x0] =	wrdreg $0x60  }
0xb1: {  	[dreg:$0x2] =	wrdreg s22  }
0xb2: {  	[dreg:$0x3] =	wrdreg s14  }
0xb3: {  	[dreg:$0x4] =	wrdreg $0x9  }
0xb4: {  	_ =	task.clear_ibuf [dreg:s5], $0x5FFFF;
	_ =	strace $0x90000046  }
0xb5: {  	s26 =	simm.s32 $0x9;
	_ =	strace $0x80000048  }
0xb6: {  	_ =	swait.ge [sflag:s26], $0x1  }
0xb7: {  	[sflag:s26] =	ssyncadd.s32 $0xFFFFFFFF  }
0xb8: {  	_ =	strace $0x90000048  }
0xb9: {  	_ =	sfence  }
0xba: {  	s28 =	sld [smem:$0x0];
	_ =	sdelay $0x1  }
0xbb: {  	s29 =	srdreg.scid  }
0xbc: {  	s30 =	sshll.u32 s29, $0xD;
	s31 =	sshrl.u32 s29, $0x2  }
0xbd: {  	s2 =	sand.u32 $0x4000, s30;
	s1 =	sand.u32 $0x1, s29;
	s0 =	sadd.s32 s31, s28  }
0xbe: {  	s1 =	sor.u32 s2, s1;
	s0 =	sshll.u32 s0, $0x11  }
0xbf: {  	s0 =	sor.u32 s0, s1  }
0xc0: {  	s0 =	sadd.s32 $0x8F2B, s0  }
0xc1: {  	[sflag:s0] =	ssyncadd.remote.s32 $0x1  }
0xc2: {  	_ =	sfence.sel $0xFFFF  }
0xc3: {  	[dreg:$0x0] =	wrdreg $0xFFFFFFFF;
	(pc) =	sbr.abs _section_cstart, $3  }
0xc4: {  	[dreg:$0x1] =	wrdreg $0xFFFFFFFF  }
0xc5: {  	_ =	task.clear_ibuf [dreg:s5], $0x2FFFF;
	_ =	strace $0x9FFFFFFF  }
0xc6: {  	(tm) =	ssettm $0x7FFFFFFF  }
0xc7: {  	_ =	shalt  }
tec
execute0_lowered:
.L_overlay_start_1:
0x0: {  	(tag) =	ssettag $0x1  }
0x1: {  	s7 =	rddreg [dreg:$0x0]  }
0x2: {  	s2 =	rddreg [dreg:$0x1]  }
0x3: {  	s0 =	rddreg [dreg:$0x2];
	_ =	strace $0x80000047  }
0x4: {  	s4 =	stileid.u32;
	s5 =	simm.s32 $0x3E;
	s1 =	sadd.s32 $0x31000, s7  }
0x5: {  	p0 =	sne.s32 s4, $0x0;
	[sflag:s5] =	ssyncpa.u1 $0x0;
	s29 =	smul.u32 $0x3, s4  }
0x6: {  	s30 =	smin.u32 s4, $0x2;
	s3 =	simm.s32 @!p0 $0x1C3E;
	s6 =	simm.s32 @!p0 $0x0  }
0x7: {  	[spmem:s6], [sflag:s3] =	dma.local @!p0 [hbm:s1], $0x2EE80  }
0x8: {  	s3 =	sadd.s32 s30, s29  }
0x9: {  	p1 =	slt.u32 s4, $0x2;
	s4 =	simm.s32 $0x7D00;
	s3 =	smul.u32 $0x1F40, s3  }
0xa: {  	s4 =	simm.s32 @!p1 $0x5DC0  }
0xb: {  	s4 =	sadd.s32 s4, s3  }
0xc: {  	s4 =	smin.u32 s4, $0x61A80  }
0xd: {  	s8 =	ssub.s32 s4, s3  }
0xe: {  	p1 =	sgt.s32 s8, $0x0  }
0xf: {  	s8 =	simm.s32 @!p1 $0x0  }
0x10: {  	s6 =	simm.s32 @!p0 $0x3E;
	s31 =	smulhi.u32 $0x10624DD3, s8  }
0x11: {  	_ =	swait.ge @!p0 [sflag:s6], $0x2EE80  }
0x12: {  	[sflag:s6] =	ssyncset.done @!p0 $0x0;
	s9 =	sshrl.u32 s31, $0x9  }
0x13: {  	s11 =	simm.s32 $0x0;
	[sflag:s6] =	ssyncadd.s32 @!p0 $0xFFFD1180;
	s10 =	smul.u32 $0x1F40, s9  }
.Ltmp0:
0x14: {  	s7 =	sadd.s32 $0x18800, s7;
	[bflag:$0x0] =	sbarrier.arrive $0xFFFF;
	(pc) =	sbr.rel .LBB2_1-.Ltmp0, $4  }
0x15: {  	s6 =	simm.s32 $0x2;
	[sflag:s5] =	ssyncpa.u1 $0x1;
	s5 =	simm.s32 $0x1  }
0x16: {  	[sflag:s5] =	ssyncpa.u1 $0x0;
	p1 =	sne.s32 s8, s10;
	s8 =	simm.s32 $0x1  }
0x17: {  	(ifvalue) =	ssetifvalue $0x177400;
	[sflag:s6] =	ssyncpa.u1 $0x0;
	s8 =	simm.s32 @!p1 $0x0  }
0x18: {  	vm0 =	vmmov $0xffff;
	s10 =	smov.u32 s3;
	s8 =	sadd.s32 s8, s9;
	s9 =	simm.s32 $0x0  }
.LBB2_5:
0x19: {  	p2 =	sne.s32 s11, s8  }
.Ltmp1:
0x1a: {  	_ = 	snop;
	(pc) =	sbr.rel @!p2 .LBB2_6-.Ltmp1, $4  }
0x1b: {  	_ = 	snop  }
0x1c: {  	s12 =	sadd.s32 $0x1F40, s10  }
0x1d: {  	s10 =	smov.u32 s3;
	s13 =	sadd.s32 $0x1, s11;
	p1 =	slt.s32 s12, s4  }
0x1e: {  	s11 =	smov.u32 s13;
	s10 =	smov.u32 @p1 s12  }
.LBB2_1:
0x1f: {  	p1 =	sge.u32 s11, s8  }
0x20: {  	s12 =	sxor.u32 @!p1 $0xFFFFFFFF, s11  }
0x21: {  	s12 =	sand.u32 @!p1 $0x1, s12  }
0x22: {  	s12 =	smul.u32 @!p1 $0x1F40, s12  }
0x23: {  	s13 =	sshrl.u32 @!p1 s10, $0x3  }
0x24: {  	s16 =	sand.u32 @!p1 $0x7, s10;
	s14 =	sadd.s32 @!p1 s7, s13;
	s15 =	sadd.s32 @!p1 $0x17740, s12  }
0x25: {  	[tilespmem:s15], [sflag:$0x2] =	stream.linear.gather @!p1 [hbm4b:s14+s16], $0x1F40, $0x38;
	[tilespmem:$0x1F440] =	vst v63  }
0x26: {  	s13 =	sadd.s32 @!p1 s2, s13;
	s12 =	sadd.s32 @!p1 $0x1B5C0, s12  }
0x27: {  	[tilespmem:s12], [sflag:$0x2] =	stream.linear.gather @!p1 [hbm4b:s13+s16], $0x1F40, $0x38;
	[tilespmem:$0x1F440] =	vst v63  }
0x28: {  	p1 =	seq.s32 s11, $0x0  }
.Ltmp2:
0x29: {  	_ = 	snop;
	(pc) =	sbr.rel @p1 .LBB2_5-.Ltmp2, $1  }
0x2a: {  	_ =	sdelay $0x3  }
0x2b: {  	s12 =	sand.u32 $0x1, s11  }
0x2c: {  	_ =	swait.ge [sflag:s6], $0x3E80;
	p1 =	seq.s32 s12, $0x1;
	s12 =	simm.s32 $0x1F40  }
0x2d: {  	[sflag:s6] =	ssyncset.done $0x0;
	s12 =	simm.s32 @!p1 $0x0  }
0x2e: {  	[sflag:s6] =	ssyncadd.s32 $0xFFFFC180;
	s14 =	sadd.s32 $0x17740, s12  }
0x2f: {  	v0 =	vld.msk [tilespmem:s14+$0x0 ss:$0x1], $0xffff;
	_ =	sdelay $0x4  }
0x30: {  	v0 =	vmin.u32 v0, $0x177400;
	_ =	sdelay $0x3  }
0x31: {  	s13 =	simm.s32 $0x0;
	s12 =	sadd.s32 $0x1B5C0, s12;
	s14 =	sadd.s32 $0x10, s14  }
0x32: {  	[spmem:s9] =	stream.indirect_vreg.scatter.add.s32 [tilespmem:s12], [sflag:$0x1], $0x1, v0, vm0, $0x4038;
	[tilespmem:$0x1F440] =	vst v63  }
.LBB2_3:
0x33: {  	v0 =	vld.msk [tilespmem:s14+$0x0 ss:$0x1], $0xffff;
	s13 =	sadd.s32 $0x10, s13  }
0x34: {  	p1 =	slt.u32 s13, $0x1F30;
	_ =	sdelay $0x4  }
0x35: {  	v0 =	vmin.u32 v0, $0x177400  }
.Ltmp3:
0x36: {  	(pc) =	sbr.rel @p1 .LBB2_3-.Ltmp3, $3  }
0x37: {  	_ =	sdelay $0x1  }
0x38: {  	s14 =	sadd.s32 $0x10, s14;
	s12 =	sadd.s32 $0x10, s12  }
0x39: {  	[spmem:s9] =	stream.indirect_vreg.scatter.add.s32 [tilespmem:s12], [sflag:$0x1], $0x1, v0, vm0, $0x4038;
	[tilespmem:$0x1F440] =	vst v63  }
.Ltmp4:
0x3a: {  	(pc) =	sbr.rel .LBB2_5-.Ltmp4, $4  }
0x3b: {  	_ = 	snop  }
0x3c: {  	_ =	swait.ge [sflag:s5], $0x1F40  }
0x3d: {  	[sflag:s5] =	ssyncset.done $0x0  }
0x3e: {  	[sflag:s5] =	ssyncadd.s32 $0xFFFFE0C0  }
.LBB2_6:
0x3f: {  	_ =	sfence.sel $0x180000  }
0x40: {  	s2 =	simm.s32 $0x2;
	[bflag:$0x0] =	sbarrier.arrive $0xFFFF  }
0x41: {  	s30 =	simm.s32 $0x1;
	[sflag:s2] =	ssyncpa.u1 $0x1  }
0x42: {  	[sflag:s30] =	ssyncpa.u1 $0x1  }
0x43: {  	_ =	sfence.stream.spmem  }
0x44: {  	s31 =	simm.s32 $0x3D;
	[bflag:$0x0] =	sbarrier.arrive $0xFFFF  }
0x45: {  	s2 =	simm.s32 @p0 $0x3D;
	[sflag:s31] =	ssyncpa.u1 $0x0  }
0x46: {  	[sflag:s2] =	ssyncpa.u1 @p0 $0x1  }
0x47: {  	[bflag:$0x0] =	sbarrier.arrive @p0 $0xFFFF  }
0x48: {  	_ =	strace @p0 $0x90000047  }
0x49: {  	s3 =	simm.s32 @!p0 $0x1C3D;
	s2 =	simm.s32 @!p0 $0x0;
	[bflag:$0x2] =	sbarrier.arrive @p0 $0xFFFF  }
0x4a: {  	[hbm:s1], [sflag:s3] =	dma.local @!p0 [spmem:s2], $0x2EE80  }
0x4b: {  	s1 =	simm.s32 @!p0 $0x3D  }
0x4c: {  	_ =	swait.ge @!p0 [sflag:s1], $0x2EE80  }
0x4d: {  	[sflag:s1] =	ssyncset.done @!p0 $0x0  }
0x4e: {  	[sflag:s1] =	ssyncadd.s32 @!p0 $0xFFFD1180  }
0x4f: {  	[sflag:s1] =	ssyncpa.u1 @!p0 $0x1  }
0x50: {  	[bflag:$0x0] =	sbarrier.arrive @!p0 $0xFFFF  }
0x51: {  	_ =	strace @!p0 $0x90000047  }
0x52: {  	s0 =	sadd.s32 @!p0 $0x100000, s0;
	[bflag:$0x2] =	sbarrier.arrive @!p0 $0xFFFF  }
0x53: {  	[sflag:s0] =	ssyncadd.tile.s32 @!p0 $0x1;
	_ =	shalt  }
.Lfunc_end2:
_tile_overlayer_lowered:
.L_overlay_start_2:
0x54: {  	(tag) =	ssettag $0x2  }
0x55: {  	s0 =	rddreg [dreg:$0x0];
	s2 =	stileid.u32  }
0x56: {  	s1 =	rddreg [dreg:$0x1];
	p0 =	sne.s32 s2, $0x0  }
0x57: {  	s3 =	rddreg [dreg:$0x2];
	[bflag:$0x3] =	sbarrier.arrive $0xFFFF;
	s2 =	simm.s32 @!p0 $0x1C01  }
0x58: {  	[timem:s3], [sflag:s2] =	dma.local @!p0 [hbm:s0], s1  }
0x59: {  	s0 =	simm.s32 @!p0 $0x1  }
0x5a: {  	_ =	swait.ge @!p0 [sflag:s0], s1  }
0x5b: {  	s1 =	ssub.s32 @!p0 $0x0, s1;
	[sflag:s0] =	ssyncset.done @!p0 $0x0  }
0x5c: {  	[sflag:s0] =	ssyncadd.s32 @!p0 s1  }
0x5d: {  	[bflag:$0x3] =	sbarrier.arrive $0xFFFF  }
0x5e: {  	_ =	shalt  }

</sc_bundles>
